<compile_context>
chip_gen: v7x
topology: tpu7x:2x2x1
jax: 0.10.2.dev20260603
libtpu: 0.0.44.dev20260713+nightly
codegen_flags: <defaults>
</compile_context>

<pallas_src>
import functools

import jax
import jax.numpy as jnp
from jax import lax
from jax.experimental import pallas as pl
from jax.experimental.pallas import tpu as pltpu
from jax.experimental.pallas import tpu_sc as plsc

_N = 10000
_D = 128
_E = 320000
_NP = 10240
_KT = _NP // _D
_SLAB = _NP * _D

_NW = 32
_CH = 159
_C = _CH * 128
_TOT = _NW * _C

_sc_mesh = plsc.VectorSubcoreMesh(core_axis_name="c", subcore_axis_name="s")


@functools.partial(
    pl.kernel,
    out_type=(),
    mesh=_sc_mesh,
    scratch_types=[
        pltpu.VMEM((_C,), jnp.int32),
        pltpu.VMEM((_C,), jnp.int32),
        pltpu.VMEM((_C,), jnp.int32),
        pltpu.VMEM((_C,), jnp.float32),
        pltpu.SemaphoreType.DMA,
    ],
)
def _scatter_adj(src_hbm, dst_hbm, a_hbm, src_v, dst_v, idx_v, ones_v, sem):
    w = lax.axis_index("s") * 2 + lax.axis_index("c")
    pltpu.sync_copy(src_hbm.at[w], src_v)
    pltpu.sync_copy(dst_hbm.at[w], dst_v)

    def jbody(j, carry):
        sl = pl.ds(16 * j, 16)
        idx_v[sl] = src_v[sl] * _NP + dst_v[sl]
        ones_v[sl] = jnp.ones((16,), jnp.float32)
        return carry

    lax.fori_loop(0, _C // 16, jbody, 0, unroll=8)

    pltpu.async_copy(ones_v, a_hbm.at[idx_v], sem).wait()


_BM = 256


def _make_layer(relu):
    def body(a_ref, x_ref, wt_ref, b_ref, o_ref):
        accd = jnp.zeros((_BM, 2 * _D), jnp.float32)
        for k in range(_KT):
            accd += jnp.dot(a_ref[:, k, :], x_ref[k],
                            preferred_element_type=jnp.float32)
        acc = accd[:, :_D]
        deg = jnp.maximum(accd[:, _D:_D + 1], 0.5)
        y = jnp.dot(acc / deg, wt_ref[...], preferred_element_type=jnp.float32)
        y = y + b_ref[...]
        if relu:
            y = jnp.maximum(y, 0.0)
        o_ref[...] = y

    return pl.pallas_call(
        body,
        grid=(_NP // _BM,),
        in_specs=[
            pl.BlockSpec((_BM, _KT, _D), lambda i: (i, 0, 0)),
            pl.BlockSpec((_KT, _D, 2 * _D), lambda i: (0, 0, 0)),
            pl.BlockSpec((_D, _D), lambda i: (0, 0)),
            pl.BlockSpec((1, _D), lambda i: (0, 0)),
        ],
        out_specs=pl.BlockSpec((_BM, _D), lambda i: (i, 0)),
        out_shape=jax.ShapeDtypeStruct((_NP, _D), jnp.float32),
    )


_layer_relu = _make_layer(True)
_layer_lin = _make_layer(False)


def kernel(edges, graph_embedding, W1, b1, W2, b2):
    src = edges[:, 0]
    dst = edges[:, 1]
    ar = jnp.arange(_N, dtype=jnp.int32)
    pad = _TOT - (2 * _E + _N)
    zpad = jnp.zeros((pad,), jnp.int32)
    s_all = jnp.concatenate([src, dst, ar, zpad]).reshape(_NW, _C)
    d_all = jnp.concatenate([dst, src, ar, zpad]).reshape(_NW, _C)

    a_ref = jax.new_ref(jnp.zeros((_KT * _SLAB,), jnp.float32))
    _scatter_adj(s_all, d_all, a_ref)
    adj3 = a_ref[...].reshape(_NP, _KT, _D)

    x0 = jnp.zeros((_NP, _D), jnp.float32).at[:_N].set(graph_embedding)

    def aug(x):
        x3 = x.reshape(_KT, _D, _D)
        extra = jnp.zeros((_KT, _D, _D), jnp.float32).at[:, :, 0].set(1.0)
        return jnp.concatenate([x3, extra], axis=2)

    h1 = _layer_relu(adj3, aug(x0), W1.T, b1.reshape(1, _D))
    h2 = _layer_lin(adj3, aug(h1), W2.T, b2.reshape(1, _D))
    return h2[:_N]

# --- scband reference (transcript-rebuilt; emitter-appended) ---
"""Pipeline reference for scband-multi-layer-gcn-26620207300626 (READ-ONLY COPY).

The authoritative reference and input builder live on the scoring server;
editing this copy changes nothing except your own understanding.
"""

import jax, jax.numpy as jnp
import numpy as np

N = 10000
D_IN = 128
D_OUT = 128
E = 320000


def _build_adj(edges):
    # edges: [E, 2] (src, dst). Symmetrize, add self loops, coalesce+clamp -> binary adjacency.
    e2 = jnp.concatenate([edges, edges[:, ::-1]], axis=0)
    loops = jnp.stack([jnp.arange(N, dtype=edges.dtype), jnp.arange(N, dtype=edges.dtype)], axis=1)
    all_e = jnp.concatenate([e2, loops], axis=0)
    keys = all_e[:, 0].astype(jnp.int64) * N + all_e[:, 1].astype(jnp.int64)
    # coalesce + clamp_max(values, 1) == deduplicate (i, j) pairs with value 1
    keys = jnp.sort(keys)
    first = jnp.concatenate([jnp.ones((1,), dtype=bool), keys[1:] != keys[:-1]])
    w = first.astype(jnp.float32)
    row = (keys // N).astype(jnp.int32)
    col = (keys % N).astype(jnp.int32)
    deg = jax.ops.segment_sum(w, row, num_segments=N).reshape(-1, 1)
    return row, col, w, deg


def setup_inputs(seed: int = 0):
    key = jax.random.key(seed)
    ks = jax.random.split(key, 6)
    edges = jax.random.randint(ks[0], (E, 2), 0, N, dtype=jnp.int32)
    graph_embedding = jax.random.normal(ks[1], (N, D_IN), dtype=jnp.float32)
    lim1 = (6.0 / (D_IN + D_OUT)) ** 0.5
    lim2 = (6.0 / (D_OUT + D_OUT)) ** 0.5
    W1 = jax.random.uniform(ks[2], (D_OUT, D_IN), minval=-lim1, maxval=lim1, dtype=jnp.float32)
    b1 = jnp.zeros((D_OUT,), dtype=jnp.float32)
    W2 = jax.random.uniform(ks[3], (D_OUT, D_OUT), minval=-lim2, maxval=lim2, dtype=jnp.float32)
    b2 = jnp.zeros((D_OUT,), dtype=jnp.float32)
    return {"edges": edges, "graph_embedding": graph_embedding, "W1": W1, "b1": b1, "W2": W2, "b2": b2}


def reference(edges, graph_embedding, W1, b1, W2, b2):
    row, col, w, deg = _build_adj(edges)
    h = graph_embedding
    # layer 1: GraphConvolution with ReLU (dropout_rate=0.0 -> identity)
    agg = jax.ops.segment_sum(h[col] * w[:, None], row, num_segments=N) / deg
    h = jax.nn.relu(agg @ W1.T + b1)
    # layer 2: GraphConvolution with identity activation
    agg = jax.ops.segment_sum(h[col] * w[:, None], row, num_segments=N) / deg
    h = agg @ W2.T + b2
    return h

if __name__ == "__main__":
    import jax
    _d = setup_inputs()
    print(jax.jit(kernel)(*tuple(_d.values())))

</pallas_src>

<mosaic_0001>
#map = affine_map<(d0, d1) -> (0, 0)>
#map1 = affine_map<(d0, d1) -> (0)>
module attributes {stable_mosaic.version = 14 : i64} {
  func.func @new_body(%arg0: i32, %arg1: i32, %arg2: memref<32x20352xi32, #tpu.memory_space<hbm>>, %arg3: memref<32x20352xi32, #tpu.memory_space<hbm>>, %arg4: memref<104857600xf32, #tpu.memory_space<hbm>>, %arg5: memref<104857600xf32, #tpu.memory_space<hbm>>, %arg6: memref<20352xi32, #tpu.memory_space<vmem>>, %arg7: memref<20352xi32, #tpu.memory_space<vmem>>, %arg8: memref<20352xi32, #tpu.memory_space<vmem>>, %arg9: memref<20352xf32, #tpu.memory_space<vmem>>, %arg10: memref<!tpu.dma_semaphore, #tpu.memory_space<semaphore_mem>>) attributes {dimension_semantics = [#tpu.dimension_semantics<core_parallel>, #tpu.dimension_semantics<subcore_parallel>], iteration_bounds = array<i64: 2, 16>, scalar_prefetch = 0 : i64, scratch_operands = 5 : i64, tpu.core_type = #tpu.core_type<sc_vector_subcore>, window_params = [{transform_indices = #map}, {transform_indices = #map}, {transform_indices = #map1}, {transform_indices = #map1}]} {
    %mul3A = arith.constant 2 : i32
    %mul3A_0 = arith.muli %arg1, %mul3A : i32
    %add3A = arith.addi %mul3A_0, %arg0 : i32
    "tpu.region"() ({
      %run_scoped3A = tpu.sem_alloc : memref<!tpu.dma_semaphore, #tpu.memory_space<semaphore_mem>>
      %dma_start3A_8 = arith.constant 0 : i32
      %dma_start3A_9 = tpu.memref_slice %arg2[%add3A, %dma_start3A_8] : memref<32x20352xi32, #tpu.memory_space<hbm>> -> memref<1x20352xi32, #tpu.memory_space<hbm>>
      %dma_start3A_10 = tpu.memref_squeeze %dma_start3A_9 : memref<1x20352xi32, #tpu.memory_space<hbm>> -> memref<20352xi32, #tpu.memory_space<hbm>>
      %dma_start3A_11 = arith.constant 0 : i32
      %dma_start3A_12 = tpu.memref_slice %arg2[%add3A, %dma_start3A_11] : memref<32x20352xi32, #tpu.memory_space<hbm>> -> memref<1x20352xi32, #tpu.memory_space<hbm>>
      %dma_start3A_13 = tpu.memref_squeeze %dma_start3A_12 : memref<1x20352xi32, #tpu.memory_space<hbm>> -> memref<20352xi32, #tpu.memory_space<hbm>>
      tpu.enqueue_dma source(%dma_start3A_13 : memref<20352xi32, #tpu.memory_space<hbm>>) target(%arg6 : memref<20352xi32, #tpu.memory_space<vmem>>) target_semaphore(%run_scoped3A : memref<!tpu.dma_semaphore, #tpu.memory_space<semaphore_mem>>)
      %dma_wait3A_14 = arith.constant 0 : i32
      %dma_wait3A_15 = tpu.memref_slice %arg2[%add3A, %dma_wait3A_14] : memref<32x20352xi32, #tpu.memory_space<hbm>> -> memref<1x20352xi32, #tpu.memory_space<hbm>>
      %dma_wait3A_16 = tpu.memref_squeeze %dma_wait3A_15 : memref<1x20352xi32, #tpu.memory_space<hbm>> -> memref<20352xi32, #tpu.memory_space<hbm>>
      %dma_wait3A_17 = arith.constant 0 : i32
      %dma_wait3A_18 = tpu.memref_slice %arg2[%add3A, %dma_wait3A_17] : memref<32x20352xi32, #tpu.memory_space<hbm>> -> memref<1x20352xi32, #tpu.memory_space<hbm>>
      %dma_wait3A_19 = tpu.memref_squeeze %dma_wait3A_18 : memref<1x20352xi32, #tpu.memory_space<hbm>> -> memref<20352xi32, #tpu.memory_space<hbm>>
      tpu.wait_dma2 semaphore(%run_scoped3A : memref<!tpu.dma_semaphore, #tpu.memory_space<semaphore_mem>>) src(%dma_wait3A_19 : memref<20352xi32, #tpu.memory_space<hbm>>) dst(%arg6 : memref<20352xi32, #tpu.memory_space<vmem>>)
      tpu.yield
    }) : () -> ()
    "tpu.region"() ({
      %run_scoped3A = tpu.sem_alloc : memref<!tpu.dma_semaphore, #tpu.memory_space<semaphore_mem>>
      %dma_start3A_8 = arith.constant 0 : i32
      %dma_start3A_9 = tpu.memref_slice %arg3[%add3A, %dma_start3A_8] : memref<32x20352xi32, #tpu.memory_space<hbm>> -> memref<1x20352xi32, #tpu.memory_space<hbm>>
      %dma_start3A_10 = tpu.memref_squeeze %dma_start3A_9 : memref<1x20352xi32, #tpu.memory_space<hbm>> -> memref<20352xi32, #tpu.memory_space<hbm>>
      %dma_start3A_11 = arith.constant 0 : i32
      %dma_start3A_12 = tpu.memref_slice %arg3[%add3A, %dma_start3A_11] : memref<32x20352xi32, #tpu.memory_space<hbm>> -> memref<1x20352xi32, #tpu.memory_space<hbm>>
      %dma_start3A_13 = tpu.memref_squeeze %dma_start3A_12 : memref<1x20352xi32, #tpu.memory_space<hbm>> -> memref<20352xi32, #tpu.memory_space<hbm>>
      tpu.enqueue_dma source(%dma_start3A_13 : memref<20352xi32, #tpu.memory_space<hbm>>) target(%arg7 : memref<20352xi32, #tpu.memory_space<vmem>>) target_semaphore(%run_scoped3A : memref<!tpu.dma_semaphore, #tpu.memory_space<semaphore_mem>>)
      %dma_wait3A_14 = arith.constant 0 : i32
      %dma_wait3A_15 = tpu.memref_slice %arg3[%add3A, %dma_wait3A_14] : memref<32x20352xi32, #tpu.memory_space<hbm>> -> memref<1x20352xi32, #tpu.memory_space<hbm>>
      %dma_wait3A_16 = tpu.memref_squeeze %dma_wait3A_15 : memref<1x20352xi32, #tpu.memory_space<hbm>> -> memref<20352xi32, #tpu.memory_space<hbm>>
      %dma_wait3A_17 = arith.constant 0 : i32
      %dma_wait3A_18 = tpu.memref_slice %arg3[%add3A, %dma_wait3A_17] : memref<32x20352xi32, #tpu.memory_space<hbm>> -> memref<1x20352xi32, #tpu.memory_space<hbm>>
      %dma_wait3A_19 = tpu.memref_squeeze %dma_wait3A_18 : memref<1x20352xi32, #tpu.memory_space<hbm>> -> memref<20352xi32, #tpu.memory_space<hbm>>
      tpu.wait_dma2 semaphore(%run_scoped3A : memref<!tpu.dma_semaphore, #tpu.memory_space<semaphore_mem>>) src(%dma_wait3A_19 : memref<20352xi32, #tpu.memory_space<hbm>>) dst(%arg7 : memref<20352xi32, #tpu.memory_space<vmem>>)
      tpu.yield
    }) : () -> ()
    %scan3A = arith.constant 0 : i32
    %scan3A_1 = arith.constant 0 : i32
    %scan3A_2 = arith.constant 1272 : i32
    %scan3A_3 = arith.addi %scan3A_1, %scan3A_2 : i32
    %scan3A_4 = arith.constant 8 : i32
    scf.for %scan3A_8 = %scan3A_1 to %scan3A_3 step %scan3A_4  : i32 {
      %mul3A_9 = arith.constant 16 : i32
      %mul3A_10 = arith.muli %mul3A_9, %scan3A_8 : i32
      %get3A = arith.index_cast %mul3A_10 : i32 to index
      %get3A_11 = tpu.vector_load %arg6[%get3A] {strides = array<i32>} : memref<20352xi32, #tpu.memory_space<vmem>>, vector<16xi32>,
      %get3A_12 = vector.shape_cast %get3A_11 : vector<16xi32> to vector<16xi32>
      %mul3A_13 = arith.constant 10240 : i32
      %mul3A_14 = vector.broadcast %mul3A_13 : i32 to vector<16xi32>
      %mul3A_15 = arith.muli %get3A_12, %mul3A_14 : vector<16xi32>
      %get3A_16 = arith.index_cast %mul3A_10 : i32 to index
      %get3A_17 = tpu.vector_load %arg7[%get3A_16] {strides = array<i32>} : memref<20352xi32, #tpu.memory_space<vmem>>, vector<16xi32>,
      %get3A_18 = vector.shape_cast %get3A_17 : vector<16xi32> to vector<16xi32>
      %add3A_19 = arith.addi %mul3A_15, %get3A_18 : vector<16xi32>
      %swap3A = arith.index_cast %mul3A_10 : i32 to index
      %swap3A_20 = tpu.vector_load %arg8[%swap3A] {strides = array<i32>} : memref<20352xi32, #tpu.memory_space<vmem>>, vector<16xi32>,
      %swap3A_21 = vector.shape_cast %swap3A_20 : vector<16xi32> to vector<16xi32>
      %swap3A_22 = vector.shape_cast %add3A_19 : vector<16xi32> to vector<16xi32>
      tpu.vector_store %arg8[%swap3A], %swap3A_22 {strides = array<i32>} : memref<20352xi32, #tpu.memory_space<vmem>>, vector<16xi32>,
      %broadcast_in_dim3A = arith.constant 1.000000e+00 : f32
      %broadcast_in_dim3A_23 = vector.broadcast %broadcast_in_dim3A : f32 to vector<16xf32>
      %swap3A_24 = arith.index_cast %mul3A_10 : i32 to index
      %swap3A_25 = tpu.vector_load %arg9[%swap3A_24] {strides = array<i32>} : memref<20352xf32, #tpu.memory_space<vmem>>, vector<16xf32>,
      %swap3A_26 = vector.shape_cast %swap3A_25 : vector<16xf32> to vector<16xf32>
      %swap3A_27 = vector.shape_cast %broadcast_in_dim3A_23 : vector<16xf32> to vector<16xf32>
      tpu.vector_store %arg9[%swap3A_24], %swap3A_27 {strides = array<i32>} : memref<20352xf32, #tpu.memory_space<vmem>>, vector<16xf32>,
      %scan3A_28 = arith.constant 1 : i32
      %scan3A_29 = arith.addi %scan3A_8, %scan3A_28 : i32
      %mul3A_30 = arith.constant 16 : i32
      %mul3A_31 = arith.muli %mul3A_30, %scan3A_29 : i32
      %get3A_32 = arith.index_cast %mul3A_31 : i32 to index
      %get3A_33 = tpu.vector_load %arg6[%get3A_32] {strides = array<i32>} : memref<20352xi32, #tpu.memory_space<vmem>>, vector<16xi32>,
      %get3A_34 = vector.shape_cast %get3A_33 : vector<16xi32> to vector<16xi32>
      %mul3A_35 = arith.constant 10240 : i32
      %mul3A_36 = vector.broadcast %mul3A_35 : i32 to vector<16xi32>
      %mul3A_37 = arith.muli %get3A_34, %mul3A_36 : vector<16xi32>
      %get3A_38 = arith.index_cast %mul3A_31 : i32 to index
      %get3A_39 = tpu.vector_load %arg7[%get3A_38] {strides = array<i32>} : memref<20352xi32, #tpu.memory_space<vmem>>, vector<16xi32>,
      %get3A_40 = vector.shape_cast %get3A_39 : vector<16xi32> to vector<16xi32>
      %add3A_41 = arith.addi %mul3A_37, %get3A_40 : vector<16xi32>
      %swap3A_42 = arith.index_cast %mul3A_31 : i32 to index
      %swap3A_43 = tpu.vector_load %arg8[%swap3A_42] {strides = array<i32>} : memref<20352xi32, #tpu.memory_space<vmem>>, vector<16xi32>,
      %swap3A_44 = vector.shape_cast %swap3A_43 : vector<16xi32> to vector<16xi32>
      %swap3A_45 = vector.shape_cast %add3A_41 : vector<16xi32> to vector<16xi32>
      tpu.vector_store %arg8[%swap3A_42], %swap3A_45 {strides = array<i32>} : memref<20352xi32, #tpu.memory_space<vmem>>, vector<16xi32>,
      %broadcast_in_dim3A_46 = arith.constant 1.000000e+00 : f32
      %broadcast_in_dim3A_47 = vector.broadcast %broadcast_in_dim3A_46 : f32 to vector<16xf32>
      %swap3A_48 = arith.index_cast %mul3A_31 : i32 to index
      %swap3A_49 = tpu.vector_load %arg9[%swap3A_48] {strides = array<i32>} : memref<20352xf32, #tpu.memory_space<vmem>>, vector<16xf32>,
      %swap3A_50 = vector.shape_cast %swap3A_49 : vector<16xf32> to vector<16xf32>
      %swap3A_51 = vector.shape_cast %broadcast_in_dim3A_47 : vector<16xf32> to vector<16xf32>
      tpu.vector_store %arg9[%swap3A_48], %swap3A_51 {strides = array<i32>} : memref<20352xf32, #tpu.memory_space<vmem>>, vector<16xf32>,
      %scan3A_52 = arith.constant 2 : i32
      %scan3A_53 = arith.addi %scan3A_8, %scan3A_52 : i32
      %mul3A_54 = arith.constant 16 : i32
      %mul3A_55 = arith.muli %mul3A_54, %scan3A_53 : i32
      %get3A_56 = arith.index_cast %mul3A_55 : i32 to index
      %get3A_57 = tpu.vector_load %arg6[%get3A_56] {strides = array<i32>} : memref<20352xi32, #tpu.memory_space<vmem>>, vector<16xi32>,
      %get3A_58 = vector.shape_cast %get3A_57 : vector<16xi32> to vector<16xi32>
      %mul3A_59 = arith.constant 10240 : i32
      %mul3A_60 = vector.broadcast %mul3A_59 : i32 to vector<16xi32>
      %mul3A_61 = arith.muli %get3A_58, %mul3A_60 : vector<16xi32>
      %get3A_62 = arith.index_cast %mul3A_55 : i32 to index
      %get3A_63 = tpu.vector_load %arg7[%get3A_62] {strides = array<i32>} : memref<20352xi32, #tpu.memory_space<vmem>>, vector<16xi32>,
      %get3A_64 = vector.shape_cast %get3A_63 : vector<16xi32> to vector<16xi32>
      %add3A_65 = arith.addi %mul3A_61, %get3A_64 : vector<16xi32>
      %swap3A_66 = arith.index_cast %mul3A_55 : i32 to index
      %swap3A_67 = tpu.vector_load %arg8[%swap3A_66] {strides = array<i32>} : memref<20352xi32, #tpu.memory_space<vmem>>, vector<16xi32>,
      %swap3A_68 = vector.shape_cast %swap3A_67 : vector<16xi32> to vector<16xi32>
      %swap3A_69 = vector.shape_cast %add3A_65 : vector<16xi32> to vector<16xi32>
      tpu.vector_store %arg8[%swap3A_66], %swap3A_69 {strides = array<i32>} : memref<20352xi32, #tpu.memory_space<vmem>>, vector<16xi32>,
      %broadcast_in_dim3A_70 = arith.constant 1.000000e+00 : f32
      %broadcast_in_dim3A_71 = vector.broadcast %broadcast_in_dim3A_70 : f32 to vector<16xf32>
      %swap3A_72 = arith.index_cast %mul3A_55 : i32 to index
      %swap3A_73 = tpu.vector_load %arg9[%swap3A_72] {strides = array<i32>} : memref<20352xf32, #tpu.memory_space<vmem>>, vector<16xf32>,
      %swap3A_74 = vector.shape_cast %swap3A_73 : vector<16xf32> to vector<16xf32>
      %swap3A_75 = vector.shape_cast %broadcast_in_dim3A_71 : vector<16xf32> to vector<16xf32>
      tpu.vector_store %arg9[%swap3A_72], %swap3A_75 {strides = array<i32>} : memref<20352xf32, #tpu.memory_space<vmem>>, vector<16xf32>,
      %scan3A_76 = arith.constant 3 : i32
      %scan3A_77 = arith.addi %scan3A_8, %scan3A_76 : i32
      %mul3A_78 = arith.constant 16 : i32
      %mul3A_79 = arith.muli %mul3A_78, %scan3A_77 : i32
      %get3A_80 = arith.index_cast %mul3A_79 : i32 to index
      %get3A_81 = tpu.vector_load %arg6[%get3A_80] {strides = array<i32>} : memref<20352xi32, #tpu.memory_space<vmem>>, vector<16xi32>,
      %get3A_82 = vector.shape_cast %get3A_81 : vector<16xi32> to vector<16xi32>
      %mul3A_83 = arith.constant 10240 : i32
      %mul3A_84 = vector.broadcast %mul3A_83 : i32 to vector<16xi32>
      %mul3A_85 = arith.muli %get3A_82, %mul3A_84 : vector<16xi32>
      %get3A_86 = arith.index_cast %mul3A_79 : i32 to index
      %get3A_87 = tpu.vector_load %arg7[%get3A_86] {strides = array<i32>} : memref<20352xi32, #tpu.memory_space<vmem>>, vector<16xi32>,
      %get3A_88 = vector.shape_cast %get3A_87 : vector<16xi32> to vector<16xi32>
      %add3A_89 = arith.addi %mul3A_85, %get3A_88 : vector<16xi32>
      %swap3A_90 = arith.index_cast %mul3A_79 : i32 to index
      %swap3A_91 = tpu.vector_load %arg8[%swap3A_90] {strides = array<i32>} : memref<20352xi32, #tpu.memory_space<vmem>>, vector<16xi32>,
      %swap3A_92 = vector.shape_cast %swap3A_91 : vector<16xi32> to vector<16xi32>
      %swap3A_93 = vector.shape_cast %add3A_89 : vector<16xi32> to vector<16xi32>
      tpu.vector_store %arg8[%swap3A_90], %swap3A_93 {strides = array<i32>} : memref<20352xi32, #tpu.memory_space<vmem>>, vector<16xi32>,
      %broadcast_in_dim3A_94 = arith.constant 1.000000e+00 : f32
      %broadcast_in_dim3A_95 = vector.broadcast %broadcast_in_dim3A_94 : f32 to vector<16xf32>
      %swap3A_96 = arith.index_cast %mul3A_79 : i32 to index
      %swap3A_97 = tpu.vector_load %arg9[%swap3A_96] {strides = array<i32>} : memref<20352xf32, #tpu.memory_space<vmem>>, vector<16xf32>,
      %swap3A_98 = vector.shape_cast %swap3A_97 : vector<16xf32> to vector<16xf32>
      %swap3A_99 = vector.shape_cast %broadcast_in_dim3A_95 : vector<16xf32> to vector<16xf32>
      tpu.vector_store %arg9[%swap3A_96], %swap3A_99 {strides = array<i32>} : memref<20352xf32, #tpu.memory_space<vmem>>, vector<16xf32>,
      %scan3A_100 = arith.constant 4 : i32
      %scan3A_101 = arith.addi %scan3A_8, %scan3A_100 : i32
      %mul3A_102 = arith.constant 16 : i32
      %mul3A_103 = arith.muli %mul3A_102, %scan3A_101 : i32
      %get3A_104 = arith.index_cast %mul3A_103 : i32 to index
      %get3A_105 = tpu.vector_load %arg6[%get3A_104] {strides = array<i32>} : memref<20352xi32, #tpu.memory_space<vmem>>, vector<16xi32>,
      %get3A_106 = vector.shape_cast %get3A_105 : vector<16xi32> to vector<16xi32>
      %mul3A_107 = arith.constant 10240 : i32
      %mul3A_108 = vector.broadcast %mul3A_107 : i32 to vector<16xi32>
      %mul3A_109 = arith.muli %get3A_106, %mul3A_108 : vector<16xi32>
      %get3A_110 = arith.index_cast %mul3A_103 : i32 to index
      %get3A_111 = tpu.vector_load %arg7[%get3A_110] {strides = array<i32>} : memref<20352xi32, #tpu.memory_space<vmem>>, vector<16xi32>,
      %get3A_112 = vector.shape_cast %get3A_111 : vector<16xi32> to vector<16xi32>
      %add3A_113 = arith.addi %mul3A_109, %get3A_112 : vector<16xi32>
      %swap3A_114 = arith.index_cast %mul3A_103 : i32 to index
      %swap3A_115 = tpu.vector_load %arg8[%swap3A_114] {strides = array<i32>} : memref<20352xi32, #tpu.memory_space<vmem>>, vector<16xi32>,
      %swap3A_116 = vector.shape_cast %swap3A_115 : vector<16xi32> to vector<16xi32>
      %swap3A_117 = vector.shape_cast %add3A_113 : vector<16xi32> to vector<16xi32>
      tpu.vector_store %arg8[%swap3A_114], %swap3A_117 {strides = array<i32>} : memref<20352xi32, #tpu.memory_space<vmem>>, vector<16xi32>,
      %broadcast_in_dim3A_118 = arith.constant 1.000000e+00 : f32
      %broadcast_in_dim3A_119 = vector.broadcast %broadcast_in_dim3A_118 : f32 to vector<16xf32>
      %swap3A_120 = arith.index_cast %mul3A_103 : i32 to index
      %swap3A_121 = tpu.vector_load %arg9[%swap3A_120] {strides = array<i32>} : memref<20352xf32, #tpu.memory_space<vmem>>, vector<16xf32>,
      %swap3A_122 = vector.shape_cast %swap3A_121 : vector<16xf32> to vector<16xf32>
      %swap3A_123 = vector.shape_cast %broadcast_in_dim3A_119 : vector<16xf32> to vector<16xf32>
      tpu.vector_store %arg9[%swap3A_120], %swap3A_123 {strides = array<i32>} : memref<20352xf32, #tpu.memory_space<vmem>>, vector<16xf32>,
      %scan3A_124 = arith.constant 5 : i32
      %scan3A_125 = arith.addi %scan3A_8, %scan3A_124 : i32
      %mul3A_126 = arith.constant 16 : i32
      %mul3A_127 = arith.muli %mul3A_126, %scan3A_125 : i32
      %get3A_128 = arith.index_cast %mul3A_127 : i32 to index
      %get3A_129 = tpu.vector_load %arg6[%get3A_128] {strides = array<i32>} : memref<20352xi32, #tpu.memory_space<vmem>>, vector<16xi32>,
      %get3A_130 = vector.shape_cast %get3A_129 : vector<16xi32> to vector<16xi32>
      %mul3A_131 = arith.constant 10240 : i32
      %mul3A_132 = vector.broadcast %mul3A_131 : i32 to vector<16xi32>
      %mul3A_133 = arith.muli %get3A_130, %mul3A_132 : vector<16xi32>
      %get3A_134 = arith.index_cast %mul3A_127 : i32 to index
      %get3A_135 = tpu.vector_load %arg7[%get3A_134] {strides = array<i32>} : memref<20352xi32, #tpu.memory_space<vmem>>, vector<16xi32>,
      %get3A_136 = vector.shape_cast %get3A_135 : vector<16xi32> to vector<16xi32>
      %add3A_137 = arith.addi %mul3A_133, %get3A_136 : vector<16xi32>
      %swap3A_138 = arith.index_cast %mul3A_127 : i32 to index
      %swap3A_139 = tpu.vector_load %arg8[%swap3A_138] {strides = array<i32>} : memref<20352xi32, #tpu.memory_space<vmem>>, vector<16xi32>,
      %swap3A_140 = vector.shape_cast %swap3A_139 : vector<16xi32> to vector<16xi32>
      %swap3A_141 = vector.shape_cast %add3A_137 : vector<16xi32> to vector<16xi32>
      tpu.vector_store %arg8[%swap3A_138], %swap3A_141 {strides = array<i32>} : memref<20352xi32, #tpu.memory_space<vmem>>, vector<16xi32>,
      %broadcast_in_dim3A_142 = arith.constant 1.000000e+00 : f32
      %broadcast_in_dim3A_143 = vector.broadcast %broadcast_in_dim3A_142 : f32 to vector<16xf32>
      %swap3A_144 = arith.index_cast %mul3A_127 : i32 to index
      %swap3A_145 = tpu.vector_load %arg9[%swap3A_144] {strides = array<i32>} : memref<20352xf32, #tpu.memory_space<vmem>>, vector<16xf32>,
      %swap3A_146 = vector.shape_cast %swap3A_145 : vector<16xf32> to vector<16xf32>
      %swap3A_147 = vector.shape_cast %broadcast_in_dim3A_143 : vector<16xf32> to vector<16xf32>
      tpu.vector_store %arg9[%swap3A_144], %swap3A_147 {strides = array<i32>} : memref<20352xf32, #tpu.memory_space<vmem>>, vector<16xf32>,
      %scan3A_148 = arith.constant 6 : i32
      %scan3A_149 = arith.addi %scan3A_8, %scan3A_148 : i32
      %mul3A_150 = arith.constant 16 : i32
      %mul3A_151 = arith.muli %mul3A_150, %scan3A_149 : i32
      %get3A_152 = arith.index_cast %mul3A_151 : i32 to index
      %get3A_153 = tpu.vector_load %arg6[%get3A_152] {strides = array<i32>} : memref<20352xi32, #tpu.memory_space<vmem>>, vector<16xi32>,
      %get3A_154 = vector.shape_cast %get3A_153 : vector<16xi32> to vector<16xi32>
      %mul3A_155 = arith.constant 10240 : i32
      %mul3A_156 = vector.broadcast %mul3A_155 : i32 to vector<16xi32>
      %mul3A_157 = arith.muli %get3A_154, %mul3A_156 : vector<16xi32>
      %get3A_158 = arith.index_cast %mul3A_151 : i32 to index
      %get3A_159 = tpu.vector_load %arg7[%get3A_158] {strides = array<i32>} : memref<20352xi32, #tpu.memory_space<vmem>>, vector<16xi32>,
      %get3A_160 = vector.shape_cast %get3A_159 : vector<16xi32> to vector<16xi32>
      %add3A_161 = arith.addi %mul3A_157, %get3A_160 : vector<16xi32>
      %swap3A_162 = arith.index_cast %mul3A_151 : i32 to index
      %swap3A_163 = tpu.vector_load %arg8[%swap3A_162] {strides = array<i32>} : memref<20352xi32, #tpu.memory_space<vmem>>, vector<16xi32>,
      %swap3A_164 = vector.shape_cast %swap3A_163 : vector<16xi32> to vector<16xi32>
      %swap3A_165 = vector.shape_cast %add3A_161 : vector<16xi32> to vector<16xi32>
      tpu.vector_store %arg8[%swap3A_162], %swap3A_165 {strides = array<i32>} : memref<20352xi32, #tpu.memory_space<vmem>>, vector<16xi32>,
      %broadcast_in_dim3A_166 = arith.constant 1.000000e+00 : f32
      %broadcast_in_dim3A_167 = vector.broadcast %broadcast_in_dim3A_166 : f32 to vector<16xf32>
      %swap3A_168 = arith.index_cast %mul3A_151 : i32 to index
      %swap3A_169 = tpu.vector_load %arg9[%swap3A_168] {strides = array<i32>} : memref<20352xf32, #tpu.memory_space<vmem>>, vector<16xf32>,
      %swap3A_170 = vector.shape_cast %swap3A_169 : vector<16xf32> to vector<16xf32>
      %swap3A_171 = vector.shape_cast %broadcast_in_dim3A_167 : vector<16xf32> to vector<16xf32>
      tpu.vector_store %arg9[%swap3A_168], %swap3A_171 {strides = array<i32>} : memref<20352xf32, #tpu.memory_space<vmem>>, vector<16xf32>,
      %scan3A_172 = arith.constant 7 : i32
      %scan3A_173 = arith.addi %scan3A_8, %scan3A_172 : i32
      %mul3A_174 = arith.constant 16 : i32
      %mul3A_175 = arith.muli %mul3A_174, %scan3A_173 : i32
      %get3A_176 = arith.index_cast %mul3A_175 : i32 to index
      %get3A_177 = tpu.vector_load %arg6[%get3A_176] {strides = array<i32>} : memref<20352xi32, #tpu.memory_space<vmem>>, vector<16xi32>,
      %get3A_178 = vector.shape_cast %get3A_177 : vector<16xi32> to vector<16xi32>
      %mul3A_179 = arith.constant 10240 : i32
      %mul3A_180 = vector.broadcast %mul3A_179 : i32 to vector<16xi32>
      %mul3A_181 = arith.muli %get3A_178, %mul3A_180 : vector<16xi32>
      %get3A_182 = arith.index_cast %mul3A_175 : i32 to index
      %get3A_183 = tpu.vector_load %arg7[%get3A_182] {strides = array<i32>} : memref<20352xi32, #tpu.memory_space<vmem>>, vector<16xi32>,
      %get3A_184 = vector.shape_cast %get3A_183 : vector<16xi32> to vector<16xi32>
      %add3A_185 = arith.addi %mul3A_181, %get3A_184 : vector<16xi32>
      %swap3A_186 = arith.index_cast %mul3A_175 : i32 to index
      %swap3A_187 = tpu.vector_load %arg8[%swap3A_186] {strides = array<i32>} : memref<20352xi32, #tpu.memory_space<vmem>>, vector<16xi32>,
      %swap3A_188 = vector.shape_cast %swap3A_187 : vector<16xi32> to vector<16xi32>
      %swap3A_189 = vector.shape_cast %add3A_185 : vector<16xi32> to vector<16xi32>
      tpu.vector_store %arg8[%swap3A_186], %swap3A_189 {strides = array<i32>} : memref<20352xi32, #tpu.memory_space<vmem>>, vector<16xi32>,
      %broadcast_in_dim3A_190 = arith.constant 1.000000e+00 : f32
      %broadcast_in_dim3A_191 = vector.broadcast %broadcast_in_dim3A_190 : f32 to vector<16xf32>
      %swap3A_192 = arith.index_cast %mul3A_175 : i32 to index
      %swap3A_193 = tpu.vector_load %arg9[%swap3A_192] {strides = array<i32>} : memref<20352xf32, #tpu.memory_space<vmem>>, vector<16xf32>,
      %swap3A_194 = vector.shape_cast %swap3A_193 : vector<16xf32> to vector<16xf32>
      %swap3A_195 = vector.shape_cast %broadcast_in_dim3A_191 : vector<16xf32> to vector<16xf32>
      tpu.vector_store %arg9[%swap3A_192], %swap3A_195 {strides = array<i32>} : memref<20352xf32, #tpu.memory_space<vmem>>, vector<16xf32>,
    }
    %scan3A_5 = arith.constant 1272 : i32
    %dma_start3A = arith.constant 0 : i32
    %dma_start3A_6 = tpu.memref_slice %arg4[%dma_start3A] : memref<104857600xf32, #tpu.memory_space<hbm>> -> memref<104857600xf32, #tpu.memory_space<hbm>>
    tpu.enqueue_indirect_dma source(%arg9 : memref<20352xf32, #tpu.memory_space<vmem>>) target(%dma_start3A_6 : memref<104857600xf32, #tpu.memory_space<hbm>>) offsets(%arg8 : memref<20352xi32, #tpu.memory_space<vmem>>) semaphore(%arg10 : memref<!tpu.dma_semaphore, #tpu.memory_space<semaphore_mem>>)
    %dma_wait3A = arith.constant 0 : i32
    %dma_wait3A_7 = tpu.memref_slice %arg4[%dma_wait3A] : memref<104857600xf32, #tpu.memory_space<hbm>> -> memref<104857600xf32, #tpu.memory_space<hbm>>
    tpu.wait_indirect_dma semaphore(%arg10 : memref<!tpu.dma_semaphore, #tpu.memory_space<semaphore_mem>>) src(%arg9 : memref<20352xf32, #tpu.memory_space<vmem>>) dst(%dma_wait3A_7 : memref<104857600xf32, #tpu.memory_space<hbm>>)
    return
  }
}

module attributes {stable_mosaic.version = 14 : i64} {
  func.func @body(%arg0: i32, %arg1: memref<256x80x128xf32, #tpu.memory_space<vmem>>, %arg2: memref<80x128x256xf32, #tpu.memory_space<vmem>>, %arg3: memref<128x128xf32, #tpu.memory_space<vmem>>, %arg4: memref<1x128xf32, #tpu.memory_space<vmem>>, %arg5: memref<256x128xf32, #tpu.memory_space<vmem>>) attributes {dimension_semantics = [#tpu.dimension_semantics<arbitrary>], iteration_bounds = array<i64: 40>, scalar_prefetch = 0 : i64, scratch_operands = 0 : i64, tpu.core_type = #tpu.core_type<tc>, window_params = [{transform_indices = @transform_0, window_bounds = array<i64: 256, 80, 128>}, {pipeline_mode = #tpu.pipeline_mode<synchronous>, transform_indices = @transform_1, window_bounds = array<i64: 80, 128, 256>}, {pipeline_mode = #tpu.pipeline_mode<synchronous>, transform_indices = @transform_2, window_bounds = array<i64: 128, 128>}, {pipeline_mode = #tpu.pipeline_mode<synchronous>, transform_indices = @transform_3, window_bounds = array<i64: 1, 128>}, {transform_indices = @transform_4, window_bounds = array<i64: 256, 128>}]} {
    %broadcast_in_dim3A = arith.constant 0.000000e+00 : f32
    %broadcast_in_dim3A_0 = vector.broadcast %broadcast_in_dim3A : f32 to vector<256x256xf32>
    %get3A = arith.constant 0 : index
    %get3A_1 = arith.constant 0 : index
    %get3A_2 = arith.constant 0 : index
    %get3A_3 = vector.load %arg1[%get3A, %get3A_1, %get3A_2] : memref<256x80x128xf32, #tpu.memory_space<vmem>>, vector<256x1x128xf32>
    %get3A_4 = vector.shape_cast %get3A_3 : vector<256x1x128xf32> to vector<256x128xf32>
    %get3A_5 = arith.constant 0 : index
    %get3A_6 = arith.constant 0 : index
    %get3A_7 = arith.constant 0 : index
    %get3A_8 = vector.load %arg2[%get3A_5, %get3A_6, %get3A_7] : memref<80x128x256xf32, #tpu.memory_space<vmem>>, vector<1x128x256xf32>
    %get3A_9 = vector.shape_cast %get3A_8 : vector<1x128x256xf32> to vector<128x256xf32>
    %dot_general3A = arith.constant dense<0.000000e+00> : vector<256x256xf32>
    %dot_general3A_10 = tpu.matmul %get3A_4, %get3A_9, %dot_general3A {dimension_numbers = #tpu.dot_dimension_numbers<[1], [0], [0], [1], [0, 0, 1, 1], [], []>, transpose_lhs_hint = false} : vector<256x128xf32>, vector<128x256xf32>, vector<256x256xf32> -> vector<256x256xf32>
    %add3A = arith.addf %broadcast_in_dim3A_0, %dot_general3A_10 : vector<256x256xf32>
    %get3A_11 = arith.constant 0 : index
    %get3A_12 = arith.constant 1 : index
    %get3A_13 = arith.constant 0 : index
    %get3A_14 = vector.load %arg1[%get3A_11, %get3A_12, %get3A_13] : memref<256x80x128xf32, #tpu.memory_space<vmem>>, vector<256x1x128xf32>
    %get3A_15 = vector.shape_cast %get3A_14 : vector<256x1x128xf32> to vector<256x128xf32>
    %get3A_16 = arith.constant 1 : index
    %get3A_17 = arith.constant 0 : index
    %get3A_18 = arith.constant 0 : index
    %get3A_19 = vector.load %arg2[%get3A_16, %get3A_17, %get3A_18] : memref<80x128x256xf32, #tpu.memory_space<vmem>>, vector<1x128x256xf32>
    %get3A_20 = vector.shape_cast %get3A_19 : vector<1x128x256xf32> to vector<128x256xf32>
    %dot_general3A_21 = arith.constant dense<0.000000e+00> : vector<256x256xf32>
    %dot_general3A_22 = tpu.matmul %get3A_15, %get3A_20, %dot_general3A_21 {dimension_numbers = #tpu.dot_dimension_numbers<[1], [0], [0], [1], [0, 0, 1, 1], [], []>, transpose_lhs_hint = false} : vector<256x128xf32>, vector<128x256xf32>, vector<256x256xf32> -> vector<256x256xf32>
    %add3A_23 = arith.addf %add3A, %dot_general3A_22 : vector<256x256xf32>
    %get3A_24 = arith.constant 0 : index
    %get3A_25 = arith.constant 2 : index
    %get3A_26 = arith.constant 0 : index
    %get3A_27 = vector.load %arg1[%get3A_24, %get3A_25, %get3A_26] : memref<256x80x128xf32, #tpu.memory_space<vmem>>, vector<256x1x128xf32>
    %get3A_28 = vector.shape_cast %get3A_27 : vector<256x1x128xf32> to vector<256x128xf32>
    %get3A_29 = arith.constant 2 : index
    %get3A_30 = arith.constant 0 : index
    %get3A_31 = arith.constant 0 : index
    %get3A_32 = vector.load %arg2[%get3A_29, %get3A_30, %get3A_31] : memref<80x128x256xf32, #tpu.memory_space<vmem>>, vector<1x128x256xf32>
    %get3A_33 = vector.shape_cast %get3A_32 : vector<1x128x256xf32> to vector<128x256xf32>
    %dot_general3A_34 = arith.constant dense<0.000000e+00> : vector<256x256xf32>
    %dot_general3A_35 = tpu.matmul %get3A_28, %get3A_33, %dot_general3A_34 {dimension_numbers = #tpu.dot_dimension_numbers<[1], [0], [0], [1], [0, 0, 1, 1], [], []>, transpose_lhs_hint = false} : vector<256x128xf32>, vector<128x256xf32>, vector<256x256xf32> -> vector<256x256xf32>
    %add3A_36 = arith.addf %add3A_23, %dot_general3A_35 : vector<256x256xf32>
    %get3A_37 = arith.constant 0 : index
    %get3A_38 = arith.constant 3 : index
    %get3A_39 = arith.constant 0 : index
    %get3A_40 = vector.load %arg1[%get3A_37, %get3A_38, %get3A_39] : memref<256x80x128xf32, #tpu.memory_space<vmem>>, vector<256x1x128xf32>
    %get3A_41 = vector.shape_cast %get3A_40 : vector<256x1x128xf32> to vector<256x128xf32>
    %get3A_42 = arith.constant 3 : index
    %get3A_43 = arith.constant 0 : index
    %get3A_44 = arith.constant 0 : index
    %get3A_45 = vector.load %arg2[%get3A_42, %get3A_43, %get3A_44] : memref<80x128x256xf32, #tpu.memory_space<vmem>>, vector<1x128x256xf32>
    %get3A_46 = vector.shape_cast %get3A_45 : vector<1x128x256xf32> to vector<128x256xf32>
    %dot_general3A_47 = arith.constant dense<0.000000e+00> : vector<256x256xf32>
    %dot_general3A_48 = tpu.matmul %get3A_41, %get3A_46, %dot_general3A_47 {dimension_numbers = #tpu.dot_dimension_numbers<[1], [0], [0], [1], [0, 0, 1, 1], [], []>, transpose_lhs_hint = false} : vector<256x128xf32>, vector<128x256xf32>, vector<256x256xf32> -> vector<256x256xf32>
    %add3A_49 = arith.addf %add3A_36, %dot_general3A_48 : vector<256x256xf32>
    %get3A_50 = arith.constant 0 : index
    %get3A_51 = arith.constant 4 : index
    %get3A_52 = arith.constant 0 : index
    %get3A_53 = vector.load %arg1[%get3A_50, %get3A_51, %get3A_52] : memref<256x80x128xf32, #tpu.memory_space<vmem>>, vector<256x1x128xf32>
    %get3A_54 = vector.shape_cast %get3A_53 : vector<256x1x128xf32> to vector<256x128xf32>
    %get3A_55 = arith.constant 4 : index
    %get3A_56 = arith.constant 0 : index
    %get3A_57 = arith.constant 0 : index
    %get3A_58 = vector.load %arg2[%get3A_55, %get3A_56, %get3A_57] : memref<80x128x256xf32, #tpu.memory_space<vmem>>, vector<1x128x256xf32>
    %get3A_59 = vector.shape_cast %get3A_58 : vector<1x128x256xf32> to vector<128x256xf32>
    %dot_general3A_60 = arith.constant dense<0.000000e+00> : vector<256x256xf32>
    %dot_general3A_61 = tpu.matmul %get3A_54, %get3A_59, %dot_general3A_60 {dimension_numbers = #tpu.dot_dimension_numbers<[1], [0], [0], [1], [0, 0, 1, 1], [], []>, transpose_lhs_hint = false} : vector<256x128xf32>, vector<128x256xf32>, vector<256x256xf32> -> vector<256x256xf32>
    %add3A_62 = arith.addf %add3A_49, %dot_general3A_61 : vector<256x256xf32>
    %get3A_63 = arith.constant 0 : index
    %get3A_64 = arith.constant 5 : index
    %get3A_65 = arith.constant 0 : index
    %get3A_66 = vector.load %arg1[%get3A_63, %get3A_64, %get3A_65] : memref<256x80x128xf32, #tpu.memory_space<vmem>>, vector<256x1x128xf32>
    %get3A_67 = vector.shape_cast %get3A_66 : vector<256x1x128xf32> to vector<256x128xf32>
    %get3A_68 = arith.constant 5 : index
    %get3A_69 = arith.constant 0 : index
    %get3A_70 = arith.constant 0 : index
    %get3A_71 = vector.load %arg2[%get3A_68, %get3A_69, %get3A_70] : memref<80x128x256xf32, #tpu.memory_space<vmem>>, vector<1x128x256xf32>
    %get3A_72 = vector.shape_cast %get3A_71 : vector<1x128x256xf32> to vector<128x256xf32>
    %dot_general3A_73 = arith.constant dense<0.000000e+00> : vector<256x256xf32>
    %dot_general3A_74 = tpu.matmul %get3A_67, %get3A_72, %dot_general3A_73 {dimension_numbers = #tpu.dot_dimension_numbers<[1], [0], [0], [1], [0, 0, 1, 1], [], []>, transpose_lhs_hint = false} : vector<256x128xf32>, vector<128x256xf32>, vector<256x256xf32> -> vector<256x256xf32>
    %add3A_75 = arith.addf %add3A_62, %dot_general3A_74 : vector<256x256xf32>
    %get3A_76 = arith.constant 0 : index
    %get3A_77 = arith.constant 6 : index
    %get3A_78 = arith.constant 0 : index
    %get3A_79 = vector.load %arg1[%get3A_76, %get3A_77, %get3A_78] : memref<256x80x128xf32, #tpu.memory_space<vmem>>, vector<256x1x128xf32>
    %get3A_80 = vector.shape_cast %get3A_79 : vector<256x1x128xf32> to vector<256x128xf32>
    %get3A_81 = arith.constant 6 : index
    %get3A_82 = arith.constant 0 : index
    %get3A_83 = arith.constant 0 : index
    %get3A_84 = vector.load %arg2[%get3A_81, %get3A_82, %get3A_83] : memref<80x128x256xf32, #tpu.memory_space<vmem>>, vector<1x128x256xf32>
    %get3A_85 = vector.shape_cast %get3A_84 : vector<1x128x256xf32> to vector<128x256xf32>
    %dot_general3A_86 = arith.constant dense<0.000000e+00> : vector<256x256xf32>
    %dot_general3A_87 = tpu.matmul %get3A_80, %get3A_85, %dot_general3A_86 {dimension_numbers = #tpu.dot_dimension_numbers<[1], [0], [0], [1], [0, 0, 1, 1], [], []>, transpose_lhs_hint = false} : vector<256x128xf32>, vector<128x256xf32>, vector<256x256xf32> -> vector<256x256xf32>
    %add3A_88 = arith.addf %add3A_75, %dot_general3A_87 : vector<256x256xf32>
    %get3A_89 = arith.constant 0 : index
    %get3A_90 = arith.constant 7 : index
    %get3A_91 = arith.constant 0 : index
    %get3A_92 = vector.load %arg1[%get3A_89, %get3A_90, %get3A_91] : memref<256x80x128xf32, #tpu.memory_space<vmem>>, vector<256x1x128xf32>
    %get3A_93 = vector.shape_cast %get3A_92 : vector<256x1x128xf32> to vector<256x128xf32>
    %get3A_94 = arith.constant 7 : index
    %get3A_95 = arith.constant 0 : index
    %get3A_96 = arith.constant 0 : index
    %get3A_97 = vector.load %arg2[%get3A_94, %get3A_95, %get3A_96] : memref<80x128x256xf32, #tpu.memory_space<vmem>>, vector<1x128x256xf32>
    %get3A_98 = vector.shape_cast %get3A_97 : vector<1x128x256xf32> to vector<128x256xf32>
    %dot_general3A_99 = arith.constant dense<0.000000e+00> : vector<256x256xf32>
    %dot_general3A_100 = tpu.matmul %get3A_93, %get3A_98, %dot_general3A_99 {dimension_numbers = #tpu.dot_dimension_numbers<[1], [0], [0], [1], [0, 0, 1, 1], [], []>, transpose_lhs_hint = false} : vector<256x128xf32>, vector<128x256xf32>, vector<256x256xf32> -> vector<256x256xf32>
    %add3A_101 = arith.addf %add3A_88, %dot_general3A_100 : vector<256x256xf32>
    %get3A_102 = arith.constant 0 : index
    %get3A_103 = arith.constant 8 : index
    %get3A_104 = arith.constant 0 : index
    %get3A_105 = vector.load %arg1[%get3A_102, %get3A_103, %get3A_104] : memref<256x80x128xf32, #tpu.memory_space<vmem>>, vector<256x1x128xf32>
    %get3A_106 = vector.shape_cast %get3A_105 : vector<256x1x128xf32> to vector<256x128xf32>
    %get3A_107 = arith.constant 8 : index
    %get3A_108 = arith.constant 0 : index
    %get3A_109 = arith.constant 0 : index
    %get3A_110 = vector.load %arg2[%get3A_107, %get3A_108, %get3A_109] : memref<80x128x256xf32, #tpu.memory_space<vmem>>, vector<1x128x256xf32>
    %get3A_111 = vector.shape_cast %get3A_110 : vector<1x128x256xf32> to vector<128x256xf32>
    %dot_general3A_112 = arith.constant dense<0.000000e+00> : vector<256x256xf32>
    %dot_general3A_113 = tpu.matmul %get3A_106, %get3A_111, %dot_general3A_112 {dimension_numbers = #tpu.dot_dimension_numbers<[1], [0], [0], [1], [0, 0, 1, 1], [], []>, transpose_lhs_hint = false} : vector<256x128xf32>, vector<128x256xf32>, vector<256x256xf32> -> vector<256x256xf32>
    %add3A_114 = arith.addf %add3A_101, %dot_general3A_113 : vector<256x256xf32>
    %get3A_115 = arith.constant 0 : index
    %get3A_116 = arith.constant 9 : index
    %get3A_117 = arith.constant 0 : index
    %get3A_118 = vector.load %arg1[%get3A_115, %get3A_116, %get3A_117] : memref<256x80x128xf32, #tpu.memory_space<vmem>>, vector<256x1x128xf32>
    %get3A_119 = vector.shape_cast %get3A_118 : vector<256x1x128xf32> to vector<256x128xf32>
    %get3A_120 = arith.constant 9 : index
    %get3A_121 = arith.constant 0 : index
    %get3A_122 = arith.constant 0 : index
    %get3A_123 = vector.load %arg2[%get3A_120, %get3A_121, %get3A_122] : memref<80x128x256xf32, #tpu.memory_space<vmem>>, vector<1x128x256xf32>
    %get3A_124 = vector.shape_cast %get3A_123 : vector<1x128x256xf32> to vector<128x256xf32>
    %dot_general3A_125 = arith.constant dense<0.000000e+00> : vector<256x256xf32>
    %dot_general3A_126 = tpu.matmul %get3A_119, %get3A_124, %dot_general3A_125 {dimension_numbers = #tpu.dot_dimension_numbers<[1], [0], [0], [1], [0, 0, 1, 1], [], []>, transpose_lhs_hint = false} : vector<256x128xf32>, vector<128x256xf32>, vector<256x256xf32> -> vector<256x256xf32>
    %add3A_127 = arith.addf %add3A_114, %dot_general3A_126 : vector<256x256xf32>
    %get3A_128 = arith.constant 0 : index
    %get3A_129 = arith.constant 10 : index
    %get3A_130 = arith.constant 0 : index
    %get3A_131 = vector.load %arg1[%get3A_128, %get3A_129, %get3A_130] : memref<256x80x128xf32, #tpu.memory_space<vmem>>, vector<256x1x128xf32>
    %get3A_132 = vector.shape_cast %get3A_131 : vector<256x1x128xf32> to vector<256x128xf32>
    %get3A_133 = arith.constant 10 : index
    %get3A_134 = arith.constant 0 : index
    %get3A_135 = arith.constant 0 : index
    %get3A_136 = vector.load %arg2[%get3A_133, %get3A_134, %get3A_135] : memref<80x128x256xf32, #tpu.memory_space<vmem>>, vector<1x128x256xf32>
    %get3A_137 = vector.shape_cast %get3A_136 : vector<1x128x256xf32> to vector<128x256xf32>
    %dot_general3A_138 = arith.constant dense<0.000000e+00> : vector<256x256xf32>
    %dot_general3A_139 = tpu.matmul %get3A_132, %get3A_137, %dot_general3A_138 {dimension_numbers = #tpu.dot_dimension_numbers<[1], [0], [0], [1], [0, 0, 1, 1], [], []>, transpose_lhs_hint = false} : vector<256x128xf32>, vector<128x256xf32>, vector<256x256xf32> -> vector<256x256xf32>
    %add3A_140 = arith.addf %add3A_127, %dot_general3A_139 : vector<256x256xf32>
    %get3A_141 = arith.constant 0 : index
    %get3A_142 = arith.constant 11 : index
    %get3A_143 = arith.constant 0 : index
    %get3A_144 = vector.load %arg1[%get3A_141, %get3A_142, %get3A_143] : memref<256x80x128xf32, #tpu.memory_space<vmem>>, vector<256x1x128xf32>
    %get3A_145 = vector.shape_cast %get3A_144 : vector<256x1x128xf32> to vector<256x128xf32>
    %get3A_146 = arith.constant 11 : index
    %get3A_147 = arith.constant 0 : index
    %get3A_148 = arith.constant 0 : index
    %get3A_149 = vector.load %arg2[%get3A_146, %get3A_147, %get3A_148] : memref<80x128x256xf32, #tpu.memory_space<vmem>>, vector<1x128x256xf32>
    %get3A_150 = vector.shape_cast %get3A_149 : vector<1x128x256xf32> to vector<128x256xf32>
    %dot_general3A_151 = arith.constant dense<0.000000e+00> : vector<256x256xf32>
    %dot_general3A_152 = tpu.matmul %get3A_145, %get3A_150, %dot_general3A_151 {dimension_numbers = #tpu.dot_dimension_numbers<[1], [0], [0], [1], [0, 0, 1, 1], [], []>, transpose_lhs_hint = false} : vector<256x128xf32>, vector<128x256xf32>, vector<256x256xf32> -> vector<256x256xf32>
    %add3A_153 = arith.addf %add3A_140, %dot_general3A_152 : vector<256x256xf32>
    %get3A_154 = arith.constant 0 : index
    %get3A_155 = arith.constant 12 : index
    %get3A_156 = arith.constant 0 : index
    %get3A_157 = vector.load %arg1[%get3A_154, %get3A_155, %get3A_156] : memref<256x80x128xf32, #tpu.memory_space<vmem>>, vector<256x1x128xf32>
    %get3A_158 = vector.shape_cast %get3A_157 : vector<256x1x128xf32> to vector<256x128xf32>
    %get3A_159 = arith.constant 12 : index
    %get3A_160 = arith.constant 0 : index
    %get3A_161 = arith.constant 0 : index
    %get3A_162 = vector.load %arg2[%get3A_159, %get3A_160, %get3A_161] : memref<80x128x256xf32, #tpu.memory_space<vmem>>, vector<1x128x256xf32>
    %get3A_163 = vector.shape_cast %get3A_162 : vector<1x128x256xf32> to vector<128x256xf32>
    %dot_general3A_164 = arith.constant dense<0.000000e+00> : vector<256x256xf32>
    %dot_general3A_165 = tpu.matmul %get3A_158, %get3A_163, %dot_general3A_164 {dimension_numbers = #tpu.dot_dimension_numbers<[1], [0], [0], [1], [0, 0, 1, 1], [], []>, transpose_lhs_hint = false} : vector<256x128xf32>, vector<128x256xf32>, vector<256x256xf32> -> vector<256x256xf32>
    %add3A_166 = arith.addf %add3A_153, %dot_general3A_165 : vector<256x256xf32>
    %get3A_167 = arith.constant 0 : index
    %get3A_168 = arith.constant 13 : index
    %get3A_169 = arith.constant 0 : index
    %get3A_170 = vector.load %arg1[%get3A_167, %get3A_168, %get3A_169] : memref<256x80x128xf32, #tpu.memory_space<vmem>>, vector<256x1x128xf32>
    %get3A_171 = vector.shape_cast %get3A_170 : vector<256x1x128xf32> to vector<256x128xf32>
    %get3A_172 = arith.constant 13 : index
    %get3A_173 = arith.constant 0 : index
    %get3A_174 = arith.constant 0 : index
    %get3A_175 = vector.load %arg2[%get3A_172, %get3A_173, %get3A_174] : memref<80x128x256xf32, #tpu.memory_space<vmem>>, vector<1x128x256xf32>
    %get3A_176 = vector.shape_cast %get3A_175 : vector<1x128x256xf32> to vector<128x256xf32>
    %dot_general3A_177 = arith.constant dense<0.000000e+00> : vector<256x256xf32>
    %dot_general3A_178 = tpu.matmul %get3A_171, %get3A_176, %dot_general3A_177 {dimension_numbers = #tpu.dot_dimension_numbers<[1], [0], [0], [1], [0, 0, 1, 1], [], []>, transpose_lhs_hint = false} : vector<256x128xf32>, vector<128x256xf32>, vector<256x256xf32> -> vector<256x256xf32>
    %add3A_179 = arith.addf %add3A_166, %dot_general3A_178 : vector<256x256xf32>
    %get3A_180 = arith.constant 0 : index
    %get3A_181 = arith.constant 14 : index
    %get3A_182 = arith.constant 0 : index
    %get3A_183 = vector.load %arg1[%get3A_180, %get3A_181, %get3A_182] : memref<256x80x128xf32, #tpu.memory_space<vmem>>, vector<256x1x128xf32>
    %get3A_184 = vector.shape_cast %get3A_183 : vector<256x1x128xf32> to vector<256x128xf32>
    %get3A_185 = arith.constant 14 : index
    %get3A_186 = arith.constant 0 : index
    %get3A_187 = arith.constant 0 : index
    %get3A_188 = vector.load %arg2[%get3A_185, %get3A_186, %get3A_187] : memref<80x128x256xf32, #tpu.memory_space<vmem>>, vector<1x128x256xf32>
    %get3A_189 = vector.shape_cast %get3A_188 : vector<1x128x256xf32> to vector<128x256xf32>
    %dot_general3A_190 = arith.constant dense<0.000000e+00> : vector<256x256xf32>
    %dot_general3A_191 = tpu.matmul %get3A_184, %get3A_189, %dot_general3A_190 {dimension_numbers = #tpu.dot_dimension_numbers<[1], [0], [0], [1], [0, 0, 1, 1], [], []>, transpose_lhs_hint = false} : vector<256x128xf32>, vector<128x256xf32>, vector<256x256xf32> -> vector<256x256xf32>
    %add3A_192 = arith.addf %add3A_179, %dot_general3A_191 : vector<256x256xf32>
    %get3A_193 = arith.constant 0 : index
    %get3A_194 = arith.constant 15 : index
    %get3A_195 = arith.constant 0 : index
    %get3A_196 = vector.load %arg1[%get3A_193, %get3A_194, %get3A_195] : memref<256x80x128xf32, #tpu.memory_space<vmem>>, vector<256x1x128xf32>
    %get3A_197 = vector.shape_cast %get3A_196 : vector<256x1x128xf32> to vector<256x128xf32>
    %get3A_198 = arith.constant 15 : index
    %get3A_199 = arith.constant 0 : index
    %get3A_200 = arith.constant 0 : index
    %get3A_201 = vector.load %arg2[%get3A_198, %get3A_199, %get3A_200] : memref<80x128x256xf32, #tpu.memory_space<vmem>>, vector<1x128x256xf32>
    %get3A_202 = vector.shape_cast %get3A_201 : vector<1x128x256xf32> to vector<128x256xf32>
    %dot_general3A_203 = arith.constant dense<0.000000e+00> : vector<256x256xf32>
    %dot_general3A_204 = tpu.matmul %get3A_197, %get3A_202, %dot_general3A_203 {dimension_numbers = #tpu.dot_dimension_numbers<[1], [0], [0], [1], [0, 0, 1, 1], [], []>, transpose_lhs_hint = false} : vector<256x128xf32>, vector<128x256xf32>, vector<256x256xf32> -> vector<256x256xf32>
    %add3A_205 = arith.addf %add3A_192, %dot_general3A_204 : vector<256x256xf32>
    %get3A_206 = arith.constant 0 : index
    %get3A_207 = arith.constant 16 : index
    %get3A_208 = arith.constant 0 : index
    %get3A_209 = vector.load %arg1[%get3A_206, %get3A_207, %get3A_208] : memref<256x80x128xf32, #tpu.memory_space<vmem>>, vector<256x1x128xf32>
    %get3A_210 = vector.shape_cast %get3A_209 : vector<256x1x128xf32> to vector<256x128xf32>
    %get3A_211 = arith.constant 16 : index
    %get3A_212 = arith.constant 0 : index
    %get3A_213 = arith.constant 0 : index
    %get3A_214 = vector.load %arg2[%get3A_211, %get3A_212, %get3A_213] : memref<80x128x256xf32, #tpu.memory_space<vmem>>, vector<1x128x256xf32>
    %get3A_215 = vector.shape_cast %get3A_214 : vector<1x128x256xf32> to vector<128x256xf32>
    %dot_general3A_216 = arith.constant dense<0.000000e+00> : vector<256x256xf32>
    %dot_general3A_217 = tpu.matmul %get3A_210, %get3A_215, %dot_general3A_216 {dimension_numbers = #tpu.dot_dimension_numbers<[1], [0], [0], [1], [0, 0, 1, 1], [], []>, transpose_lhs_hint = false} : vector<256x128xf32>, vector<128x256xf32>, vector<256x256xf32> -> vector<256x256xf32>
    %add3A_218 = arith.addf %add3A_205, %dot_general3A_217 : vector<256x256xf32>
    %get3A_219 = arith.constant 0 : index
    %get3A_220 = arith.constant 17 : index
    %get3A_221 = arith.constant 0 : index
    %get3A_222 = vector.load %arg1[%get3A_219, %get3A_220, %get3A_221] : memref<256x80x128xf32, #tpu.memory_space<vmem>>, vector<256x1x128xf32>
    %get3A_223 = vector.shape_cast %get3A_222 : vector<256x1x128xf32> to vector<256x128xf32>
    %get3A_224 = arith.constant 17 : index
    %get3A_225 = arith.constant 0 : index
    %get3A_226 = arith.constant 0 : index
    %get3A_227 = vector.load %arg2[%get3A_224, %get3A_225, %get3A_226] : memref<80x128x256xf32, #tpu.memory_space<vmem>>, vector<1x128x256xf32>
    %get3A_228 = vector.shape_cast %get3A_227 : vector<1x128x256xf32> to vector<128x256xf32>
    %dot_general3A_229 = arith.constant dense<0.000000e+00> : vector<256x256xf32>
    %dot_general3A_230 = tpu.matmul %get3A_223, %get3A_228, %dot_general3A_229 {dimension_numbers = #tpu.dot_dimension_numbers<[1], [0], [0], [1], [0, 0, 1, 1], [], []>, transpose_lhs_hint = false} : vector<256x128xf32>, vector<128x256xf32>, vector<256x256xf32> -> vector<256x256xf32>
    %add3A_231 = arith.addf %add3A_218, %dot_general3A_230 : vector<256x256xf32>
    %get3A_232 = arith.constant 0 : index
    %get3A_233 = arith.constant 18 : index
    %get3A_234 = arith.constant 0 : index
    %get3A_235 = vector.load %arg1[%get3A_232, %get3A_233, %get3A_234] : memref<256x80x128xf32, #tpu.memory_space<vmem>>, vector<256x1x128xf32>
    %get3A_236 = vector.shape_cast %get3A_235 : vector<256x1x128xf32> to vector<256x128xf32>
    %get3A_237 = arith.constant 18 : index
    %get3A_238 = arith.constant 0 : index
    %get3A_239 = arith.constant 0 : index
    %get3A_240 = vector.load %arg2[%get3A_237, %get3A_238, %get3A_239] : memref<80x128x256xf32, #tpu.memory_space<vmem>>, vector<1x128x256xf32>
    %get3A_241 = vector.shape_cast %get3A_240 : vector<1x128x256xf32> to vector<128x256xf32>
    %dot_general3A_242 = arith.constant dense<0.000000e+00> : vector<256x256xf32>
    %dot_general3A_243 = tpu.matmul %get3A_236, %get3A_241, %dot_general3A_242 {dimension_numbers = #tpu.dot_dimension_numbers<[1], [0], [0], [1], [0, 0, 1, 1], [], []>, transpose_lhs_hint = false} : vector<256x128xf32>, vector<128x256xf32>, vector<256x256xf32> -> vector<256x256xf32>
    %add3A_244 = arith.addf %add3A_231, %dot_general3A_243 : vector<256x256xf32>
    %get3A_245 = arith.constant 0 : index
    %get3A_246 = arith.constant 19 : index
    %get3A_247 = arith.constant 0 : index
    %get3A_248 = vector.load %arg1[%get3A_245, %get3A_246, %get3A_247] : memref<256x80x128xf32, #tpu.memory_space<vmem>>, vector<256x1x128xf32>
    %get3A_249 = vector.shape_cast %get3A_248 : vector<256x1x128xf32> to vector<256x128xf32>
    %get3A_250 = arith.constant 19 : index
    %get3A_251 = arith.constant 0 : index
    %get3A_252 = arith.constant 0 : index
    %get3A_253 = vector.load %arg2[%get3A_250, %get3A_251, %get3A_252] : memref<80x128x256xf32, #tpu.memory_space<vmem>>, vector<1x128x256xf32>
    %get3A_254 = vector.shape_cast %get3A_253 : vector<1x128x256xf32> to vector<128x256xf32>
    %dot_general3A_255 = arith.constant dense<0.000000e+00> : vector<256x256xf32>
    %dot_general3A_256 = tpu.matmul %get3A_249, %get3A_254, %dot_general3A_255 {dimension_numbers = #tpu.dot_dimension_numbers<[1], [0], [0], [1], [0, 0, 1, 1], [], []>, transpose_lhs_hint = false} : vector<256x128xf32>, vector<128x256xf32>, vector<256x256xf32> -> vector<256x256xf32>
    %add3A_257 = arith.addf %add3A_244, %dot_general3A_256 : vector<256x256xf32>
    %get3A_258 = arith.constant 0 : index
    %get3A_259 = arith.constant 20 : index
    %get3A_260 = arith.constant 0 : index
    %get3A_261 = vector.load %arg1[%get3A_258, %get3A_259, %get3A_260] : memref<256x80x128xf32, #tpu.memory_space<vmem>>, vector<256x1x128xf32>
    %get3A_262 = vector.shape_cast %get3A_261 : vector<256x1x128xf32> to vector<256x128xf32>
    %get3A_263 = arith.constant 20 : index
    %get3A_264 = arith.constant 0 : index
    %get3A_265 = arith.constant 0 : index
    %get3A_266 = vector.load %arg2[%get3A_263, %get3A_264, %get3A_265] : memref<80x128x256xf32, #tpu.memory_space<vmem>>, vector<1x128x256xf32>
    %get3A_267 = vector.shape_cast %get3A_266 : vector<1x128x256xf32> to vector<128x256xf32>
    %dot_general3A_268 = arith.constant dense<0.000000e+00> : vector<256x256xf32>
    %dot_general3A_269 = tpu.matmul %get3A_262, %get3A_267, %dot_general3A_268 {dimension_numbers = #tpu.dot_dimension_numbers<[1], [0], [0], [1], [0, 0, 1, 1], [], []>, transpose_lhs_hint = false} : vector<256x128xf32>, vector<128x256xf32>, vector<256x256xf32> -> vector<256x256xf32>
    %add3A_270 = arith.addf %add3A_257, %dot_general3A_269 : vector<256x256xf32>
    %get3A_271 = arith.constant 0 : index
    %get3A_272 = arith.constant 21 : index
    %get3A_273 = arith.constant 0 : index
    %get3A_274 = vector.load %arg1[%get3A_271, %get3A_272, %get3A_273] : memref<256x80x128xf32, #tpu.memory_space<vmem>>, vector<256x1x128xf32>
    %get3A_275 = vector.shape_cast %get3A_274 : vector<256x1x128xf32> to vector<256x128xf32>
    %get3A_276 = arith.constant 21 : index
    %get3A_277 = arith.constant 0 : index
    %get3A_278 = arith.constant 0 : index
    %get3A_279 = vector.load %arg2[%get3A_276, %get3A_277, %get3A_278] : memref<80x128x256xf32, #tpu.memory_space<vmem>>, vector<1x128x256xf32>
    %get3A_280 = vector.shape_cast %get3A_279 : vector<1x128x256xf32> to vector<128x256xf32>
    %dot_general3A_281 = arith.constant dense<0.000000e+00> : vector<256x256xf32>
    %dot_general3A_282 = tpu.matmul %get3A_275, %get3A_280, %dot_general3A_281 {dimension_numbers = #tpu.dot_dimension_numbers<[1], [0], [0], [1], [0, 0, 1, 1], [], []>, transpose_lhs_hint = false} : vector<256x128xf32>, vector<128x256xf32>, vector<256x256xf32> -> vector<256x256xf32>
    %add3A_283 = arith.addf %add3A_270, %dot_general3A_282 : vector<256x256xf32>
    %get3A_284 = arith.constant 0 : index
    %get3A_285 = arith.constant 22 : index
    %get3A_286 = arith.constant 0 : index
    %get3A_287 = vector.load %arg1[%get3A_284, %get3A_285, %get3A_286] : memref<256x80x128xf32, #tpu.memory_space<vmem>>, vector<256x1x128xf32>
    %get3A_288 = vector.shape_cast %get3A_287 : vector<256x1x128xf32> to vector<256x128xf32>
    %get3A_289 = arith.constant 22 : index
    %get3A_290 = arith.constant 0 : index
    %get3A_291 = arith.constant 0 : index
    %get3A_292 = vector.load %arg2[%get3A_289, %get3A_290, %get3A_291] : memref<80x128x256xf32, #tpu.memory_space<vmem>>, vector<1x128x256xf32>
    %get3A_293 = vector.shape_cast %get3A_292 : vector<1x128x256xf32> to vector<128x256xf32>
    %dot_general3A_294 = arith.constant dense<0.000000e+00> : vector<256x256xf32>
    %dot_general3A_295 = tpu.matmul %get3A_288, %get3A_293, %dot_general3A_294 {dimension_numbers = #tpu.dot_dimension_numbers<[1], [0], [0], [1], [0, 0, 1, 1], [], []>, transpose_lhs_hint = false} : vector<256x128xf32>, vector<128x256xf32>, vector<256x256xf32> -> vector<256x256xf32>
    %add3A_296 = arith.addf %add3A_283, %dot_general3A_295 : vector<256x256xf32>
    %get3A_297 = arith.constant 0 : index
    %get3A_298 = arith.constant 23 : index
    %get3A_299 = arith.constant 0 : index
    %get3A_300 = vector.load %arg1[%get3A_297, %get3A_298, %get3A_299] : memref<256x80x128xf32, #tpu.memory_space<vmem>>, vector<256x1x128xf32>
    %get3A_301 = vector.shape_cast %get3A_300 : vector<256x1x128xf32> to vector<256x128xf32>
    %get3A_302 = arith.constant 23 : index
    %get3A_303 = arith.constant 0 : index
    %get3A_304 = arith.constant 0 : index
    %get3A_305 = vector.load %arg2[%get3A_302, %get3A_303, %get3A_304] : memref<80x128x256xf32, #tpu.memory_space<vmem>>, vector<1x128x256xf32>
    %get3A_306 = vector.shape_cast %get3A_305 : vector<1x128x256xf32> to vector<128x256xf32>
    %dot_general3A_307 = arith.constant dense<0.000000e+00> : vector<256x256xf32>
    %dot_general3A_308 = tpu.matmul %get3A_301, %get3A_306, %dot_general3A_307 {dimension_numbers = #tpu.dot_dimension_numbers<[1], [0], [0], [1], [0, 0, 1, 1], [], []>, transpose_lhs_hint = false} : vector<256x128xf32>, vector<128x256xf32>, vector<256x256xf32> -> vector<256x256xf32>
    %add3A_309 = arith.addf %add3A_296, %dot_general3A_308 : vector<256x256xf32>
    %get3A_310 = arith.constant 0 : index
    %get3A_311 = arith.constant 24 : index
    %get3A_312 = arith.constant 0 : index
    %get3A_313 = vector.load %arg1[%get3A_310, %get3A_311, %get3A_312] : memref<256x80x128xf32, #tpu.memory_space<vmem>>, vector<256x1x128xf32>
    %get3A_314 = vector.shape_cast %get3A_313 : vector<256x1x128xf32> to vector<256x128xf32>
    %get3A_315 = arith.constant 24 : index
    %get3A_316 = arith.constant 0 : index
    %get3A_317 = arith.constant 0 : index
    %get3A_318 = vector.load %arg2[%get3A_315, %get3A_316, %get3A_317] : memref<80x128x256xf32, #tpu.memory_space<vmem>>, vector<1x128x256xf32>
    %get3A_319 = vector.shape_cast %get3A_318 : vector<1x128x256xf32> to vector<128x256xf32>
    %dot_general3A_320 = arith.constant dense<0.000000e+00> : vector<256x256xf32>
    %dot_general3A_321 = tpu.matmul %get3A_314, %get3A_319, %dot_general3A_320 {dimension_numbers = #tpu.dot_dimension_numbers<[1], [0], [0], [1], [0, 0, 1, 1], [], []>, transpose_lhs_hint = false} : vector<256x128xf32>, vector<128x256xf32>, vector<256x256xf32> -> vector<256x256xf32>
    %add3A_322 = arith.addf %add3A_309, %dot_general3A_321 : vector<256x256xf32>
    %get3A_323 = arith.constant 0 : index
    %get3A_324 = arith.constant 25 : index
    %get3A_325 = arith.constant 0 : index
    %get3A_326 = vector.load %arg1[%get3A_323, %get3A_324, %get3A_325] : memref<256x80x128xf32, #tpu.memory_space<vmem>>, vector<256x1x128xf32>
    %get3A_327 = vector.shape_cast %get3A_326 : vector<256x1x128xf32> to vector<256x128xf32>
    %get3A_328 = arith.constant 25 : index
    %get3A_329 = arith.constant 0 : index
    %get3A_330 = arith.constant 0 : index
    %get3A_331 = vector.load %arg2[%get3A_328, %get3A_329, %get3A_330] : memref<80x128x256xf32, #tpu.memory_space<vmem>>, vector<1x128x256xf32>
    %get3A_332 = vector.shape_cast %get3A_331 : vector<1x128x256xf32> to vector<128x256xf32>
    %dot_general3A_333 = arith.constant dense<0.000000e+00> : vector<256x256xf32>
    %dot_general3A_334 = tpu.matmul %get3A_327, %get3A_332, %dot_general3A_333 {dimension_numbers = #tpu.dot_dimension_numbers<[1], [0], [0], [1], [0, 0, 1, 1], [], []>, transpose_lhs_hint = false} : vector<256x128xf32>, vector<128x256xf32>, vector<256x256xf32> -> vector<256x256xf32>
    %add3A_335 = arith.addf %add3A_322, %dot_general3A_334 : vector<256x256xf32>
    %get3A_336 = arith.constant 0 : index
    %get3A_337 = arith.constant 26 : index
    %get3A_338 = arith.constant 0 : index
    %get3A_339 = vector.load %arg1[%get3A_336, %get3A_337, %get3A_338] : memref<256x80x128xf32, #tpu.memory_space<vmem>>, vector<256x1x128xf32>
    %get3A_340 = vector.shape_cast %get3A_339 : vector<256x1x128xf32> to vector<256x128xf32>
    %get3A_341 = arith.constant 26 : index
    %get3A_342 = arith.constant 0 : index
    %get3A_343 = arith.constant 0 : index
    %get3A_344 = vector.load %arg2[%get3A_341, %get3A_342, %get3A_343] : memref<80x128x256xf32, #tpu.memory_space<vmem>>, vector<1x128x256xf32>
    %get3A_345 = vector.shape_cast %get3A_344 : vector<1x128x256xf32> to vector<128x256xf32>
    %dot_general3A_346 = arith.constant dense<0.000000e+00> : vector<256x256xf32>
    %dot_general3A_347 = tpu.matmul %get3A_340, %get3A_345, %dot_general3A_346 {dimension_numbers = #tpu.dot_dimension_numbers<[1], [0], [0], [1], [0, 0, 1, 1], [], []>, transpose_lhs_hint = false} : vector<256x128xf32>, vector<128x256xf32>, vector<256x256xf32> -> vector<256x256xf32>
    %add3A_348 = arith.addf %add3A_335, %dot_general3A_347 : vector<256x256xf32>
    %get3A_349 = arith.constant 0 : index
    %get3A_350 = arith.constant 27 : index
    %get3A_351 = arith.constant 0 : index
    %get3A_352 = vector.load %arg1[%get3A_349, %get3A_350, %get3A_351] : memref<256x80x128xf32, #tpu.memory_space<vmem>>, vector<256x1x128xf32>
    %get3A_353 = vector.shape_cast %get3A_352 : vector<256x1x128xf32> to vector<256x128xf32>
    %get3A_354 = arith.constant 27 : index
    %get3A_355 = arith.constant 0 : index
    %get3A_356 = arith.constant 0 : index
    %get3A_357 = vector.load %arg2[%get3A_354, %get3A_355, %get3A_356] : memref<80x128x256xf32, #tpu.memory_space<vmem>>, vector<1x128x256xf32>
    %get3A_358 = vector.shape_cast %get3A_357 : vector<1x128x256xf32> to vector<128x256xf32>
    %dot_general3A_359 = arith.constant dense<0.000000e+00> : vector<256x256xf32>
    %dot_general3A_360 = tpu.matmul %get3A_353, %get3A_358, %dot_general3A_359 {dimension_numbers = #tpu.dot_dimension_numbers<[1], [0], [0], [1], [0, 0, 1, 1], [], []>, transpose_lhs_hint = false} : vector<256x128xf32>, vector<128x256xf32>, vector<256x256xf32> -> vector<256x256xf32>
    %add3A_361 = arith.addf %add3A_348, %dot_general3A_360 : vector<256x256xf32>
    %get3A_362 = arith.constant 0 : index
    %get3A_363 = arith.constant 28 : index
    %get3A_364 = arith.constant 0 : index
    %get3A_365 = vector.load %arg1[%get3A_362, %get3A_363, %get3A_364] : memref<256x80x128xf32, #tpu.memory_space<vmem>>, vector<256x1x128xf32>
    %get3A_366 = vector.shape_cast %get3A_365 : vector<256x1x128xf32> to vector<256x128xf32>
    %get3A_367 = arith.constant 28 : index
    %get3A_368 = arith.constant 0 : index
    %get3A_369 = arith.constant 0 : index
    %get3A_370 = vector.load %arg2[%get3A_367, %get3A_368, %get3A_369] : memref<80x128x256xf32, #tpu.memory_space<vmem>>, vector<1x128x256xf32>
    %get3A_371 = vector.shape_cast %get3A_370 : vector<1x128x256xf32> to vector<128x256xf32>
    %dot_general3A_372 = arith.constant dense<0.000000e+00> : vector<256x256xf32>
    %dot_general3A_373 = tpu.matmul %get3A_366, %get3A_371, %dot_general3A_372 {dimension_numbers = #tpu.dot_dimension_numbers<[1], [0], [0], [1], [0, 0, 1, 1], [], []>, transpose_lhs_hint = false} : vector<256x128xf32>, vector<128x256xf32>, vector<256x256xf32> -> vector<256x256xf32>
    %add3A_374 = arith.addf %add3A_361, %dot_general3A_373 : vector<256x256xf32>
    %get3A_375 = arith.constant 0 : index
    %get3A_376 = arith.constant 29 : index
    %get3A_377 = arith.constant 0 : index
    %get3A_378 = vector.load %arg1[%get3A_375, %get3A_376, %get3A_377] : memref<256x80x128xf32, #tpu.memory_space<vmem>>, vector<256x1x128xf32>
    %get3A_379 = vector.shape_cast %get3A_378 : vector<256x1x128xf32> to vector<256x128xf32>
    %get3A_380 = arith.constant 29 : index
    %get3A_381 = arith.constant 0 : index
    %get3A_382 = arith.constant 0 : index
    %get3A_383 = vector.load %arg2[%get3A_380, %get3A_381, %get3A_382] : memref<80x128x256xf32, #tpu.memory_space<vmem>>, vector<1x128x256xf32>
    %get3A_384 = vector.shape_cast %get3A_383 : vector<1x128x256xf32> to vector<128x256xf32>
    %dot_general3A_385 = arith.constant dense<0.000000e+00> : vector<256x256xf32>
    %dot_general3A_386 = tpu.matmul %get3A_379, %get3A_384, %dot_general3A_385 {dimension_numbers = #tpu.dot_dimension_numbers<[1], [0], [0], [1], [0, 0, 1, 1], [], []>, transpose_lhs_hint = false} : vector<256x128xf32>, vector<128x256xf32>, vector<256x256xf32> -> vector<256x256xf32>
    %add3A_387 = arith.addf %add3A_374, %dot_general3A_386 : vector<256x256xf32>
    %get3A_388 = arith.constant 0 : index
    %get3A_389 = arith.constant 30 : index
    %get3A_390 = arith.constant 0 : index
    %get3A_391 = vector.load %arg1[%get3A_388, %get3A_389, %get3A_390] : memref<256x80x128xf32, #tpu.memory_space<vmem>>, vector<256x1x128xf32>
    %get3A_392 = vector.shape_cast %get3A_391 : vector<256x1x128xf32> to vector<256x128xf32>
    %get3A_393 = arith.constant 30 : index
    %get3A_394 = arith.constant 0 : index
    %get3A_395 = arith.constant 0 : index
    %get3A_396 = vector.load %arg2[%get3A_393, %get3A_394, %get3A_395] : memref<80x128x256xf32, #tpu.memory_space<vmem>>, vector<1x128x256xf32>
    %get3A_397 = vector.shape_cast %get3A_396 : vector<1x128x256xf32> to vector<128x256xf32>
    %dot_general3A_398 = arith.constant dense<0.000000e+00> : vector<256x256xf32>
    %dot_general3A_399 = tpu.matmul %get3A_392, %get3A_397, %dot_general3A_398 {dimension_numbers = #tpu.dot_dimension_numbers<[1], [0], [0], [1], [0, 0, 1, 1], [], []>, transpose_lhs_hint = false} : vector<256x128xf32>, vector<128x256xf32>, vector<256x256xf32> -> vector<256x256xf32>
    %add3A_400 = arith.addf %add3A_387, %dot_general3A_399 : vector<256x256xf32>
    %get3A_401 = arith.constant 0 : index
    %get3A_402 = arith.constant 31 : index
    %get3A_403 = arith.constant 0 : index
    %get3A_404 = vector.load %arg1[%get3A_401, %get3A_402, %get3A_403] : memref<256x80x128xf32, #tpu.memory_space<vmem>>, vector<256x1x128xf32>
    %get3A_405 = vector.shape_cast %get3A_404 : vector<256x1x128xf32> to vector<256x128xf32>
    %get3A_406 = arith.constant 31 : index
    %get3A_407 = arith.constant 0 : index
    %get3A_408 = arith.constant 0 : index
    %get3A_409 = vector.load %arg2[%get3A_406, %get3A_407, %get3A_408] : memref<80x128x256xf32, #tpu.memory_space<vmem>>, vector<1x128x256xf32>
    %get3A_410 = vector.shape_cast %get3A_409 : vector<1x128x256xf32> to vector<128x256xf32>
    %dot_general3A_411 = arith.constant dense<0.000000e+00> : vector<256x256xf32>
    %dot_general3A_412 = tpu.matmul %get3A_405, %get3A_410, %dot_general3A_411 {dimension_numbers = #tpu.dot_dimension_numbers<[1], [0], [0], [1], [0, 0, 1, 1], [], []>, transpose_lhs_hint = false} : vector<256x128xf32>, vector<128x256xf32>, vector<256x256xf32> -> vector<256x256xf32>
    %add3A_413 = arith.addf %add3A_400, %dot_general3A_412 : vector<256x256xf32>
    %get3A_414 = arith.constant 0 : index
    %get3A_415 = arith.constant 32 : index
    %get3A_416 = arith.constant 0 : index
    %get3A_417 = vector.load %arg1[%get3A_414, %get3A_415, %get3A_416] : memref<256x80x128xf32, #tpu.memory_space<vmem>>, vector<256x1x128xf32>
    %get3A_418 = vector.shape_cast %get3A_417 : vector<256x1x128xf32> to vector<256x128xf32>
    %get3A_419 = arith.constant 32 : index
    %get3A_420 = arith.constant 0 : index
    %get3A_421 = arith.constant 0 : index
    %get3A_422 = vector.load %arg2[%get3A_419, %get3A_420, %get3A_421] : memref<80x128x256xf32, #tpu.memory_space<vmem>>, vector<1x128x256xf32>
    %get3A_423 = vector.shape_cast %get3A_422 : vector<1x128x256xf32> to vector<128x256xf32>
    %dot_general3A_424 = arith.constant dense<0.000000e+00> : vector<256x256xf32>
    %dot_general3A_425 = tpu.matmul %get3A_418, %get3A_423, %dot_general3A_424 {dimension_numbers = #tpu.dot_dimension_numbers<[1], [0], [0], [1], [0, 0, 1, 1], [], []>, transpose_lhs_hint = false} : vector<256x128xf32>, vector<128x256xf32>, vector<256x256xf32> -> vector<256x256xf32>
    %add3A_426 = arith.addf %add3A_413, %dot_general3A_425 : vector<256x256xf32>
    %get3A_427 = arith.constant 0 : index
    %get3A_428 = arith.constant 33 : index
    %get3A_429 = arith.constant 0 : index
    %get3A_430 = vector.load %arg1[%get3A_427, %get3A_428, %get3A_429] : memref<256x80x128xf32, #tpu.memory_space<vmem>>, vector<256x1x128xf32>
    %get3A_431 = vector.shape_cast %get3A_430 : vector<256x1x128xf32> to vector<256x128xf32>
    %get3A_432 = arith.constant 33 : index
    %get3A_433 = arith.constant 0 : index
    %get3A_434 = arith.constant 0 : index
    %get3A_435 = vector.load %arg2[%get3A_432, %get3A_433, %get3A_434] : memref<80x128x256xf32, #tpu.memory_space<vmem>>, vector<1x128x256xf32>
    %get3A_436 = vector.shape_cast %get3A_435 : vector<1x128x256xf32> to vector<128x256xf32>
    %dot_general3A_437 = arith.constant dense<0.000000e+00> : vector<256x256xf32>
    %dot_general3A_438 = tpu.matmul %get3A_431, %get3A_436, %dot_general3A_437 {dimension_numbers = #tpu.dot_dimension_numbers<[1], [0], [0], [1], [0, 0, 1, 1], [], []>, transpose_lhs_hint = false} : vector<256x128xf32>, vector<128x256xf32>, vector<256x256xf32> -> vector<256x256xf32>
    %add3A_439 = arith.addf %add3A_426, %dot_general3A_438 : vector<256x256xf32>
    %get3A_440 = arith.constant 0 : index
    %get3A_441 = arith.constant 34 : index
    %get3A_442 = arith.constant 0 : index
    %get3A_443 = vector.load %arg1[%get3A_440, %get3A_441, %get3A_442] : memref<256x80x128xf32, #tpu.memory_space<vmem>>, vector<256x1x128xf32>
    %get3A_444 = vector.shape_cast %get3A_443 : vector<256x1x128xf32> to vector<256x128xf32>
    %get3A_445 = arith.constant 34 : index
    %get3A_446 = arith.constant 0 : index
    %get3A_447 = arith.constant 0 : index
    %get3A_448 = vector.load %arg2[%get3A_445, %get3A_446, %get3A_447] : memref<80x128x256xf32, #tpu.memory_space<vmem>>, vector<1x128x256xf32>
    %get3A_449 = vector.shape_cast %get3A_448 : vector<1x128x256xf32> to vector<128x256xf32>
    %dot_general3A_450 = arith.constant dense<0.000000e+00> : vector<256x256xf32>
    %dot_general3A_451 = tpu.matmul %get3A_444, %get3A_449, %dot_general3A_450 {dimension_numbers = #tpu.dot_dimension_numbers<[1], [0], [0], [1], [0, 0, 1, 1], [], []>, transpose_lhs_hint = false} : vector<256x128xf32>, vector<128x256xf32>, vector<256x256xf32> -> vector<256x256xf32>
    %add3A_452 = arith.addf %add3A_439, %dot_general3A_451 : vector<256x256xf32>
    %get3A_453 = arith.constant 0 : index
    %get3A_454 = arith.constant 35 : index
    %get3A_455 = arith.constant 0 : index
    %get3A_456 = vector.load %arg1[%get3A_453, %get3A_454, %get3A_455] : memref<256x80x128xf32, #tpu.memory_space<vmem>>, vector<256x1x128xf32>
    %get3A_457 = vector.shape_cast %get3A_456 : vector<256x1x128xf32> to vector<256x128xf32>
    %get3A_458 = arith.constant 35 : index
    %get3A_459 = arith.constant 0 : index
    %get3A_460 = arith.constant 0 : index
    %get3A_461 = vector.load %arg2[%get3A_458, %get3A_459, %get3A_460] : memref<80x128x256xf32, #tpu.memory_space<vmem>>, vector<1x128x256xf32>
    %get3A_462 = vector.shape_cast %get3A_461 : vector<1x128x256xf32> to vector<128x256xf32>
    %dot_general3A_463 = arith.constant dense<0.000000e+00> : vector<256x256xf32>
    %dot_general3A_464 = tpu.matmul %get3A_457, %get3A_462, %dot_general3A_463 {dimension_numbers = #tpu.dot_dimension_numbers<[1], [0], [0], [1], [0, 0, 1, 1], [], []>, transpose_lhs_hint = false} : vector<256x128xf32>, vector<128x256xf32>, vector<256x256xf32> -> vector<256x256xf32>
    %add3A_465 = arith.addf %add3A_452, %dot_general3A_464 : vector<256x256xf32>
    %get3A_466 = arith.constant 0 : index
    %get3A_467 = arith.constant 36 : index
    %get3A_468 = arith.constant 0 : index
    %get3A_469 = vector.load %arg1[%get3A_466, %get3A_467, %get3A_468] : memref<256x80x128xf32, #tpu.memory_space<vmem>>, vector<256x1x128xf32>
    %get3A_470 = vector.shape_cast %get3A_469 : vector<256x1x128xf32> to vector<256x128xf32>
    %get3A_471 = arith.constant 36 : index
    %get3A_472 = arith.constant 0 : index
    %get3A_473 = arith.constant 0 : index
    %get3A_474 = vector.load %arg2[%get3A_471, %get3A_472, %get3A_473] : memref<80x128x256xf32, #tpu.memory_space<vmem>>, vector<1x128x256xf32>
    %get3A_475 = vector.shape_cast %get3A_474 : vector<1x128x256xf32> to vector<128x256xf32>
    %dot_general3A_476 = arith.constant dense<0.000000e+00> : vector<256x256xf32>
    %dot_general3A_477 = tpu.matmul %get3A_470, %get3A_475, %dot_general3A_476 {dimension_numbers = #tpu.dot_dimension_numbers<[1], [0], [0], [1], [0, 0, 1, 1], [], []>, transpose_lhs_hint = false} : vector<256x128xf32>, vector<128x256xf32>, vector<256x256xf32> -> vector<256x256xf32>
    %add3A_478 = arith.addf %add3A_465, %dot_general3A_477 : vector<256x256xf32>
    %get3A_479 = arith.constant 0 : index
    %get3A_480 = arith.constant 37 : index
    %get3A_481 = arith.constant 0 : index
    %get3A_482 = vector.load %arg1[%get3A_479, %get3A_480, %get3A_481] : memref<256x80x128xf32, #tpu.memory_space<vmem>>, vector<256x1x128xf32>
    %get3A_483 = vector.shape_cast %get3A_482 : vector<256x1x128xf32> to vector<256x128xf32>
    %get3A_484 = arith.constant 37 : index
    %get3A_485 = arith.constant 0 : index
    %get3A_486 = arith.constant 0 : index
    %get3A_487 = vector.load %arg2[%get3A_484, %get3A_485, %get3A_486] : memref<80x128x256xf32, #tpu.memory_space<vmem>>, vector<1x128x256xf32>
    %get3A_488 = vector.shape_cast %get3A_487 : vector<1x128x256xf32> to vector<128x256xf32>
    %dot_general3A_489 = arith.constant dense<0.000000e+00> : vector<256x256xf32>
    %dot_general3A_490 = tpu.matmul %get3A_483, %get3A_488, %dot_general3A_489 {dimension_numbers = #tpu.dot_dimension_numbers<[1], [0], [0], [1], [0, 0, 1, 1], [], []>, transpose_lhs_hint = false} : vector<256x128xf32>, vector<128x256xf32>, vector<256x256xf32> -> vector<256x256xf32>
    %add3A_491 = arith.addf %add3A_478, %dot_general3A_490 : vector<256x256xf32>
    %get3A_492 = arith.constant 0 : index
    %get3A_493 = arith.constant 38 : index
    %get3A_494 = arith.constant 0 : index
    %get3A_495 = vector.load %arg1[%get3A_492, %get3A_493, %get3A_494] : memref<256x80x128xf32, #tpu.memory_space<vmem>>, vector<256x1x128xf32>
    %get3A_496 = vector.shape_cast %get3A_495 : vector<256x1x128xf32> to vector<256x128xf32>
    %get3A_497 = arith.constant 38 : index
    %get3A_498 = arith.constant 0 : index
    %get3A_499 = arith.constant 0 : index
    %get3A_500 = vector.load %arg2[%get3A_497, %get3A_498, %get3A_499] : memref<80x128x256xf32, #tpu.memory_space<vmem>>, vector<1x128x256xf32>
    %get3A_501 = vector.shape_cast %get3A_500 : vector<1x128x256xf32> to vector<128x256xf32>
    %dot_general3A_502 = arith.constant dense<0.000000e+00> : vector<256x256xf32>
    %dot_general3A_503 = tpu.matmul %get3A_496, %get3A_501, %dot_general3A_502 {dimension_numbers = #tpu.dot_dimension_numbers<[1], [0], [0], [1], [0, 0, 1, 1], [], []>, transpose_lhs_hint = false} : vector<256x128xf32>, vector<128x256xf32>, vector<256x256xf32> -> vector<256x256xf32>
    %add3A_504 = arith.addf %add3A_491, %dot_general3A_503 : vector<256x256xf32>
    %get3A_505 = arith.constant 0 : index
    %get3A_506 = arith.constant 39 : index
    %get3A_507 = arith.constant 0 : index
    %get3A_508 = vector.load %arg1[%get3A_505, %get3A_506, %get3A_507] : memref<256x80x128xf32, #tpu.memory_space<vmem>>, vector<256x1x128xf32>
    %get3A_509 = vector.shape_cast %get3A_508 : vector<256x1x128xf32> to vector<256x128xf32>
    %get3A_510 = arith.constant 39 : index
    %get3A_511 = arith.constant 0 : index
    %get3A_512 = arith.constant 0 : index
    %get3A_513 = vector.load %arg2[%get3A_510, %get3A_511, %get3A_512] : memref<80x128x256xf32, #tpu.memory_space<vmem>>, vector<1x128x256xf32>
    %get3A_514 = vector.shape_cast %get3A_513 : vector<1x128x256xf32> to vector<128x256xf32>
    %dot_general3A_515 = arith.constant dense<0.000000e+00> : vector<256x256xf32>
    %dot_general3A_516 = tpu.matmul %get3A_509, %get3A_514, %dot_general3A_515 {dimension_numbers = #tpu.dot_dimension_numbers<[1], [0], [0], [1], [0, 0, 1, 1], [], []>, transpose_lhs_hint = false} : vector<256x128xf32>, vector<128x256xf32>, vector<256x256xf32> -> vector<256x256xf32>
    %add3A_517 = arith.addf %add3A_504, %dot_general3A_516 : vector<256x256xf32>
    %get3A_518 = arith.constant 0 : index
    %get3A_519 = arith.constant 40 : index
    %get3A_520 = arith.constant 0 : index
    %get3A_521 = vector.load %arg1[%get3A_518, %get3A_519, %get3A_520] : memref<256x80x128xf32, #tpu.memory_space<vmem>>, vector<256x1x128xf32>
    %get3A_522 = vector.shape_cast %get3A_521 : vector<256x1x128xf32> to vector<256x128xf32>
    %get3A_523 = arith.constant 40 : index
    %get3A_524 = arith.constant 0 : index
    %get3A_525 = arith.constant 0 : index
    %get3A_526 = vector.load %arg2[%get3A_523, %get3A_524, %get3A_525] : memref<80x128x256xf32, #tpu.memory_space<vmem>>, vector<1x128x256xf32>
    %get3A_527 = vector.shape_cast %get3A_526 : vector<1x128x256xf32> to vector<128x256xf32>
    %dot_general3A_528 = arith.constant dense<0.000000e+00> : vector<256x256xf32>
    %dot_general3A_529 = tpu.matmul %get3A_522, %get3A_527, %dot_general3A_528 {dimension_numbers = #tpu.dot_dimension_numbers<[1], [0], [0], [1], [0, 0, 1, 1], [], []>, transpose_lhs_hint = false} : vector<256x128xf32>, vector<128x256xf32>, vector<256x256xf32> -> vector<256x256xf32>
    %add3A_530 = arith.addf %add3A_517, %dot_general3A_529 : vector<256x256xf32>
    %get3A_531 = arith.constant 0 : index
    %get3A_532 = arith.constant 41 : index
    %get3A_533 = arith.constant 0 : index
    %get3A_534 = vector.load %arg1[%get3A_531, %get3A_532, %get3A_533] : memref<256x80x128xf32, #tpu.memory_space<vmem>>, vector<256x1x128xf32>
    %get3A_535 = vector.shape_cast %get3A_534 : vector<256x1x128xf32> to vector<256x128xf32>
    %get3A_536 = arith.constant 41 : index
    %get3A_537 = arith.constant 0 : index
    %get3A_538 = arith.constant 0 : index
    %get3A_539 = vector.load %arg2[%get3A_536, %get3A_537, %get3A_538] : memref<80x128x256xf32, #tpu.memory_space<vmem>>, vector<1x128x256xf32>
    %get3A_540 = vector.shape_cast %get3A_539 : vector<1x128x256xf32> to vector<128x256xf32>
    %dot_general3A_541 = arith.constant dense<0.000000e+00> : vector<256x256xf32>
    %dot_general3A_542 = tpu.matmul %get3A_535, %get3A_540, %dot_general3A_541 {dimension_numbers = #tpu.dot_dimension_numbers<[1], [0], [0], [1], [0, 0, 1, 1], [], []>, transpose_lhs_hint = false} : vector<256x128xf32>, vector<128x256xf32>, vector<256x256xf32> -> vector<256x256xf32>
    %add3A_543 = arith.addf %add3A_530, %dot_general3A_542 : vector<256x256xf32>
    %get3A_544 = arith.constant 0 : index
    %get3A_545 = arith.constant 42 : index
    %get3A_546 = arith.constant 0 : index
    %get3A_547 = vector.load %arg1[%get3A_544, %get3A_545, %get3A_546] : memref<256x80x128xf32, #tpu.memory_space<vmem>>, vector<256x1x128xf32>
    %get3A_548 = vector.shape_cast %get3A_547 : vector<256x1x128xf32> to vector<256x128xf32>
    %get3A_549 = arith.constant 42 : index
    %get3A_550 = arith.constant 0 : index
    %get3A_551 = arith.constant 0 : index
    %get3A_552 = vector.load %arg2[%get3A_549, %get3A_550, %get3A_551] : memref<80x128x256xf32, #tpu.memory_space<vmem>>, vector<1x128x256xf32>
    %get3A_553 = vector.shape_cast %get3A_552 : vector<1x128x256xf32> to vector<128x256xf32>
    %dot_general3A_554 = arith.constant dense<0.000000e+00> : vector<256x256xf32>
    %dot_general3A_555 = tpu.matmul %get3A_548, %get3A_553, %dot_general3A_554 {dimension_numbers = #tpu.dot_dimension_numbers<[1], [0], [0], [1], [0, 0, 1, 1], [], []>, transpose_lhs_hint = false} : vector<256x128xf32>, vector<128x256xf32>, vector<256x256xf32> -> vector<256x256xf32>
    %add3A_556 = arith.addf %add3A_543, %dot_general3A_555 : vector<256x256xf32>
    %get3A_557 = arith.constant 0 : index
    %get3A_558 = arith.constant 43 : index
    %get3A_559 = arith.constant 0 : index
    %get3A_560 = vector.load %arg1[%get3A_557, %get3A_558, %get3A_559] : memref<256x80x128xf32, #tpu.memory_space<vmem>>, vector<256x1x128xf32>
    %get3A_561 = vector.shape_cast %get3A_560 : vector<256x1x128xf32> to vector<256x128xf32>
    %get3A_562 = arith.constant 43 : index
    %get3A_563 = arith.constant 0 : index
    %get3A_564 = arith.constant 0 : index
    %get3A_565 = vector.load %arg2[%get3A_562, %get3A_563, %get3A_564] : memref<80x128x256xf32, #tpu.memory_space<vmem>>, vector<1x128x256xf32>
    %get3A_566 = vector.shape_cast %get3A_565 : vector<1x128x256xf32> to vector<128x256xf32>
    %dot_general3A_567 = arith.constant dense<0.000000e+00> : vector<256x256xf32>
    %dot_general3A_568 = tpu.matmul %get3A_561, %get3A_566, %dot_general3A_567 {dimension_numbers = #tpu.dot_dimension_numbers<[1], [0], [0], [1], [0, 0, 1, 1], [], []>, transpose_lhs_hint = false} : vector<256x128xf32>, vector<128x256xf32>, vector<256x256xf32> -> vector<256x256xf32>
    %add3A_569 = arith.addf %add3A_556, %dot_general3A_568 : vector<256x256xf32>
    %get3A_570 = arith.constant 0 : index
    %get3A_571 = arith.constant 44 : index
    %get3A_572 = arith.constant 0 : index
    %get3A_573 = vector.load %arg1[%get3A_570, %get3A_571, %get3A_572] : memref<256x80x128xf32, #tpu.memory_space<vmem>>, vector<256x1x128xf32>
    %get3A_574 = vector.shape_cast %get3A_573 : vector<256x1x128xf32> to vector<256x128xf32>
    %get3A_575 = arith.constant 44 : index
    %get3A_576 = arith.constant 0 : index
    %get3A_577 = arith.constant 0 : index
    %get3A_578 = vector.load %arg2[%get3A_575, %get3A_576, %get3A_577] : memref<80x128x256xf32, #tpu.memory_space<vmem>>, vector<1x128x256xf32>
    %get3A_579 = vector.shape_cast %get3A_578 : vector<1x128x256xf32> to vector<128x256xf32>
    %dot_general3A_580 = arith.constant dense<0.000000e+00> : vector<256x256xf32>
    %dot_general3A_581 = tpu.matmul %get3A_574, %get3A_579, %dot_general3A_580 {dimension_numbers = #tpu.dot_dimension_numbers<[1], [0], [0], [1], [0, 0, 1, 1], [], []>, transpose_lhs_hint = false} : vector<256x128xf32>, vector<128x256xf32>, vector<256x256xf32> -> vector<256x256xf32>
    %add3A_582 = arith.addf %add3A_569, %dot_general3A_581 : vector<256x256xf32>
    %get3A_583 = arith.constant 0 : index
    %get3A_584 = arith.constant 45 : index
    %get3A_585 = arith.constant 0 : index
    %get3A_586 = vector.load %arg1[%get3A_583, %get3A_584, %get3A_585] : memref<256x80x128xf32, #tpu.memory_space<vmem>>, vector<256x1x128xf32>
    %get3A_587 = vector.shape_cast %get3A_586 : vector<256x1x128xf32> to vector<256x128xf32>
    %get3A_588 = arith.constant 45 : index
    %get3A_589 = arith.constant 0 : index
    %get3A_590 = arith.constant 0 : index
    %get3A_591 = vector.load %arg2[%get3A_588, %get3A_589, %get3A_590] : memref<80x128x256xf32, #tpu.memory_space<vmem>>, vector<1x128x256xf32>
    %get3A_592 = vector.shape_cast %get3A_591 : vector<1x128x256xf32> to vector<128x256xf32>
    %dot_general3A_593 = arith.constant dense<0.000000e+00> : vector<256x256xf32>
    %dot_general3A_594 = tpu.matmul %get3A_587, %get3A_592, %dot_general3A_593 {dimension_numbers = #tpu.dot_dimension_numbers<[1], [0], [0], [1], [0, 0, 1, 1], [], []>, transpose_lhs_hint = false} : vector<256x128xf32>, vector<128x256xf32>, vector<256x256xf32> -> vector<256x256xf32>
    %add3A_595 = arith.addf %add3A_582, %dot_general3A_594 : vector<256x256xf32>
    %get3A_596 = arith.constant 0 : index
    %get3A_597 = arith.constant 46 : index
    %get3A_598 = arith.constant 0 : index
    %get3A_599 = vector.load %arg1[%get3A_596, %get3A_597, %get3A_598] : memref<256x80x128xf32, #tpu.memory_space<vmem>>, vector<256x1x128xf32>
    %get3A_600 = vector.shape_cast %get3A_599 : vector<256x1x128xf32> to vector<256x128xf32>
    %get3A_601 = arith.constant 46 : index
    %get3A_602 = arith.constant 0 : index
    %get3A_603 = arith.constant 0 : index
    %get3A_604 = vector.load %arg2[%get3A_601, %get3A_602, %get3A_603] : memref<80x128x256xf32, #tpu.memory_space<vmem>>, vector<1x128x256xf32>
    %get3A_605 = vector.shape_cast %get3A_604 : vector<1x128x256xf32> to vector<128x256xf32>
    %dot_general3A_606 = arith.constant dense<0.000000e+00> : vector<256x256xf32>
    %dot_general3A_607 = tpu.matmul %get3A_600, %get3A_605, %dot_general3A_606 {dimension_numbers = #tpu.dot_dimension_numbers<[1], [0], [0], [1], [0, 0, 1, 1], [], []>, transpose_lhs_hint = false} : vector<256x128xf32>, vector<128x256xf32>, vector<256x256xf32> -> vector<256x256xf32>
    %add3A_608 = arith.addf %add3A_595, %dot_general3A_607 : vector<256x256xf32>
    %get3A_609 = arith.constant 0 : index
    %get3A_610 = arith.constant 47 : index
    %get3A_611 = arith.constant 0 : index
    %get3A_612 = vector.load %arg1[%get3A_609, %get3A_610, %get3A_611] : memref<256x80x128xf32, #tpu.memory_space<vmem>>, vector<256x1x128xf32>
    %get3A_613 = vector.shape_cast %get3A_612 : vector<256x1x128xf32> to vector<256x128xf32>
    %get3A_614 = arith.constant 47 : index
    %get3A_615 = arith.constant 0 : index
    %get3A_616 = arith.constant 0 : index
    %get3A_617 = vector.load %arg2[%get3A_614, %get3A_615, %get3A_616] : memref<80x128x256xf32, #tpu.memory_space<vmem>>, vector<1x128x256xf32>
    %get3A_618 = vector.shape_cast %get3A_617 : vector<1x128x256xf32> to vector<128x256xf32>
    %dot_general3A_619 = arith.constant dense<0.000000e+00> : vector<256x256xf32>
    %dot_general3A_620 = tpu.matmul %get3A_613, %get3A_618, %dot_general3A_619 {dimension_numbers = #tpu.dot_dimension_numbers<[1], [0], [0], [1], [0, 0, 1, 1], [], []>, transpose_lhs_hint = false} : vector<256x128xf32>, vector<128x256xf32>, vector<256x256xf32> -> vector<256x256xf32>
    %add3A_621 = arith.addf %add3A_608, %dot_general3A_620 : vector<256x256xf32>
    %get3A_622 = arith.constant 0 : index
    %get3A_623 = arith.constant 48 : index
    %get3A_624 = arith.constant 0 : index
    %get3A_625 = vector.load %arg1[%get3A_622, %get3A_623, %get3A_624] : memref<256x80x128xf32, #tpu.memory_space<vmem>>, vector<256x1x128xf32>
    %get3A_626 = vector.shape_cast %get3A_625 : vector<256x1x128xf32> to vector<256x128xf32>
    %get3A_627 = arith.constant 48 : index
    %get3A_628 = arith.constant 0 : index
    %get3A_629 = arith.constant 0 : index
    %get3A_630 = vector.load %arg2[%get3A_627, %get3A_628, %get3A_629] : memref<80x128x256xf32, #tpu.memory_space<vmem>>, vector<1x128x256xf32>
    %get3A_631 = vector.shape_cast %get3A_630 : vector<1x128x256xf32> to vector<128x256xf32>
    %dot_general3A_632 = arith.constant dense<0.000000e+00> : vector<256x256xf32>
    %dot_general3A_633 = tpu.matmul %get3A_626, %get3A_631, %dot_general3A_632 {dimension_numbers = #tpu.dot_dimension_numbers<[1], [0], [0], [1], [0, 0, 1, 1], [], []>, transpose_lhs_hint = false} : vector<256x128xf32>, vector<128x256xf32>, vector<256x256xf32> -> vector<256x256xf32>
    %add3A_634 = arith.addf %add3A_621, %dot_general3A_633 : vector<256x256xf32>
    %get3A_635 = arith.constant 0 : index
    %get3A_636 = arith.constant 49 : index
    %get3A_637 = arith.constant 0 : index
    %get3A_638 = vector.load %arg1[%get3A_635, %get3A_636, %get3A_637] : memref<256x80x128xf32, #tpu.memory_space<vmem>>, vector<256x1x128xf32>
    %get3A_639 = vector.shape_cast %get3A_638 : vector<256x1x128xf32> to vector<256x128xf32>
    %get3A_640 = arith.constant 49 : index
    %get3A_641 = arith.constant 0 : index
    %get3A_642 = arith.constant 0 : index
    %get3A_643 = vector.load %arg2[%get3A_640, %get3A_641, %get3A_642] : memref<80x128x256xf32, #tpu.memory_space<vmem>>, vector<1x128x256xf32>
    %get3A_644 = vector.shape_cast %get3A_643 : vector<1x128x256xf32> to vector<128x256xf32>
    %dot_general3A_645 = arith.constant dense<0.000000e+00> : vector<256x256xf32>
    %dot_general3A_646 = tpu.matmul %get3A_639, %get3A_644, %dot_general3A_645 {dimension_numbers = #tpu.dot_dimension_numbers<[1], [0], [0], [1], [0, 0, 1, 1], [], []>, transpose_lhs_hint = false} : vector<256x128xf32>, vector<128x256xf32>, vector<256x256xf32> -> vector<256x256xf32>
    %add3A_647 = arith.addf %add3A_634, %dot_general3A_646 : vector<256x256xf32>
    %get3A_648 = arith.constant 0 : index
    %get3A_649 = arith.constant 50 : index
    %get3A_650 = arith.constant 0 : index
    %get3A_651 = vector.load %arg1[%get3A_648, %get3A_649, %get3A_650] : memref<256x80x128xf32, #tpu.memory_space<vmem>>, vector<256x1x128xf32>
    %get3A_652 = vector.shape_cast %get3A_651 : vector<256x1x128xf32> to vector<256x128xf32>
    %get3A_653 = arith.constant 50 : index
    %get3A_654 = arith.constant 0 : index
    %get3A_655 = arith.constant 0 : index
    %get3A_656 = vector.load %arg2[%get3A_653, %get3A_654, %get3A_655] : memref<80x128x256xf32, #tpu.memory_space<vmem>>, vector<1x128x256xf32>
    %get3A_657 = vector.shape_cast %get3A_656 : vector<1x128x256xf32> to vector<128x256xf32>
    %dot_general3A_658 = arith.constant dense<0.000000e+00> : vector<256x256xf32>
    %dot_general3A_659 = tpu.matmul %get3A_652, %get3A_657, %dot_general3A_658 {dimension_numbers = #tpu.dot_dimension_numbers<[1], [0], [0], [1], [0, 0, 1, 1], [], []>, transpose_lhs_hint = false} : vector<256x128xf32>, vector<128x256xf32>, vector<256x256xf32> -> vector<256x256xf32>
    %add3A_660 = arith.addf %add3A_647, %dot_general3A_659 : vector<256x256xf32>
    %get3A_661 = arith.constant 0 : index
    %get3A_662 = arith.constant 51 : index
    %get3A_663 = arith.constant 0 : index
    %get3A_664 = vector.load %arg1[%get3A_661, %get3A_662, %get3A_663] : memref<256x80x128xf32, #tpu.memory_space<vmem>>, vector<256x1x128xf32>
    %get3A_665 = vector.shape_cast %get3A_664 : vector<256x1x128xf32> to vector<256x128xf32>
    %get3A_666 = arith.constant 51 : index
    %get3A_667 = arith.constant 0 : index
    %get3A_668 = arith.constant 0 : index
    %get3A_669 = vector.load %arg2[%get3A_666, %get3A_667, %get3A_668] : memref<80x128x256xf32, #tpu.memory_space<vmem>>, vector<1x128x256xf32>
    %get3A_670 = vector.shape_cast %get3A_669 : vector<1x128x256xf32> to vector<128x256xf32>
    %dot_general3A_671 = arith.constant dense<0.000000e+00> : vector<256x256xf32>
    %dot_general3A_672 = tpu.matmul %get3A_665, %get3A_670, %dot_general3A_671 {dimension_numbers = #tpu.dot_dimension_numbers<[1], [0], [0], [1], [0, 0, 1, 1], [], []>, transpose_lhs_hint = false} : vector<256x128xf32>, vector<128x256xf32>, vector<256x256xf32> -> vector<256x256xf32>
    %add3A_673 = arith.addf %add3A_660, %dot_general3A_672 : vector<256x256xf32>
    %get3A_674 = arith.constant 0 : index
    %get3A_675 = arith.constant 52 : index
    %get3A_676 = arith.constant 0 : index
    %get3A_677 = vector.load %arg1[%get3A_674, %get3A_675, %get3A_676] : memref<256x80x128xf32, #tpu.memory_space<vmem>>, vector<256x1x128xf32>
    %get3A_678 = vector.shape_cast %get3A_677 : vector<256x1x128xf32> to vector<256x128xf32>
    %get3A_679 = arith.constant 52 : index
    %get3A_680 = arith.constant 0 : index
    %get3A_681 = arith.constant 0 : index
    %get3A_682 = vector.load %arg2[%get3A_679, %get3A_680, %get3A_681] : memref<80x128x256xf32, #tpu.memory_space<vmem>>, vector<1x128x256xf32>
    %get3A_683 = vector.shape_cast %get3A_682 : vector<1x128x256xf32> to vector<128x256xf32>
    %dot_general3A_684 = arith.constant dense<0.000000e+00> : vector<256x256xf32>
    %dot_general3A_685 = tpu.matmul %get3A_678, %get3A_683, %dot_general3A_684 {dimension_numbers = #tpu.dot_dimension_numbers<[1], [0], [0], [1], [0, 0, 1, 1], [], []>, transpose_lhs_hint = false} : vector<256x128xf32>, vector<128x256xf32>, vector<256x256xf32> -> vector<256x256xf32>
    %add3A_686 = arith.addf %add3A_673, %dot_general3A_685 : vector<256x256xf32>
    %get3A_687 = arith.constant 0 : index
    %get3A_688 = arith.constant 53 : index
    %get3A_689 = arith.constant 0 : index
    %get3A_690 = vector.load %arg1[%get3A_687, %get3A_688, %get3A_689] : memref<256x80x128xf32, #tpu.memory_space<vmem>>, vector<256x1x128xf32>
    %get3A_691 = vector.shape_cast %get3A_690 : vector<256x1x128xf32> to vector<256x128xf32>
    %get3A_692 = arith.constant 53 : index
    %get3A_693 = arith.constant 0 : index
    %get3A_694 = arith.constant 0 : index
    %get3A_695 = vector.load %arg2[%get3A_692, %get3A_693, %get3A_694] : memref<80x128x256xf32, #tpu.memory_space<vmem>>, vector<1x128x256xf32>
    %get3A_696 = vector.shape_cast %get3A_695 : vector<1x128x256xf32> to vector<128x256xf32>
    %dot_general3A_697 = arith.constant dense<0.000000e+00> : vector<256x256xf32>
    %dot_general3A_698 = tpu.matmul %get3A_691, %get3A_696, %dot_general3A_697 {dimension_numbers = #tpu.dot_dimension_numbers<[1], [0], [0], [1], [0, 0, 1, 1], [], []>, transpose_lhs_hint = false} : vector<256x128xf32>, vector<128x256xf32>, vector<256x256xf32> -> vector<256x256xf32>
    %add3A_699 = arith.addf %add3A_686, %dot_general3A_698 : vector<256x256xf32>
    %get3A_700 = arith.constant 0 : index
    %get3A_701 = arith.constant 54 : index
    %get3A_702 = arith.constant 0 : index
    %get3A_703 = vector.load %arg1[%get3A_700, %get3A_701, %get3A_702] : memref<256x80x128xf32, #tpu.memory_space<vmem>>, vector<256x1x128xf32>
    %get3A_704 = vector.shape_cast %get3A_703 : vector<256x1x128xf32> to vector<256x128xf32>
    %get3A_705 = arith.constant 54 : index
    %get3A_706 = arith.constant 0 : index
    %get3A_707 = arith.constant 0 : index
    %get3A_708 = vector.load %arg2[%get3A_705, %get3A_706, %get3A_707] : memref<80x128x256xf32, #tpu.memory_space<vmem>>, vector<1x128x256xf32>
    %get3A_709 = vector.shape_cast %get3A_708 : vector<1x128x256xf32> to vector<128x256xf32>
    %dot_general3A_710 = arith.constant dense<0.000000e+00> : vector<256x256xf32>
    %dot_general3A_711 = tpu.matmul %get3A_704, %get3A_709, %dot_general3A_710 {dimension_numbers = #tpu.dot_dimension_numbers<[1], [0], [0], [1], [0, 0, 1, 1], [], []>, transpose_lhs_hint = false} : vector<256x128xf32>, vector<128x256xf32>, vector<256x256xf32> -> vector<256x256xf32>
    %add3A_712 = arith.addf %add3A_699, %dot_general3A_711 : vector<256x256xf32>
    %get3A_713 = arith.constant 0 : index
    %get3A_714 = arith.constant 55 : index
    %get3A_715 = arith.constant 0 : index
    %get3A_716 = vector.load %arg1[%get3A_713, %get3A_714, %get3A_715] : memref<256x80x128xf32, #tpu.memory_space<vmem>>, vector<256x1x128xf32>
    %get3A_717 = vector.shape_cast %get3A_716 : vector<256x1x128xf32> to vector<256x128xf32>
    %get3A_718 = arith.constant 55 : index
    %get3A_719 = arith.constant 0 : index
    %get3A_720 = arith.constant 0 : index
    %get3A_721 = vector.load %arg2[%get3A_718, %get3A_719, %get3A_720] : memref<80x128x256xf32, #tpu.memory_space<vmem>>, vector<1x128x256xf32>
    %get3A_722 = vector.shape_cast %get3A_721 : vector<1x128x256xf32> to vector<128x256xf32>
    %dot_general3A_723 = arith.constant dense<0.000000e+00> : vector<256x256xf32>
    %dot_general3A_724 = tpu.matmul %get3A_717, %get3A_722, %dot_general3A_723 {dimension_numbers = #tpu.dot_dimension_numbers<[1], [0], [0], [1], [0, 0, 1, 1], [], []>, transpose_lhs_hint = false} : vector<256x128xf32>, vector<128x256xf32>, vector<256x256xf32> -> vector<256x256xf32>
    %add3A_725 = arith.addf %add3A_712, %dot_general3A_724 : vector<256x256xf32>
    %get3A_726 = arith.constant 0 : index
    %get3A_727 = arith.constant 56 : index
    %get3A_728 = arith.constant 0 : index
    %get3A_729 = vector.load %arg1[%get3A_726, %get3A_727, %get3A_728] : memref<256x80x128xf32, #tpu.memory_space<vmem>>, vector<256x1x128xf32>
    %get3A_730 = vector.shape_cast %get3A_729 : vector<256x1x128xf32> to vector<256x128xf32>
    %get3A_731 = arith.constant 56 : index
    %get3A_732 = arith.constant 0 : index
    %get3A_733 = arith.constant 0 : index
    %get3A_734 = vector.load %arg2[%get3A_731, %get3A_732, %get3A_733] : memref<80x128x256xf32, #tpu.memory_space<vmem>>, vector<1x128x256xf32>
    %get3A_735 = vector.shape_cast %get3A_734 : vector<1x128x256xf32> to vector<128x256xf32>
    %dot_general3A_736 = arith.constant dense<0.000000e+00> : vector<256x256xf32>
    %dot_general3A_737 = tpu.matmul %get3A_730, %get3A_735, %dot_general3A_736 {dimension_numbers = #tpu.dot_dimension_numbers<[1], [0], [0], [1], [0, 0, 1, 1], [], []>, transpose_lhs_hint = false} : vector<256x128xf32>, vector<128x256xf32>, vector<256x256xf32> -> vector<256x256xf32>
    %add3A_738 = arith.addf %add3A_725, %dot_general3A_737 : vector<256x256xf32>
    %get3A_739 = arith.constant 0 : index
    %get3A_740 = arith.constant 57 : index
    %get3A_741 = arith.constant 0 : index
    %get3A_742 = vector.load %arg1[%get3A_739, %get3A_740, %get3A_741] : memref<256x80x128xf32, #tpu.memory_space<vmem>>, vector<256x1x128xf32>
    %get3A_743 = vector.shape_cast %get3A_742 : vector<256x1x128xf32> to vector<256x128xf32>
    %get3A_744 = arith.constant 57 : index
    %get3A_745 = arith.constant 0 : index
    %get3A_746 = arith.constant 0 : index
    %get3A_747 = vector.load %arg2[%get3A_744, %get3A_745, %get3A_746] : memref<80x128x256xf32, #tpu.memory_space<vmem>>, vector<1x128x256xf32>
    %get3A_748 = vector.shape_cast %get3A_747 : vector<1x128x256xf32> to vector<128x256xf32>
    %dot_general3A_749 = arith.constant dense<0.000000e+00> : vector<256x256xf32>
    %dot_general3A_750 = tpu.matmul %get3A_743, %get3A_748, %dot_general3A_749 {dimension_numbers = #tpu.dot_dimension_numbers<[1], [0], [0], [1], [0, 0, 1, 1], [], []>, transpose_lhs_hint = false} : vector<256x128xf32>, vector<128x256xf32>, vector<256x256xf32> -> vector<256x256xf32>
    %add3A_751 = arith.addf %add3A_738, %dot_general3A_750 : vector<256x256xf32>
    %get3A_752 = arith.constant 0 : index
    %get3A_753 = arith.constant 58 : index
    %get3A_754 = arith.constant 0 : index
    %get3A_755 = vector.load %arg1[%get3A_752, %get3A_753, %get3A_754] : memref<256x80x128xf32, #tpu.memory_space<vmem>>, vector<256x1x128xf32>
    %get3A_756 = vector.shape_cast %get3A_755 : vector<256x1x128xf32> to vector<256x128xf32>
    %get3A_757 = arith.constant 58 : index
    %get3A_758 = arith.constant 0 : index
    %get3A_759 = arith.constant 0 : index
    %get3A_760 = vector.load %arg2[%get3A_757, %get3A_758, %get3A_759] : memref<80x128x256xf32, #tpu.memory_space<vmem>>, vector<1x128x256xf32>
    %get3A_761 = vector.shape_cast %get3A_760 : vector<1x128x256xf32> to vector<128x256xf32>
    %dot_general3A_762 = arith.constant dense<0.000000e+00> : vector<256x256xf32>
    %dot_general3A_763 = tpu.matmul %get3A_756, %get3A_761, %dot_general3A_762 {dimension_numbers = #tpu.dot_dimension_numbers<[1], [0], [0], [1], [0, 0, 1, 1], [], []>, transpose_lhs_hint = false} : vector<256x128xf32>, vector<128x256xf32>, vector<256x256xf32> -> vector<256x256xf32>
    %add3A_764 = arith.addf %add3A_751, %dot_general3A_763 : vector<256x256xf32>
    %get3A_765 = arith.constant 0 : index
    %get3A_766 = arith.constant 59 : index
    %get3A_767 = arith.constant 0 : index
    %get3A_768 = vector.load %arg1[%get3A_765, %get3A_766, %get3A_767] : memref<256x80x128xf32, #tpu.memory_space<vmem>>, vector<256x1x128xf32>
    %get3A_769 = vector.shape_cast %get3A_768 : vector<256x1x128xf32> to vector<256x128xf32>
    %get3A_770 = arith.constant 59 : index
    %get3A_771 = arith.constant 0 : index
    %get3A_772 = arith.constant 0 : index
    %get3A_773 = vector.load %arg2[%get3A_770, %get3A_771, %get3A_772] : memref<80x128x256xf32, #tpu.memory_space<vmem>>, vector<1x128x256xf32>
    %get3A_774 = vector.shape_cast %get3A_773 : vector<1x128x256xf32> to vector<128x256xf32>
    %dot_general3A_775 = arith.constant dense<0.000000e+00> : vector<256x256xf32>
    %dot_general3A_776 = tpu.matmul %get3A_769, %get3A_774, %dot_general3A_775 {dimension_numbers = #tpu.dot_dimension_numbers<[1], [0], [0], [1], [0, 0, 1, 1], [], []>, transpose_lhs_hint = false} : vector<256x128xf32>, vector<128x256xf32>, vector<256x256xf32> -> vector<256x256xf32>
    %add3A_777 = arith.addf %add3A_764, %dot_general3A_776 : vector<256x256xf32>
    %get3A_778 = arith.constant 0 : index
    %get3A_779 = arith.constant 60 : index
    %get3A_780 = arith.constant 0 : index
    %get3A_781 = vector.load %arg1[%get3A_778, %get3A_779, %get3A_780] : memref<256x80x128xf32, #tpu.memory_space<vmem>>, vector<256x1x128xf32>
    %get3A_782 = vector.shape_cast %get3A_781 : vector<256x1x128xf32> to vector<256x128xf32>
    %get3A_783 = arith.constant 60 : index
    %get3A_784 = arith.constant 0 : index
    %get3A_785 = arith.constant 0 : index
    %get3A_786 = vector.load %arg2[%get3A_783, %get3A_784, %get3A_785] : memref<80x128x256xf32, #tpu.memory_space<vmem>>, vector<1x128x256xf32>
    %get3A_787 = vector.shape_cast %get3A_786 : vector<1x128x256xf32> to vector<128x256xf32>
    %dot_general3A_788 = arith.constant dense<0.000000e+00> : vector<256x256xf32>
    %dot_general3A_789 = tpu.matmul %get3A_782, %get3A_787, %dot_general3A_788 {dimension_numbers = #tpu.dot_dimension_numbers<[1], [0], [0], [1], [0, 0, 1, 1], [], []>, transpose_lhs_hint = false} : vector<256x128xf32>, vector<128x256xf32>, vector<256x256xf32> -> vector<256x256xf32>
    %add3A_790 = arith.addf %add3A_777, %dot_general3A_789 : vector<256x256xf32>
    %get3A_791 = arith.constant 0 : index
    %get3A_792 = arith.constant 61 : index
    %get3A_793 = arith.constant 0 : index
    %get3A_794 = vector.load %arg1[%get3A_791, %get3A_792, %get3A_793] : memref<256x80x128xf32, #tpu.memory_space<vmem>>, vector<256x1x128xf32>
    %get3A_795 = vector.shape_cast %get3A_794 : vector<256x1x128xf32> to vector<256x128xf32>
    %get3A_796 = arith.constant 61 : index
    %get3A_797 = arith.constant 0 : index
    %get3A_798 = arith.constant 0 : index
    %get3A_799 = vector.load %arg2[%get3A_796, %get3A_797, %get3A_798] : memref<80x128x256xf32, #tpu.memory_space<vmem>>, vector<1x128x256xf32>
    %get3A_800 = vector.shape_cast %get3A_799 : vector<1x128x256xf32> to vector<128x256xf32>
    %dot_general3A_801 = arith.constant dense<0.000000e+00> : vector<256x256xf32>
    %dot_general3A_802 = tpu.matmul %get3A_795, %get3A_800, %dot_general3A_801 {dimension_numbers = #tpu.dot_dimension_numbers<[1], [0], [0], [1], [0, 0, 1, 1], [], []>, transpose_lhs_hint = false} : vector<256x128xf32>, vector<128x256xf32>, vector<256x256xf32> -> vector<256x256xf32>
    %add3A_803 = arith.addf %add3A_790, %dot_general3A_802 : vector<256x256xf32>
    %get3A_804 = arith.constant 0 : index
    %get3A_805 = arith.constant 62 : index
    %get3A_806 = arith.constant 0 : index
    %get3A_807 = vector.load %arg1[%get3A_804, %get3A_805, %get3A_806] : memref<256x80x128xf32, #tpu.memory_space<vmem>>, vector<256x1x128xf32>
    %get3A_808 = vector.shape_cast %get3A_807 : vector<256x1x128xf32> to vector<256x128xf32>
    %get3A_809 = arith.constant 62 : index
    %get3A_810 = arith.constant 0 : index
    %get3A_811 = arith.constant 0 : index
    %get3A_812 = vector.load %arg2[%get3A_809, %get3A_810, %get3A_811] : memref<80x128x256xf32, #tpu.memory_space<vmem>>, vector<1x128x256xf32>
    %get3A_813 = vector.shape_cast %get3A_812 : vector<1x128x256xf32> to vector<128x256xf32>
    %dot_general3A_814 = arith.constant dense<0.000000e+00> : vector<256x256xf32>
    %dot_general3A_815 = tpu.matmul %get3A_808, %get3A_813, %dot_general3A_814 {dimension_numbers = #tpu.dot_dimension_numbers<[1], [0], [0], [1], [0, 0, 1, 1], [], []>, transpose_lhs_hint = false} : vector<256x128xf32>, vector<128x256xf32>, vector<256x256xf32> -> vector<256x256xf32>
    %add3A_816 = arith.addf %add3A_803, %dot_general3A_815 : vector<256x256xf32>
    %get3A_817 = arith.constant 0 : index
    %get3A_818 = arith.constant 63 : index
    %get3A_819 = arith.constant 0 : index
    %get3A_820 = vector.load %arg1[%get3A_817, %get3A_818, %get3A_819] : memref<256x80x128xf32, #tpu.memory_space<vmem>>, vector<256x1x128xf32>
    %get3A_821 = vector.shape_cast %get3A_820 : vector<256x1x128xf32> to vector<256x128xf32>
    %get3A_822 = arith.constant 63 : index
    %get3A_823 = arith.constant 0 : index
    %get3A_824 = arith.constant 0 : index
    %get3A_825 = vector.load %arg2[%get3A_822, %get3A_823, %get3A_824] : memref<80x128x256xf32, #tpu.memory_space<vmem>>, vector<1x128x256xf32>
    %get3A_826 = vector.shape_cast %get3A_825 : vector<1x128x256xf32> to vector<128x256xf32>
    %dot_general3A_827 = arith.constant dense<0.000000e+00> : vector<256x256xf32>
    %dot_general3A_828 = tpu.matmul %get3A_821, %get3A_826, %dot_general3A_827 {dimension_numbers = #tpu.dot_dimension_numbers<[1], [0], [0], [1], [0, 0, 1, 1], [], []>, transpose_lhs_hint = false} : vector<256x128xf32>, vector<128x256xf32>, vector<256x256xf32> -> vector<256x256xf32>
    %add3A_829 = arith.addf %add3A_816, %dot_general3A_828 : vector<256x256xf32>
    %get3A_830 = arith.constant 0 : index
    %get3A_831 = arith.constant 64 : index
    %get3A_832 = arith.constant 0 : index
    %get3A_833 = vector.load %arg1[%get3A_830, %get3A_831, %get3A_832] : memref<256x80x128xf32, #tpu.memory_space<vmem>>, vector<256x1x128xf32>
    %get3A_834 = vector.shape_cast %get3A_833 : vector<256x1x128xf32> to vector<256x128xf32>
    %get3A_835 = arith.constant 64 : index
    %get3A_836 = arith.constant 0 : index
    %get3A_837 = arith.constant 0 : index
    %get3A_838 = vector.load %arg2[%get3A_835, %get3A_836, %get3A_837] : memref<80x128x256xf32, #tpu.memory_space<vmem>>, vector<1x128x256xf32>
    %get3A_839 = vector.shape_cast %get3A_838 : vector<1x128x256xf32> to vector<128x256xf32>
    %dot_general3A_840 = arith.constant dense<0.000000e+00> : vector<256x256xf32>
    %dot_general3A_841 = tpu.matmul %get3A_834, %get3A_839, %dot_general3A_840 {dimension_numbers = #tpu.dot_dimension_numbers<[1], [0], [0], [1], [0, 0, 1, 1], [], []>, transpose_lhs_hint = false} : vector<256x128xf32>, vector<128x256xf32>, vector<256x256xf32> -> vector<256x256xf32>
    %add3A_842 = arith.addf %add3A_829, %dot_general3A_841 : vector<256x256xf32>
    %get3A_843 = arith.constant 0 : index
    %get3A_844 = arith.constant 65 : index
    %get3A_845 = arith.constant 0 : index
    %get3A_846 = vector.load %arg1[%get3A_843, %get3A_844, %get3A_845] : memref<256x80x128xf32, #tpu.memory_space<vmem>>, vector<256x1x128xf32>
    %get3A_847 = vector.shape_cast %get3A_846 : vector<256x1x128xf32> to vector<256x128xf32>
    %get3A_848 = arith.constant 65 : index
    %get3A_849 = arith.constant 0 : index
    %get3A_850 = arith.constant 0 : index
    %get3A_851 = vector.load %arg2[%get3A_848, %get3A_849, %get3A_850] : memref<80x128x256xf32, #tpu.memory_space<vmem>>, vector<1x128x256xf32>
    %get3A_852 = vector.shape_cast %get3A_851 : vector<1x128x256xf32> to vector<128x256xf32>
    %dot_general3A_853 = arith.constant dense<0.000000e+00> : vector<256x256xf32>
    %dot_general3A_854 = tpu.matmul %get3A_847, %get3A_852, %dot_general3A_853 {dimension_numbers = #tpu.dot_dimension_numbers<[1], [0], [0], [1], [0, 0, 1, 1], [], []>, transpose_lhs_hint = false} : vector<256x128xf32>, vector<128x256xf32>, vector<256x256xf32> -> vector<256x256xf32>
    %add3A_855 = arith.addf %add3A_842, %dot_general3A_854 : vector<256x256xf32>
    %get3A_856 = arith.constant 0 : index
    %get3A_857 = arith.constant 66 : index
    %get3A_858 = arith.constant 0 : index
    %get3A_859 = vector.load %arg1[%get3A_856, %get3A_857, %get3A_858] : memref<256x80x128xf32, #tpu.memory_space<vmem>>, vector<256x1x128xf32>
    %get3A_860 = vector.shape_cast %get3A_859 : vector<256x1x128xf32> to vector<256x128xf32>
    %get3A_861 = arith.constant 66 : index
    %get3A_862 = arith.constant 0 : index
    %get3A_863 = arith.constant 0 : index
    %get3A_864 = vector.load %arg2[%get3A_861, %get3A_862, %get3A_863] : memref<80x128x256xf32, #tpu.memory_space<vmem>>, vector<1x128x256xf32>
    %get3A_865 = vector.shape_cast %get3A_864 : vector<1x128x256xf32> to vector<128x256xf32>
    %dot_general3A_866 = arith.constant dense<0.000000e+00> : vector<256x256xf32>
    %dot_general3A_867 = tpu.matmul %get3A_860, %get3A_865, %dot_general3A_866 {dimension_numbers = #tpu.dot_dimension_numbers<[1], [0], [0], [1], [0, 0, 1, 1], [], []>, transpose_lhs_hint = false} : vector<256x128xf32>, vector<128x256xf32>, vector<256x256xf32> -> vector<256x256xf32>
    %add3A_868 = arith.addf %add3A_855, %dot_general3A_867 : vector<256x256xf32>
    %get3A_869 = arith.constant 0 : index
    %get3A_870 = arith.constant 67 : index
    %get3A_871 = arith.constant 0 : index
    %get3A_872 = vector.load %arg1[%get3A_869, %get3A_870, %get3A_871] : memref<256x80x128xf32, #tpu.memory_space<vmem>>, vector<256x1x128xf32>
    %get3A_873 = vector.shape_cast %get3A_872 : vector<256x1x128xf32> to vector<256x128xf32>
    %get3A_874 = arith.constant 67 : index
    %get3A_875 = arith.constant 0 : index
    %get3A_876 = arith.constant 0 : index
    %get3A_877 = vector.load %arg2[%get3A_874, %get3A_875, %get3A_876] : memref<80x128x256xf32, #tpu.memory_space<vmem>>, vector<1x128x256xf32>
    %get3A_878 = vector.shape_cast %get3A_877 : vector<1x128x256xf32> to vector<128x256xf32>
    %dot_general3A_879 = arith.constant dense<0.000000e+00> : vector<256x256xf32>
    %dot_general3A_880 = tpu.matmul %get3A_873, %get3A_878, %dot_general3A_879 {dimension_numbers = #tpu.dot_dimension_numbers<[1], [0], [0], [1], [0, 0, 1, 1], [], []>, transpose_lhs_hint = false} : vector<256x128xf32>, vector<128x256xf32>, vector<256x256xf32> -> vector<256x256xf32>
    %add3A_881 = arith.addf %add3A_868, %dot_general3A_880 : vector<256x256xf32>
    %get3A_882 = arith.constant 0 : index
    %get3A_883 = arith.constant 68 : index
    %get3A_884 = arith.constant 0 : index
    %get3A_885 = vector.load %arg1[%get3A_882, %get3A_883, %get3A_884] : memref<256x80x128xf32, #tpu.memory_space<vmem>>, vector<256x1x128xf32>
    %get3A_886 = vector.shape_cast %get3A_885 : vector<256x1x128xf32> to vector<256x128xf32>
    %get3A_887 = arith.constant 68 : index
    %get3A_888 = arith.constant 0 : index
    %get3A_889 = arith.constant 0 : index
    %get3A_890 = vector.load %arg2[%get3A_887, %get3A_888, %get3A_889] : memref<80x128x256xf32, #tpu.memory_space<vmem>>, vector<1x128x256xf32>
    %get3A_891 = vector.shape_cast %get3A_890 : vector<1x128x256xf32> to vector<128x256xf32>
    %dot_general3A_892 = arith.constant dense<0.000000e+00> : vector<256x256xf32>
    %dot_general3A_893 = tpu.matmul %get3A_886, %get3A_891, %dot_general3A_892 {dimension_numbers = #tpu.dot_dimension_numbers<[1], [0], [0], [1], [0, 0, 1, 1], [], []>, transpose_lhs_hint = false} : vector<256x128xf32>, vector<128x256xf32>, vector<256x256xf32> -> vector<256x256xf32>
    %add3A_894 = arith.addf %add3A_881, %dot_general3A_893 : vector<256x256xf32>
    %get3A_895 = arith.constant 0 : index
    %get3A_896 = arith.constant 69 : index
    %get3A_897 = arith.constant 0 : index
    %get3A_898 = vector.load %arg1[%get3A_895, %get3A_896, %get3A_897] : memref<256x80x128xf32, #tpu.memory_space<vmem>>, vector<256x1x128xf32>
    %get3A_899 = vector.shape_cast %get3A_898 : vector<256x1x128xf32> to vector<256x128xf32>
    %get3A_900 = arith.constant 69 : index
    %get3A_901 = arith.constant 0 : index
    %get3A_902 = arith.constant 0 : index
    %get3A_903 = vector.load %arg2[%get3A_900, %get3A_901, %get3A_902] : memref<80x128x256xf32, #tpu.memory_space<vmem>>, vector<1x128x256xf32>
    %get3A_904 = vector.shape_cast %get3A_903 : vector<1x128x256xf32> to vector<128x256xf32>
    %dot_general3A_905 = arith.constant dense<0.000000e+00> : vector<256x256xf32>
    %dot_general3A_906 = tpu.matmul %get3A_899, %get3A_904, %dot_general3A_905 {dimension_numbers = #tpu.dot_dimension_numbers<[1], [0], [0], [1], [0, 0, 1, 1], [], []>, transpose_lhs_hint = false} : vector<256x128xf32>, vector<128x256xf32>, vector<256x256xf32> -> vector<256x256xf32>
    %add3A_907 = arith.addf %add3A_894, %dot_general3A_906 : vector<256x256xf32>
    %get3A_908 = arith.constant 0 : index
    %get3A_909 = arith.constant 70 : index
    %get3A_910 = arith.constant 0 : index
    %get3A_911 = vector.load %arg1[%get3A_908, %get3A_909, %get3A_910] : memref<256x80x128xf32, #tpu.memory_space<vmem>>, vector<256x1x128xf32>
    %get3A_912 = vector.shape_cast %get3A_911 : vector<256x1x128xf32> to vector<256x128xf32>
    %get3A_913 = arith.constant 70 : index
    %get3A_914 = arith.constant 0 : index
    %get3A_915 = arith.constant 0 : index
    %get3A_916 = vector.load %arg2[%get3A_913, %get3A_914, %get3A_915] : memref<80x128x256xf32, #tpu.memory_space<vmem>>, vector<1x128x256xf32>
    %get3A_917 = vector.shape_cast %get3A_916 : vector<1x128x256xf32> to vector<128x256xf32>
    %dot_general3A_918 = arith.constant dense<0.000000e+00> : vector<256x256xf32>
    %dot_general3A_919 = tpu.matmul %get3A_912, %get3A_917, %dot_general3A_918 {dimension_numbers = #tpu.dot_dimension_numbers<[1], [0], [0], [1], [0, 0, 1, 1], [], []>, transpose_lhs_hint = false} : vector<256x128xf32>, vector<128x256xf32>, vector<256x256xf32> -> vector<256x256xf32>
    %add3A_920 = arith.addf %add3A_907, %dot_general3A_919 : vector<256x256xf32>
    %get3A_921 = arith.constant 0 : index
    %get3A_922 = arith.constant 71 : index
    %get3A_923 = arith.constant 0 : index
    %get3A_924 = vector.load %arg1[%get3A_921, %get3A_922, %get3A_923] : memref<256x80x128xf32, #tpu.memory_space<vmem>>, vector<256x1x128xf32>
    %get3A_925 = vector.shape_cast %get3A_924 : vector<256x1x128xf32> to vector<256x128xf32>
    %get3A_926 = arith.constant 71 : index
    %get3A_927 = arith.constant 0 : index
    %get3A_928 = arith.constant 0 : index
    %get3A_929 = vector.load %arg2[%get3A_926, %get3A_927, %get3A_928] : memref<80x128x256xf32, #tpu.memory_space<vmem>>, vector<1x128x256xf32>
    %get3A_930 = vector.shape_cast %get3A_929 : vector<1x128x256xf32> to vector<128x256xf32>
    %dot_general3A_931 = arith.constant dense<0.000000e+00> : vector<256x256xf32>
    %dot_general3A_932 = tpu.matmul %get3A_925, %get3A_930, %dot_general3A_931 {dimension_numbers = #tpu.dot_dimension_numbers<[1], [0], [0], [1], [0, 0, 1, 1], [], []>, transpose_lhs_hint = false} : vector<256x128xf32>, vector<128x256xf32>, vector<256x256xf32> -> vector<256x256xf32>
    %add3A_933 = arith.addf %add3A_920, %dot_general3A_932 : vector<256x256xf32>
    %get3A_934 = arith.constant 0 : index
    %get3A_935 = arith.constant 72 : index
    %get3A_936 = arith.constant 0 : index
    %get3A_937 = vector.load %arg1[%get3A_934, %get3A_935, %get3A_936] : memref<256x80x128xf32, #tpu.memory_space<vmem>>, vector<256x1x128xf32>
    %get3A_938 = vector.shape_cast %get3A_937 : vector<256x1x128xf32> to vector<256x128xf32>
    %get3A_939 = arith.constant 72 : index
    %get3A_940 = arith.constant 0 : index
    %get3A_941 = arith.constant 0 : index
    %get3A_942 = vector.load %arg2[%get3A_939, %get3A_940, %get3A_941] : memref<80x128x256xf32, #tpu.memory_space<vmem>>, vector<1x128x256xf32>
    %get3A_943 = vector.shape_cast %get3A_942 : vector<1x128x256xf32> to vector<128x256xf32>
    %dot_general3A_944 = arith.constant dense<0.000000e+00> : vector<256x256xf32>
    %dot_general3A_945 = tpu.matmul %get3A_938, %get3A_943, %dot_general3A_944 {dimension_numbers = #tpu.dot_dimension_numbers<[1], [0], [0], [1], [0, 0, 1, 1], [], []>, transpose_lhs_hint = false} : vector<256x128xf32>, vector<128x256xf32>, vector<256x256xf32> -> vector<256x256xf32>
    %add3A_946 = arith.addf %add3A_933, %dot_general3A_945 : vector<256x256xf32>
    %get3A_947 = arith.constant 0 : index
    %get3A_948 = arith.constant 73 : index
    %get3A_949 = arith.constant 0 : index
    %get3A_950 = vector.load %arg1[%get3A_947, %get3A_948, %get3A_949] : memref<256x80x128xf32, #tpu.memory_space<vmem>>, vector<256x1x128xf32>
    %get3A_951 = vector.shape_cast %get3A_950 : vector<256x1x128xf32> to vector<256x128xf32>
    %get3A_952 = arith.constant 73 : index
    %get3A_953 = arith.constant 0 : index
    %get3A_954 = arith.constant 0 : index
    %get3A_955 = vector.load %arg2[%get3A_952, %get3A_953, %get3A_954] : memref<80x128x256xf32, #tpu.memory_space<vmem>>, vector<1x128x256xf32>
    %get3A_956 = vector.shape_cast %get3A_955 : vector<1x128x256xf32> to vector<128x256xf32>
    %dot_general3A_957 = arith.constant dense<0.000000e+00> : vector<256x256xf32>
    %dot_general3A_958 = tpu.matmul %get3A_951, %get3A_956, %dot_general3A_957 {dimension_numbers = #tpu.dot_dimension_numbers<[1], [0], [0], [1], [0, 0, 1, 1], [], []>, transpose_lhs_hint = false} : vector<256x128xf32>, vector<128x256xf32>, vector<256x256xf32> -> vector<256x256xf32>
    %add3A_959 = arith.addf %add3A_946, %dot_general3A_958 : vector<256x256xf32>
    %get3A_960 = arith.constant 0 : index
    %get3A_961 = arith.constant 74 : index
    %get3A_962 = arith.constant 0 : index
    %get3A_963 = vector.load %arg1[%get3A_960, %get3A_961, %get3A_962] : memref<256x80x128xf32, #tpu.memory_space<vmem>>, vector<256x1x128xf32>
    %get3A_964 = vector.shape_cast %get3A_963 : vector<256x1x128xf32> to vector<256x128xf32>
    %get3A_965 = arith.constant 74 : index
    %get3A_966 = arith.constant 0 : index
    %get3A_967 = arith.constant 0 : index
    %get3A_968 = vector.load %arg2[%get3A_965, %get3A_966, %get3A_967] : memref<80x128x256xf32, #tpu.memory_space<vmem>>, vector<1x128x256xf32>
    %get3A_969 = vector.shape_cast %get3A_968 : vector<1x128x256xf32> to vector<128x256xf32>
    %dot_general3A_970 = arith.constant dense<0.000000e+00> : vector<256x256xf32>
    %dot_general3A_971 = tpu.matmul %get3A_964, %get3A_969, %dot_general3A_970 {dimension_numbers = #tpu.dot_dimension_numbers<[1], [0], [0], [1], [0, 0, 1, 1], [], []>, transpose_lhs_hint = false} : vector<256x128xf32>, vector<128x256xf32>, vector<256x256xf32> -> vector<256x256xf32>
    %add3A_972 = arith.addf %add3A_959, %dot_general3A_971 : vector<256x256xf32>
    %get3A_973 = arith.constant 0 : index
    %get3A_974 = arith.constant 75 : index
    %get3A_975 = arith.constant 0 : index
    %get3A_976 = vector.load %arg1[%get3A_973, %get3A_974, %get3A_975] : memref<256x80x128xf32, #tpu.memory_space<vmem>>, vector<256x1x128xf32>
    %get3A_977 = vector.shape_cast %get3A_976 : vector<256x1x128xf32> to vector<256x128xf32>
    %get3A_978 = arith.constant 75 : index
    %get3A_979 = arith.constant 0 : index
    %get3A_980 = arith.constant 0 : index
    %get3A_981 = vector.load %arg2[%get3A_978, %get3A_979, %get3A_980] : memref<80x128x256xf32, #tpu.memory_space<vmem>>, vector<1x128x256xf32>
    %get3A_982 = vector.shape_cast %get3A_981 : vector<1x128x256xf32> to vector<128x256xf32>
    %dot_general3A_983 = arith.constant dense<0.000000e+00> : vector<256x256xf32>
    %dot_general3A_984 = tpu.matmul %get3A_977, %get3A_982, %dot_general3A_983 {dimension_numbers = #tpu.dot_dimension_numbers<[1], [0], [0], [1], [0, 0, 1, 1], [], []>, transpose_lhs_hint = false} : vector<256x128xf32>, vector<128x256xf32>, vector<256x256xf32> -> vector<256x256xf32>
    %add3A_985 = arith.addf %add3A_972, %dot_general3A_984 : vector<256x256xf32>
    %get3A_986 = arith.constant 0 : index
    %get3A_987 = arith.constant 76 : index
    %get3A_988 = arith.constant 0 : index
    %get3A_989 = vector.load %arg1[%get3A_986, %get3A_987, %get3A_988] : memref<256x80x128xf32, #tpu.memory_space<vmem>>, vector<256x1x128xf32>
    %get3A_990 = vector.shape_cast %get3A_989 : vector<256x1x128xf32> to vector<256x128xf32>
    %get3A_991 = arith.constant 76 : index
    %get3A_992 = arith.constant 0 : index
    %get3A_993 = arith.constant 0 : index
    %get3A_994 = vector.load %arg2[%get3A_991, %get3A_992, %get3A_993] : memref<80x128x256xf32, #tpu.memory_space<vmem>>, vector<1x128x256xf32>
    %get3A_995 = vector.shape_cast %get3A_994 : vector<1x128x256xf32> to vector<128x256xf32>
    %dot_general3A_996 = arith.constant dense<0.000000e+00> : vector<256x256xf32>
    %dot_general3A_997 = tpu.matmul %get3A_990, %get3A_995, %dot_general3A_996 {dimension_numbers = #tpu.dot_dimension_numbers<[1], [0], [0], [1], [0, 0, 1, 1], [], []>, transpose_lhs_hint = false} : vector<256x128xf32>, vector<128x256xf32>, vector<256x256xf32> -> vector<256x256xf32>
    %add3A_998 = arith.addf %add3A_985, %dot_general3A_997 : vector<256x256xf32>
    %get3A_999 = arith.constant 0 : index
    %get3A_1000 = arith.constant 77 : index
    %get3A_1001 = arith.constant 0 : index
    %get3A_1002 = vector.load %arg1[%get3A_999, %get3A_1000, %get3A_1001] : memref<256x80x128xf32, #tpu.memory_space<vmem>>, vector<256x1x128xf32>
    %get3A_1003 = vector.shape_cast %get3A_1002 : vector<256x1x128xf32> to vector<256x128xf32>
    %get3A_1004 = arith.constant 77 : index
    %get3A_1005 = arith.constant 0 : index
    %get3A_1006 = arith.constant 0 : index
    %get3A_1007 = vector.load %arg2[%get3A_1004, %get3A_1005, %get3A_1006] : memref<80x128x256xf32, #tpu.memory_space<vmem>>, vector<1x128x256xf32>
    %get3A_1008 = vector.shape_cast %get3A_1007 : vector<1x128x256xf32> to vector<128x256xf32>
    %dot_general3A_1009 = arith.constant dense<0.000000e+00> : vector<256x256xf32>
    %dot_general3A_1010 = tpu.matmul %get3A_1003, %get3A_1008, %dot_general3A_1009 {dimension_numbers = #tpu.dot_dimension_numbers<[1], [0], [0], [1], [0, 0, 1, 1], [], []>, transpose_lhs_hint = false} : vector<256x128xf32>, vector<128x256xf32>, vector<256x256xf32> -> vector<256x256xf32>
    %add3A_1011 = arith.addf %add3A_998, %dot_general3A_1010 : vector<256x256xf32>
    %get3A_1012 = arith.constant 0 : index
    %get3A_1013 = arith.constant 78 : index
    %get3A_1014 = arith.constant 0 : index
    %get3A_1015 = vector.load %arg1[%get3A_1012, %get3A_1013, %get3A_1014] : memref<256x80x128xf32, #tpu.memory_space<vmem>>, vector<256x1x128xf32>
    %get3A_1016 = vector.shape_cast %get3A_1015 : vector<256x1x128xf32> to vector<256x128xf32>
    %get3A_1017 = arith.constant 78 : index
    %get3A_1018 = arith.constant 0 : index
    %get3A_1019 = arith.constant 0 : index
    %get3A_1020 = vector.load %arg2[%get3A_1017, %get3A_1018, %get3A_1019] : memref<80x128x256xf32, #tpu.memory_space<vmem>>, vector<1x128x256xf32>
    %get3A_1021 = vector.shape_cast %get3A_1020 : vector<1x128x256xf32> to vector<128x256xf32>
    %dot_general3A_1022 = arith.constant dense<0.000000e+00> : vector<256x256xf32>
    %dot_general3A_1023 = tpu.matmul %get3A_1016, %get3A_1021, %dot_general3A_1022 {dimension_numbers = #tpu.dot_dimension_numbers<[1], [0], [0], [1], [0, 0, 1, 1], [], []>, transpose_lhs_hint = false} : vector<256x128xf32>, vector<128x256xf32>, vector<256x256xf32> -> vector<256x256xf32>
    %add3A_1024 = arith.addf %add3A_1011, %dot_general3A_1023 : vector<256x256xf32>
    %get3A_1025 = arith.constant 0 : index
    %get3A_1026 = arith.constant 79 : index
    %get3A_1027 = arith.constant 0 : index
    %get3A_1028 = vector.load %arg1[%get3A_1025, %get3A_1026, %get3A_1027] : memref<256x80x128xf32, #tpu.memory_space<vmem>>, vector<256x1x128xf32>
    %get3A_1029 = vector.shape_cast %get3A_1028 : vector<256x1x128xf32> to vector<256x128xf32>
    %get3A_1030 = arith.constant 79 : index
    %get3A_1031 = arith.constant 0 : index
    %get3A_1032 = arith.constant 0 : index
    %get3A_1033 = vector.load %arg2[%get3A_1030, %get3A_1031, %get3A_1032] : memref<80x128x256xf32, #tpu.memory_space<vmem>>, vector<1x128x256xf32>
    %get3A_1034 = vector.shape_cast %get3A_1033 : vector<1x128x256xf32> to vector<128x256xf32>
    %dot_general3A_1035 = arith.constant dense<0.000000e+00> : vector<256x256xf32>
    %dot_general3A_1036 = tpu.matmul %get3A_1029, %get3A_1034, %dot_general3A_1035 {dimension_numbers = #tpu.dot_dimension_numbers<[1], [0], [0], [1], [0, 0, 1, 1], [], []>, transpose_lhs_hint = false} : vector<256x128xf32>, vector<128x256xf32>, vector<256x256xf32> -> vector<256x256xf32>
    %add3A_1037 = arith.addf %add3A_1024, %dot_general3A_1036 : vector<256x256xf32>
    %slice3A = vector.extract_strided_slice %add3A_1037 {offsets = [0, 0], sizes = [256, 128], strides = [1, 1]} : vector<256x256xf32> to vector<256x128xf32>
    %slice3A_1038 = vector.extract_strided_slice %add3A_1037 {offsets = [0, 128], sizes = [256, 1], strides = [1, 1]} : vector<256x256xf32> to vector<256x1xf32>
    %max3A = arith.constant 5.000000e-01 : f32
    %max3A_1039 = vector.broadcast %max3A : f32 to vector<256x1xf32>
    %max3A_1040 = arith.maximumf %slice3A_1038, %max3A_1039 : vector<256x1xf32>
    %div3A = vector.broadcast %max3A_1040 : vector<256x1xf32> to vector<256x128xf32>
    %div3A_1041 = arith.divf %slice3A, %div3A : vector<256x128xf32>
    %get3A_1042 = arith.constant 0 : index
    %get3A_1043 = arith.constant 0 : index
    %get3A_1044 = vector.load %arg3[%get3A_1042, %get3A_1043] : memref<128x128xf32, #tpu.memory_space<vmem>>, vector<128x128xf32>
    %dot_general3A_1045 = arith.constant dense<0.000000e+00> : vector<256x128xf32>
    %dot_general3A_1046 = tpu.matmul %div3A_1041, %get3A_1044, %dot_general3A_1045 {dimension_numbers = #tpu.dot_dimension_numbers<[1], [0], [0], [1], [0, 0, 1, 1], [], []>, transpose_lhs_hint = false} : vector<256x128xf32>, vector<128x128xf32>, vector<256x128xf32> -> vector<256x128xf32>
    %get3A_1047 = arith.constant 0 : index
    %get3A_1048 = arith.constant 0 : index
    %get3A_1049 = vector.load %arg4[%get3A_1047, %get3A_1048] : memref<1x128xf32, #tpu.memory_space<vmem>>, vector<1x128xf32>
    %add3A_1050 = vector.broadcast %get3A_1049 : vector<1x128xf32> to vector<256x128xf32>
    %add3A_1051 = arith.addf %dot_general3A_1046, %add3A_1050 : vector<256x128xf32>
    %max3A_1052 = arith.constant 0.000000e+00 : f32
    %max3A_1053 = vector.broadcast %max3A_1052 : f32 to vector<256x128xf32>
    %max3A_1054 = arith.maximumf %add3A_1051, %max3A_1053 : vector<256x128xf32>
    %swap3A = arith.constant 0 : index
    %swap3A_1055 = arith.constant 0 : index
    %swap3A_1056 = vector.load %arg5[%swap3A, %swap3A_1055] : memref<256x128xf32, #tpu.memory_space<vmem>>, vector<256x128xf32>
    tpu.vector_store %arg5[%swap3A, %swap3A_1055], %max3A_1054 {strides = array<i32>} : memref<256x128xf32, #tpu.memory_space<vmem>>, vector<256x128xf32>,
    return
  }
  func.func @transform_0(%arg0: i32) -> (i32, i32, i32) {
    %c0_i32 = arith.constant 0 : i32
    %c0_i32_0 = arith.constant 0 : i32
    %c0_i32_1 = arith.constant 0 : i32
    return %arg0, %c0_i32, %c0_i32_0 : i32, i32, i32
  }
  func.func @transform_1(%arg0: i32) -> (i32, i32, i32) {
    %c0_i32 = arith.constant 0 : i32
    %c0_i32_0 = arith.constant 0 : i32
    %c0_i32_1 = arith.constant 0 : i32
    %c0_i32_2 = arith.constant 0 : i32
    return %c0_i32, %c0_i32_0, %c0_i32_1 : i32, i32, i32
  }
  func.func @transform_2(%arg0: i32) -> (i32, i32) {
    %c0_i32 = arith.constant 0 : i32
    %c0_i32_0 = arith.constant 0 : i32
    %c0_i32_1 = arith.constant 0 : i32
    return %c0_i32, %c0_i32_0 : i32, i32
  }
  func.func @transform_3(%arg0: i32) -> (i32, i32) {
    %c0_i32 = arith.constant 0 : i32
    %c0_i32_0 = arith.constant 0 : i32
    %c0_i32_1 = arith.constant 0 : i32
    return %c0_i32, %c0_i32_0 : i32, i32
  }
  func.func @transform_4(%arg0: i32) -> (i32, i32) {
    %c0_i32 = arith.constant 0 : i32
    %c0_i32_0 = arith.constant 0 : i32
    return %arg0, %c0_i32 : i32, i32
  }
}

module attributes {stable_mosaic.version = 14 : i64} {
  func.func @body(%arg0: i32, %arg1: memref<256x80x128xf32, #tpu.memory_space<vmem>>, %arg2: memref<80x128x256xf32, #tpu.memory_space<vmem>>, %arg3: memref<128x128xf32, #tpu.memory_space<vmem>>, %arg4: memref<1x128xf32, #tpu.memory_space<vmem>>, %arg5: memref<256x128xf32, #tpu.memory_space<vmem>>) attributes {dimension_semantics = [#tpu.dimension_semantics<arbitrary>], iteration_bounds = array<i64: 40>, scalar_prefetch = 0 : i64, scratch_operands = 0 : i64, tpu.core_type = #tpu.core_type<tc>, window_params = [{transform_indices = @transform_0, window_bounds = array<i64: 256, 80, 128>}, {pipeline_mode = #tpu.pipeline_mode<synchronous>, transform_indices = @transform_1, window_bounds = array<i64: 80, 128, 256>}, {pipeline_mode = #tpu.pipeline_mode<synchronous>, transform_indices = @transform_2, window_bounds = array<i64: 128, 128>}, {pipeline_mode = #tpu.pipeline_mode<synchronous>, transform_indices = @transform_3, window_bounds = array<i64: 1, 128>}, {transform_indices = @transform_4, window_bounds = array<i64: 256, 128>}]} {
    %broadcast_in_dim3A = arith.constant 0.000000e+00 : f32
    %broadcast_in_dim3A_0 = vector.broadcast %broadcast_in_dim3A : f32 to vector<256x256xf32>
    %get3A = arith.constant 0 : index
    %get3A_1 = arith.constant 0 : index
    %get3A_2 = arith.constant 0 : index
    %get3A_3 = vector.load %arg1[%get3A, %get3A_1, %get3A_2] : memref<256x80x128xf32, #tpu.memory_space<vmem>>, vector<256x1x128xf32>
    %get3A_4 = vector.shape_cast %get3A_3 : vector<256x1x128xf32> to vector<256x128xf32>
    %get3A_5 = arith.constant 0 : index
    %get3A_6 = arith.constant 0 : index
    %get3A_7 = arith.constant 0 : index
    %get3A_8 = vector.load %arg2[%get3A_5, %get3A_6, %get3A_7] : memref<80x128x256xf32, #tpu.memory_space<vmem>>, vector<1x128x256xf32>
    %get3A_9 = vector.shape_cast %get3A_8 : vector<1x128x256xf32> to vector<128x256xf32>
    %dot_general3A = arith.constant dense<0.000000e+00> : vector<256x256xf32>
    %dot_general3A_10 = tpu.matmul %get3A_4, %get3A_9, %dot_general3A {dimension_numbers = #tpu.dot_dimension_numbers<[1], [0], [0], [1], [0, 0, 1, 1], [], []>, transpose_lhs_hint = false} : vector<256x128xf32>, vector<128x256xf32>, vector<256x256xf32> -> vector<256x256xf32>
    %add3A = arith.addf %broadcast_in_dim3A_0, %dot_general3A_10 : vector<256x256xf32>
    %get3A_11 = arith.constant 0 : index
    %get3A_12 = arith.constant 1 : index
    %get3A_13 = arith.constant 0 : index
    %get3A_14 = vector.load %arg1[%get3A_11, %get3A_12, %get3A_13] : memref<256x80x128xf32, #tpu.memory_space<vmem>>, vector<256x1x128xf32>
    %get3A_15 = vector.shape_cast %get3A_14 : vector<256x1x128xf32> to vector<256x128xf32>
    %get3A_16 = arith.constant 1 : index
    %get3A_17 = arith.constant 0 : index
    %get3A_18 = arith.constant 0 : index
    %get3A_19 = vector.load %arg2[%get3A_16, %get3A_17, %get3A_18] : memref<80x128x256xf32, #tpu.memory_space<vmem>>, vector<1x128x256xf32>
    %get3A_20 = vector.shape_cast %get3A_19 : vector<1x128x256xf32> to vector<128x256xf32>
    %dot_general3A_21 = arith.constant dense<0.000000e+00> : vector<256x256xf32>
    %dot_general3A_22 = tpu.matmul %get3A_15, %get3A_20, %dot_general3A_21 {dimension_numbers = #tpu.dot_dimension_numbers<[1], [0], [0], [1], [0, 0, 1, 1], [], []>, transpose_lhs_hint = false} : vector<256x128xf32>, vector<128x256xf32>, vector<256x256xf32> -> vector<256x256xf32>
    %add3A_23 = arith.addf %add3A, %dot_general3A_22 : vector<256x256xf32>
    %get3A_24 = arith.constant 0 : index
    %get3A_25 = arith.constant 2 : index
    %get3A_26 = arith.constant 0 : index
    %get3A_27 = vector.load %arg1[%get3A_24, %get3A_25, %get3A_26] : memref<256x80x128xf32, #tpu.memory_space<vmem>>, vector<256x1x128xf32>
    %get3A_28 = vector.shape_cast %get3A_27 : vector<256x1x128xf32> to vector<256x128xf32>
    %get3A_29 = arith.constant 2 : index
    %get3A_30 = arith.constant 0 : index
    %get3A_31 = arith.constant 0 : index
    %get3A_32 = vector.load %arg2[%get3A_29, %get3A_30, %get3A_31] : memref<80x128x256xf32, #tpu.memory_space<vmem>>, vector<1x128x256xf32>
    %get3A_33 = vector.shape_cast %get3A_32 : vector<1x128x256xf32> to vector<128x256xf32>
    %dot_general3A_34 = arith.constant dense<0.000000e+00> : vector<256x256xf32>
    %dot_general3A_35 = tpu.matmul %get3A_28, %get3A_33, %dot_general3A_34 {dimension_numbers = #tpu.dot_dimension_numbers<[1], [0], [0], [1], [0, 0, 1, 1], [], []>, transpose_lhs_hint = false} : vector<256x128xf32>, vector<128x256xf32>, vector<256x256xf32> -> vector<256x256xf32>
    %add3A_36 = arith.addf %add3A_23, %dot_general3A_35 : vector<256x256xf32>
    %get3A_37 = arith.constant 0 : index
    %get3A_38 = arith.constant 3 : index
    %get3A_39 = arith.constant 0 : index
    %get3A_40 = vector.load %arg1[%get3A_37, %get3A_38, %get3A_39] : memref<256x80x128xf32, #tpu.memory_space<vmem>>, vector<256x1x128xf32>
    %get3A_41 = vector.shape_cast %get3A_40 : vector<256x1x128xf32> to vector<256x128xf32>
    %get3A_42 = arith.constant 3 : index
    %get3A_43 = arith.constant 0 : index
    %get3A_44 = arith.constant 0 : index
    %get3A_45 = vector.load %arg2[%get3A_42, %get3A_43, %get3A_44] : memref<80x128x256xf32, #tpu.memory_space<vmem>>, vector<1x128x256xf32>
    %get3A_46 = vector.shape_cast %get3A_45 : vector<1x128x256xf32> to vector<128x256xf32>
    %dot_general3A_47 = arith.constant dense<0.000000e+00> : vector<256x256xf32>
    %dot_general3A_48 = tpu.matmul %get3A_41, %get3A_46, %dot_general3A_47 {dimension_numbers = #tpu.dot_dimension_numbers<[1], [0], [0], [1], [0, 0, 1, 1], [], []>, transpose_lhs_hint = false} : vector<256x128xf32>, vector<128x256xf32>, vector<256x256xf32> -> vector<256x256xf32>
    %add3A_49 = arith.addf %add3A_36, %dot_general3A_48 : vector<256x256xf32>
    %get3A_50 = arith.constant 0 : index
    %get3A_51 = arith.constant 4 : index
    %get3A_52 = arith.constant 0 : index
    %get3A_53 = vector.load %arg1[%get3A_50, %get3A_51, %get3A_52] : memref<256x80x128xf32, #tpu.memory_space<vmem>>, vector<256x1x128xf32>
    %get3A_54 = vector.shape_cast %get3A_53 : vector<256x1x128xf32> to vector<256x128xf32>
    %get3A_55 = arith.constant 4 : index
    %get3A_56 = arith.constant 0 : index
    %get3A_57 = arith.constant 0 : index
    %get3A_58 = vector.load %arg2[%get3A_55, %get3A_56, %get3A_57] : memref<80x128x256xf32, #tpu.memory_space<vmem>>, vector<1x128x256xf32>
    %get3A_59 = vector.shape_cast %get3A_58 : vector<1x128x256xf32> to vector<128x256xf32>
    %dot_general3A_60 = arith.constant dense<0.000000e+00> : vector<256x256xf32>
    %dot_general3A_61 = tpu.matmul %get3A_54, %get3A_59, %dot_general3A_60 {dimension_numbers = #tpu.dot_dimension_numbers<[1], [0], [0], [1], [0, 0, 1, 1], [], []>, transpose_lhs_hint = false} : vector<256x128xf32>, vector<128x256xf32>, vector<256x256xf32> -> vector<256x256xf32>
    %add3A_62 = arith.addf %add3A_49, %dot_general3A_61 : vector<256x256xf32>
    %get3A_63 = arith.constant 0 : index
    %get3A_64 = arith.constant 5 : index
    %get3A_65 = arith.constant 0 : index
    %get3A_66 = vector.load %arg1[%get3A_63, %get3A_64, %get3A_65] : memref<256x80x128xf32, #tpu.memory_space<vmem>>, vector<256x1x128xf32>
    %get3A_67 = vector.shape_cast %get3A_66 : vector<256x1x128xf32> to vector<256x128xf32>
    %get3A_68 = arith.constant 5 : index
    %get3A_69 = arith.constant 0 : index
    %get3A_70 = arith.constant 0 : index
    %get3A_71 = vector.load %arg2[%get3A_68, %get3A_69, %get3A_70] : memref<80x128x256xf32, #tpu.memory_space<vmem>>, vector<1x128x256xf32>
    %get3A_72 = vector.shape_cast %get3A_71 : vector<1x128x256xf32> to vector<128x256xf32>
    %dot_general3A_73 = arith.constant dense<0.000000e+00> : vector<256x256xf32>
    %dot_general3A_74 = tpu.matmul %get3A_67, %get3A_72, %dot_general3A_73 {dimension_numbers = #tpu.dot_dimension_numbers<[1], [0], [0], [1], [0, 0, 1, 1], [], []>, transpose_lhs_hint = false} : vector<256x128xf32>, vector<128x256xf32>, vector<256x256xf32> -> vector<256x256xf32>
    %add3A_75 = arith.addf %add3A_62, %dot_general3A_74 : vector<256x256xf32>
    %get3A_76 = arith.constant 0 : index
    %get3A_77 = arith.constant 6 : index
    %get3A_78 = arith.constant 0 : index
    %get3A_79 = vector.load %arg1[%get3A_76, %get3A_77, %get3A_78] : memref<256x80x128xf32, #tpu.memory_space<vmem>>, vector<256x1x128xf32>
    %get3A_80 = vector.shape_cast %get3A_79 : vector<256x1x128xf32> to vector<256x128xf32>
    %get3A_81 = arith.constant 6 : index
    %get3A_82 = arith.constant 0 : index
    %get3A_83 = arith.constant 0 : index
    %get3A_84 = vector.load %arg2[%get3A_81, %get3A_82, %get3A_83] : memref<80x128x256xf32, #tpu.memory_space<vmem>>, vector<1x128x256xf32>
    %get3A_85 = vector.shape_cast %get3A_84 : vector<1x128x256xf32> to vector<128x256xf32>
    %dot_general3A_86 = arith.constant dense<0.000000e+00> : vector<256x256xf32>
    %dot_general3A_87 = tpu.matmul %get3A_80, %get3A_85, %dot_general3A_86 {dimension_numbers = #tpu.dot_dimension_numbers<[1], [0], [0], [1], [0, 0, 1, 1], [], []>, transpose_lhs_hint = false} : vector<256x128xf32>, vector<128x256xf32>, vector<256x256xf32> -> vector<256x256xf32>
    %add3A_88 = arith.addf %add3A_75, %dot_general3A_87 : vector<256x256xf32>
    %get3A_89 = arith.constant 0 : index
    %get3A_90 = arith.constant 7 : index
    %get3A_91 = arith.constant 0 : index
    %get3A_92 = vector.load %arg1[%get3A_89, %get3A_90, %get3A_91] : memref<256x80x128xf32, #tpu.memory_space<vmem>>, vector<256x1x128xf32>
    %get3A_93 = vector.shape_cast %get3A_92 : vector<256x1x128xf32> to vector<256x128xf32>
    %get3A_94 = arith.constant 7 : index
    %get3A_95 = arith.constant 0 : index
    %get3A_96 = arith.constant 0 : index
    %get3A_97 = vector.load %arg2[%get3A_94, %get3A_95, %get3A_96] : memref<80x128x256xf32, #tpu.memory_space<vmem>>, vector<1x128x256xf32>
    %get3A_98 = vector.shape_cast %get3A_97 : vector<1x128x256xf32> to vector<128x256xf32>
    %dot_general3A_99 = arith.constant dense<0.000000e+00> : vector<256x256xf32>
    %dot_general3A_100 = tpu.matmul %get3A_93, %get3A_98, %dot_general3A_99 {dimension_numbers = #tpu.dot_dimension_numbers<[1], [0], [0], [1], [0, 0, 1, 1], [], []>, transpose_lhs_hint = false} : vector<256x128xf32>, vector<128x256xf32>, vector<256x256xf32> -> vector<256x256xf32>
    %add3A_101 = arith.addf %add3A_88, %dot_general3A_100 : vector<256x256xf32>
    %get3A_102 = arith.constant 0 : index
    %get3A_103 = arith.constant 8 : index
    %get3A_104 = arith.constant 0 : index
    %get3A_105 = vector.load %arg1[%get3A_102, %get3A_103, %get3A_104] : memref<256x80x128xf32, #tpu.memory_space<vmem>>, vector<256x1x128xf32>
    %get3A_106 = vector.shape_cast %get3A_105 : vector<256x1x128xf32> to vector<256x128xf32>
    %get3A_107 = arith.constant 8 : index
    %get3A_108 = arith.constant 0 : index
    %get3A_109 = arith.constant 0 : index
    %get3A_110 = vector.load %arg2[%get3A_107, %get3A_108, %get3A_109] : memref<80x128x256xf32, #tpu.memory_space<vmem>>, vector<1x128x256xf32>
    %get3A_111 = vector.shape_cast %get3A_110 : vector<1x128x256xf32> to vector<128x256xf32>
    %dot_general3A_112 = arith.constant dense<0.000000e+00> : vector<256x256xf32>
    %dot_general3A_113 = tpu.matmul %get3A_106, %get3A_111, %dot_general3A_112 {dimension_numbers = #tpu.dot_dimension_numbers<[1], [0], [0], [1], [0, 0, 1, 1], [], []>, transpose_lhs_hint = false} : vector<256x128xf32>, vector<128x256xf32>, vector<256x256xf32> -> vector<256x256xf32>
    %add3A_114 = arith.addf %add3A_101, %dot_general3A_113 : vector<256x256xf32>
    %get3A_115 = arith.constant 0 : index
    %get3A_116 = arith.constant 9 : index
    %get3A_117 = arith.constant 0 : index
    %get3A_118 = vector.load %arg1[%get3A_115, %get3A_116, %get3A_117] : memref<256x80x128xf32, #tpu.memory_space<vmem>>, vector<256x1x128xf32>
    %get3A_119 = vector.shape_cast %get3A_118 : vector<256x1x128xf32> to vector<256x128xf32>
    %get3A_120 = arith.constant 9 : index
    %get3A_121 = arith.constant 0 : index
    %get3A_122 = arith.constant 0 : index
    %get3A_123 = vector.load %arg2[%get3A_120, %get3A_121, %get3A_122] : memref<80x128x256xf32, #tpu.memory_space<vmem>>, vector<1x128x256xf32>
    %get3A_124 = vector.shape_cast %get3A_123 : vector<1x128x256xf32> to vector<128x256xf32>
    %dot_general3A_125 = arith.constant dense<0.000000e+00> : vector<256x256xf32>
    %dot_general3A_126 = tpu.matmul %get3A_119, %get3A_124, %dot_general3A_125 {dimension_numbers = #tpu.dot_dimension_numbers<[1], [0], [0], [1], [0, 0, 1, 1], [], []>, transpose_lhs_hint = false} : vector<256x128xf32>, vector<128x256xf32>, vector<256x256xf32> -> vector<256x256xf32>
    %add3A_127 = arith.addf %add3A_114, %dot_general3A_126 : vector<256x256xf32>
    %get3A_128 = arith.constant 0 : index
    %get3A_129 = arith.constant 10 : index
    %get3A_130 = arith.constant 0 : index
    %get3A_131 = vector.load %arg1[%get3A_128, %get3A_129, %get3A_130] : memref<256x80x128xf32, #tpu.memory_space<vmem>>, vector<256x1x128xf32>
    %get3A_132 = vector.shape_cast %get3A_131 : vector<256x1x128xf32> to vector<256x128xf32>
    %get3A_133 = arith.constant 10 : index
    %get3A_134 = arith.constant 0 : index
    %get3A_135 = arith.constant 0 : index
    %get3A_136 = vector.load %arg2[%get3A_133, %get3A_134, %get3A_135] : memref<80x128x256xf32, #tpu.memory_space<vmem>>, vector<1x128x256xf32>
    %get3A_137 = vector.shape_cast %get3A_136 : vector<1x128x256xf32> to vector<128x256xf32>
    %dot_general3A_138 = arith.constant dense<0.000000e+00> : vector<256x256xf32>
    %dot_general3A_139 = tpu.matmul %get3A_132, %get3A_137, %dot_general3A_138 {dimension_numbers = #tpu.dot_dimension_numbers<[1], [0], [0], [1], [0, 0, 1, 1], [], []>, transpose_lhs_hint = false} : vector<256x128xf32>, vector<128x256xf32>, vector<256x256xf32> -> vector<256x256xf32>
    %add3A_140 = arith.addf %add3A_127, %dot_general3A_139 : vector<256x256xf32>
    %get3A_141 = arith.constant 0 : index
    %get3A_142 = arith.constant 11 : index
    %get3A_143 = arith.constant 0 : index
    %get3A_144 = vector.load %arg1[%get3A_141, %get3A_142, %get3A_143] : memref<256x80x128xf32, #tpu.memory_space<vmem>>, vector<256x1x128xf32>
    %get3A_145 = vector.shape_cast %get3A_144 : vector<256x1x128xf32> to vector<256x128xf32>
    %get3A_146 = arith.constant 11 : index
    %get3A_147 = arith.constant 0 : index
    %get3A_148 = arith.constant 0 : index
    %get3A_149 = vector.load %arg2[%get3A_146, %get3A_147, %get3A_148] : memref<80x128x256xf32, #tpu.memory_space<vmem>>, vector<1x128x256xf32>
    %get3A_150 = vector.shape_cast %get3A_149 : vector<1x128x256xf32> to vector<128x256xf32>
    %dot_general3A_151 = arith.constant dense<0.000000e+00> : vector<256x256xf32>
    %dot_general3A_152 = tpu.matmul %get3A_145, %get3A_150, %dot_general3A_151 {dimension_numbers = #tpu.dot_dimension_numbers<[1], [0], [0], [1], [0, 0, 1, 1], [], []>, transpose_lhs_hint = false} : vector<256x128xf32>, vector<128x256xf32>, vector<256x256xf32> -> vector<256x256xf32>
    %add3A_153 = arith.addf %add3A_140, %dot_general3A_152 : vector<256x256xf32>
    %get3A_154 = arith.constant 0 : index
    %get3A_155 = arith.constant 12 : index
    %get3A_156 = arith.constant 0 : index
    %get3A_157 = vector.load %arg1[%get3A_154, %get3A_155, %get3A_156] : memref<256x80x128xf32, #tpu.memory_space<vmem>>, vector<256x1x128xf32>
    %get3A_158 = vector.shape_cast %get3A_157 : vector<256x1x128xf32> to vector<256x128xf32>
    %get3A_159 = arith.constant 12 : index
    %get3A_160 = arith.constant 0 : index
    %get3A_161 = arith.constant 0 : index
    %get3A_162 = vector.load %arg2[%get3A_159, %get3A_160, %get3A_161] : memref<80x128x256xf32, #tpu.memory_space<vmem>>, vector<1x128x256xf32>
    %get3A_163 = vector.shape_cast %get3A_162 : vector<1x128x256xf32> to vector<128x256xf32>
    %dot_general3A_164 = arith.constant dense<0.000000e+00> : vector<256x256xf32>
    %dot_general3A_165 = tpu.matmul %get3A_158, %get3A_163, %dot_general3A_164 {dimension_numbers = #tpu.dot_dimension_numbers<[1], [0], [0], [1], [0, 0, 1, 1], [], []>, transpose_lhs_hint = false} : vector<256x128xf32>, vector<128x256xf32>, vector<256x256xf32> -> vector<256x256xf32>
    %add3A_166 = arith.addf %add3A_153, %dot_general3A_165 : vector<256x256xf32>
    %get3A_167 = arith.constant 0 : index
    %get3A_168 = arith.constant 13 : index
    %get3A_169 = arith.constant 0 : index
    %get3A_170 = vector.load %arg1[%get3A_167, %get3A_168, %get3A_169] : memref<256x80x128xf32, #tpu.memory_space<vmem>>, vector<256x1x128xf32>
    %get3A_171 = vector.shape_cast %get3A_170 : vector<256x1x128xf32> to vector<256x128xf32>
    %get3A_172 = arith.constant 13 : index
    %get3A_173 = arith.constant 0 : index
    %get3A_174 = arith.constant 0 : index
    %get3A_175 = vector.load %arg2[%get3A_172, %get3A_173, %get3A_174] : memref<80x128x256xf32, #tpu.memory_space<vmem>>, vector<1x128x256xf32>
    %get3A_176 = vector.shape_cast %get3A_175 : vector<1x128x256xf32> to vector<128x256xf32>
    %dot_general3A_177 = arith.constant dense<0.000000e+00> : vector<256x256xf32>
    %dot_general3A_178 = tpu.matmul %get3A_171, %get3A_176, %dot_general3A_177 {dimension_numbers = #tpu.dot_dimension_numbers<[1], [0], [0], [1], [0, 0, 1, 1], [], []>, transpose_lhs_hint = false} : vector<256x128xf32>, vector<128x256xf32>, vector<256x256xf32> -> vector<256x256xf32>
    %add3A_179 = arith.addf %add3A_166, %dot_general3A_178 : vector<256x256xf32>
    %get3A_180 = arith.constant 0 : index
    %get3A_181 = arith.constant 14 : index
    %get3A_182 = arith.constant 0 : index
    %get3A_183 = vector.load %arg1[%get3A_180, %get3A_181, %get3A_182] : memref<256x80x128xf32, #tpu.memory_space<vmem>>, vector<256x1x128xf32>
    %get3A_184 = vector.shape_cast %get3A_183 : vector<256x1x128xf32> to vector<256x128xf32>
    %get3A_185 = arith.constant 14 : index
    %get3A_186 = arith.constant 0 : index
    %get3A_187 = arith.constant 0 : index
    %get3A_188 = vector.load %arg2[%get3A_185, %get3A_186, %get3A_187] : memref<80x128x256xf32, #tpu.memory_space<vmem>>, vector<1x128x256xf32>
    %get3A_189 = vector.shape_cast %get3A_188 : vector<1x128x256xf32> to vector<128x256xf32>
    %dot_general3A_190 = arith.constant dense<0.000000e+00> : vector<256x256xf32>
    %dot_general3A_191 = tpu.matmul %get3A_184, %get3A_189, %dot_general3A_190 {dimension_numbers = #tpu.dot_dimension_numbers<[1], [0], [0], [1], [0, 0, 1, 1], [], []>, transpose_lhs_hint = false} : vector<256x128xf32>, vector<128x256xf32>, vector<256x256xf32> -> vector<256x256xf32>
    %add3A_192 = arith.addf %add3A_179, %dot_general3A_191 : vector<256x256xf32>
    %get3A_193 = arith.constant 0 : index
    %get3A_194 = arith.constant 15 : index
    %get3A_195 = arith.constant 0 : index
    %get3A_196 = vector.load %arg1[%get3A_193, %get3A_194, %get3A_195] : memref<256x80x128xf32, #tpu.memory_space<vmem>>, vector<256x1x128xf32>
    %get3A_197 = vector.shape_cast %get3A_196 : vector<256x1x128xf32> to vector<256x128xf32>
    %get3A_198 = arith.constant 15 : index
    %get3A_199 = arith.constant 0 : index
    %get3A_200 = arith.constant 0 : index
    %get3A_201 = vector.load %arg2[%get3A_198, %get3A_199, %get3A_200] : memref<80x128x256xf32, #tpu.memory_space<vmem>>, vector<1x128x256xf32>
    %get3A_202 = vector.shape_cast %get3A_201 : vector<1x128x256xf32> to vector<128x256xf32>
    %dot_general3A_203 = arith.constant dense<0.000000e+00> : vector<256x256xf32>
    %dot_general3A_204 = tpu.matmul %get3A_197, %get3A_202, %dot_general3A_203 {dimension_numbers = #tpu.dot_dimension_numbers<[1], [0], [0], [1], [0, 0, 1, 1], [], []>, transpose_lhs_hint = false} : vector<256x128xf32>, vector<128x256xf32>, vector<256x256xf32> -> vector<256x256xf32>
    %add3A_205 = arith.addf %add3A_192, %dot_general3A_204 : vector<256x256xf32>
    %get3A_206 = arith.constant 0 : index
    %get3A_207 = arith.constant 16 : index
    %get3A_208 = arith.constant 0 : index
    %get3A_209 = vector.load %arg1[%get3A_206, %get3A_207, %get3A_208] : memref<256x80x128xf32, #tpu.memory_space<vmem>>, vector<256x1x128xf32>
    %get3A_210 = vector.shape_cast %get3A_209 : vector<256x1x128xf32> to vector<256x128xf32>
    %get3A_211 = arith.constant 16 : index
    %get3A_212 = arith.constant 0 : index
    %get3A_213 = arith.constant 0 : index
    %get3A_214 = vector.load %arg2[%get3A_211, %get3A_212, %get3A_213] : memref<80x128x256xf32, #tpu.memory_space<vmem>>, vector<1x128x256xf32>
    %get3A_215 = vector.shape_cast %get3A_214 : vector<1x128x256xf32> to vector<128x256xf32>
    %dot_general3A_216 = arith.constant dense<0.000000e+00> : vector<256x256xf32>
    %dot_general3A_217 = tpu.matmul %get3A_210, %get3A_215, %dot_general3A_216 {dimension_numbers = #tpu.dot_dimension_numbers<[1], [0], [0], [1], [0, 0, 1, 1], [], []>, transpose_lhs_hint = false} : vector<256x128xf32>, vector<128x256xf32>, vector<256x256xf32> -> vector<256x256xf32>
    %add3A_218 = arith.addf %add3A_205, %dot_general3A_217 : vector<256x256xf32>
    %get3A_219 = arith.constant 0 : index
    %get3A_220 = arith.constant 17 : index
    %get3A_221 = arith.constant 0 : index
    %get3A_222 = vector.load %arg1[%get3A_219, %get3A_220, %get3A_221] : memref<256x80x128xf32, #tpu.memory_space<vmem>>, vector<256x1x128xf32>
    %get3A_223 = vector.shape_cast %get3A_222 : vector<256x1x128xf32> to vector<256x128xf32>
    %get3A_224 = arith.constant 17 : index
    %get3A_225 = arith.constant 0 : index
    %get3A_226 = arith.constant 0 : index
    %get3A_227 = vector.load %arg2[%get3A_224, %get3A_225, %get3A_226] : memref<80x128x256xf32, #tpu.memory_space<vmem>>, vector<1x128x256xf32>
    %get3A_228 = vector.shape_cast %get3A_227 : vector<1x128x256xf32> to vector<128x256xf32>
    %dot_general3A_229 = arith.constant dense<0.000000e+00> : vector<256x256xf32>
    %dot_general3A_230 = tpu.matmul %get3A_223, %get3A_228, %dot_general3A_229 {dimension_numbers = #tpu.dot_dimension_numbers<[1], [0], [0], [1], [0, 0, 1, 1], [], []>, transpose_lhs_hint = false} : vector<256x128xf32>, vector<128x256xf32>, vector<256x256xf32> -> vector<256x256xf32>
    %add3A_231 = arith.addf %add3A_218, %dot_general3A_230 : vector<256x256xf32>
    %get3A_232 = arith.constant 0 : index
    %get3A_233 = arith.constant 18 : index
    %get3A_234 = arith.constant 0 : index
    %get3A_235 = vector.load %arg1[%get3A_232, %get3A_233, %get3A_234] : memref<256x80x128xf32, #tpu.memory_space<vmem>>, vector<256x1x128xf32>
    %get3A_236 = vector.shape_cast %get3A_235 : vector<256x1x128xf32> to vector<256x128xf32>
    %get3A_237 = arith.constant 18 : index
    %get3A_238 = arith.constant 0 : index
    %get3A_239 = arith.constant 0 : index
    %get3A_240 = vector.load %arg2[%get3A_237, %get3A_238, %get3A_239] : memref<80x128x256xf32, #tpu.memory_space<vmem>>, vector<1x128x256xf32>
    %get3A_241 = vector.shape_cast %get3A_240 : vector<1x128x256xf32> to vector<128x256xf32>
    %dot_general3A_242 = arith.constant dense<0.000000e+00> : vector<256x256xf32>
    %dot_general3A_243 = tpu.matmul %get3A_236, %get3A_241, %dot_general3A_242 {dimension_numbers = #tpu.dot_dimension_numbers<[1], [0], [0], [1], [0, 0, 1, 1], [], []>, transpose_lhs_hint = false} : vector<256x128xf32>, vector<128x256xf32>, vector<256x256xf32> -> vector<256x256xf32>
    %add3A_244 = arith.addf %add3A_231, %dot_general3A_243 : vector<256x256xf32>
    %get3A_245 = arith.constant 0 : index
    %get3A_246 = arith.constant 19 : index
    %get3A_247 = arith.constant 0 : index
    %get3A_248 = vector.load %arg1[%get3A_245, %get3A_246, %get3A_247] : memref<256x80x128xf32, #tpu.memory_space<vmem>>, vector<256x1x128xf32>
    %get3A_249 = vector.shape_cast %get3A_248 : vector<256x1x128xf32> to vector<256x128xf32>
    %get3A_250 = arith.constant 19 : index
    %get3A_251 = arith.constant 0 : index
    %get3A_252 = arith.constant 0 : index
    %get3A_253 = vector.load %arg2[%get3A_250, %get3A_251, %get3A_252] : memref<80x128x256xf32, #tpu.memory_space<vmem>>, vector<1x128x256xf32>
    %get3A_254 = vector.shape_cast %get3A_253 : vector<1x128x256xf32> to vector<128x256xf32>
    %dot_general3A_255 = arith.constant dense<0.000000e+00> : vector<256x256xf32>
    %dot_general3A_256 = tpu.matmul %get3A_249, %get3A_254, %dot_general3A_255 {dimension_numbers = #tpu.dot_dimension_numbers<[1], [0], [0], [1], [0, 0, 1, 1], [], []>, transpose_lhs_hint = false} : vector<256x128xf32>, vector<128x256xf32>, vector<256x256xf32> -> vector<256x256xf32>
    %add3A_257 = arith.addf %add3A_244, %dot_general3A_256 : vector<256x256xf32>
    %get3A_258 = arith.constant 0 : index
    %get3A_259 = arith.constant 20 : index
    %get3A_260 = arith.constant 0 : index
    %get3A_261 = vector.load %arg1[%get3A_258, %get3A_259, %get3A_260] : memref<256x80x128xf32, #tpu.memory_space<vmem>>, vector<256x1x128xf32>
    %get3A_262 = vector.shape_cast %get3A_261 : vector<256x1x128xf32> to vector<256x128xf32>
    %get3A_263 = arith.constant 20 : index
    %get3A_264 = arith.constant 0 : index
    %get3A_265 = arith.constant 0 : index
    %get3A_266 = vector.load %arg2[%get3A_263, %get3A_264, %get3A_265] : memref<80x128x256xf32, #tpu.memory_space<vmem>>, vector<1x128x256xf32>
    %get3A_267 = vector.shape_cast %get3A_266 : vector<1x128x256xf32> to vector<128x256xf32>
    %dot_general3A_268 = arith.constant dense<0.000000e+00> : vector<256x256xf32>
    %dot_general3A_269 = tpu.matmul %get3A_262, %get3A_267, %dot_general3A_268 {dimension_numbers = #tpu.dot_dimension_numbers<[1], [0], [0], [1], [0, 0, 1, 1], [], []>, transpose_lhs_hint = false} : vector<256x128xf32>, vector<128x256xf32>, vector<256x256xf32> -> vector<256x256xf32>
    %add3A_270 = arith.addf %add3A_257, %dot_general3A_269 : vector<256x256xf32>
    %get3A_271 = arith.constant 0 : index
    %get3A_272 = arith.constant 21 : index
    %get3A_273 = arith.constant 0 : index
    %get3A_274 = vector.load %arg1[%get3A_271, %get3A_272, %get3A_273] : memref<256x80x128xf32, #tpu.memory_space<vmem>>, vector<256x1x128xf32>
    %get3A_275 = vector.shape_cast %get3A_274 : vector<256x1x128xf32> to vector<256x128xf32>
    %get3A_276 = arith.constant 21 : index
    %get3A_277 = arith.constant 0 : index
    %get3A_278 = arith.constant 0 : index
    %get3A_279 = vector.load %arg2[%get3A_276, %get3A_277, %get3A_278] : memref<80x128x256xf32, #tpu.memory_space<vmem>>, vector<1x128x256xf32>
    %get3A_280 = vector.shape_cast %get3A_279 : vector<1x128x256xf32> to vector<128x256xf32>
    %dot_general3A_281 = arith.constant dense<0.000000e+00> : vector<256x256xf32>
    %dot_general3A_282 = tpu.matmul %get3A_275, %get3A_280, %dot_general3A_281 {dimension_numbers = #tpu.dot_dimension_numbers<[1], [0], [0], [1], [0, 0, 1, 1], [], []>, transpose_lhs_hint = false} : vector<256x128xf32>, vector<128x256xf32>, vector<256x256xf32> -> vector<256x256xf32>
    %add3A_283 = arith.addf %add3A_270, %dot_general3A_282 : vector<256x256xf32>
    %get3A_284 = arith.constant 0 : index
    %get3A_285 = arith.constant 22 : index
    %get3A_286 = arith.constant 0 : index
    %get3A_287 = vector.load %arg1[%get3A_284, %get3A_285, %get3A_286] : memref<256x80x128xf32, #tpu.memory_space<vmem>>, vector<256x1x128xf32>
    %get3A_288 = vector.shape_cast %get3A_287 : vector<256x1x128xf32> to vector<256x128xf32>
    %get3A_289 = arith.constant 22 : index
    %get3A_290 = arith.constant 0 : index
    %get3A_291 = arith.constant 0 : index
    %get3A_292 = vector.load %arg2[%get3A_289, %get3A_290, %get3A_291] : memref<80x128x256xf32, #tpu.memory_space<vmem>>, vector<1x128x256xf32>
    %get3A_293 = vector.shape_cast %get3A_292 : vector<1x128x256xf32> to vector<128x256xf32>
    %dot_general3A_294 = arith.constant dense<0.000000e+00> : vector<256x256xf32>
    %dot_general3A_295 = tpu.matmul %get3A_288, %get3A_293, %dot_general3A_294 {dimension_numbers = #tpu.dot_dimension_numbers<[1], [0], [0], [1], [0, 0, 1, 1], [], []>, transpose_lhs_hint = false} : vector<256x128xf32>, vector<128x256xf32>, vector<256x256xf32> -> vector<256x256xf32>
    %add3A_296 = arith.addf %add3A_283, %dot_general3A_295 : vector<256x256xf32>
    %get3A_297 = arith.constant 0 : index
    %get3A_298 = arith.constant 23 : index
    %get3A_299 = arith.constant 0 : index
    %get3A_300 = vector.load %arg1[%get3A_297, %get3A_298, %get3A_299] : memref<256x80x128xf32, #tpu.memory_space<vmem>>, vector<256x1x128xf32>
    %get3A_301 = vector.shape_cast %get3A_300 : vector<256x1x128xf32> to vector<256x128xf32>
    %get3A_302 = arith.constant 23 : index
    %get3A_303 = arith.constant 0 : index
    %get3A_304 = arith.constant 0 : index
    %get3A_305 = vector.load %arg2[%get3A_302, %get3A_303, %get3A_304] : memref<80x128x256xf32, #tpu.memory_space<vmem>>, vector<1x128x256xf32>
    %get3A_306 = vector.shape_cast %get3A_305 : vector<1x128x256xf32> to vector<128x256xf32>
    %dot_general3A_307 = arith.constant dense<0.000000e+00> : vector<256x256xf32>
    %dot_general3A_308 = tpu.matmul %get3A_301, %get3A_306, %dot_general3A_307 {dimension_numbers = #tpu.dot_dimension_numbers<[1], [0], [0], [1], [0, 0, 1, 1], [], []>, transpose_lhs_hint = false} : vector<256x128xf32>, vector<128x256xf32>, vector<256x256xf32> -> vector<256x256xf32>
    %add3A_309 = arith.addf %add3A_296, %dot_general3A_308 : vector<256x256xf32>
    %get3A_310 = arith.constant 0 : index
    %get3A_311 = arith.constant 24 : index
    %get3A_312 = arith.constant 0 : index
    %get3A_313 = vector.load %arg1[%get3A_310, %get3A_311, %get3A_312] : memref<256x80x128xf32, #tpu.memory_space<vmem>>, vector<256x1x128xf32>
    %get3A_314 = vector.shape_cast %get3A_313 : vector<256x1x128xf32> to vector<256x128xf32>
    %get3A_315 = arith.constant 24 : index
    %get3A_316 = arith.constant 0 : index
    %get3A_317 = arith.constant 0 : index
    %get3A_318 = vector.load %arg2[%get3A_315, %get3A_316, %get3A_317] : memref<80x128x256xf32, #tpu.memory_space<vmem>>, vector<1x128x256xf32>
    %get3A_319 = vector.shape_cast %get3A_318 : vector<1x128x256xf32> to vector<128x256xf32>
    %dot_general3A_320 = arith.constant dense<0.000000e+00> : vector<256x256xf32>
    %dot_general3A_321 = tpu.matmul %get3A_314, %get3A_319, %dot_general3A_320 {dimension_numbers = #tpu.dot_dimension_numbers<[1], [0], [0], [1], [0, 0, 1, 1], [], []>, transpose_lhs_hint = false} : vector<256x128xf32>, vector<128x256xf32>, vector<256x256xf32> -> vector<256x256xf32>
    %add3A_322 = arith.addf %add3A_309, %dot_general3A_321 : vector<256x256xf32>
    %get3A_323 = arith.constant 0 : index
    %get3A_324 = arith.constant 25 : index
    %get3A_325 = arith.constant 0 : index
    %get3A_326 = vector.load %arg1[%get3A_323, %get3A_324, %get3A_325] : memref<256x80x128xf32, #tpu.memory_space<vmem>>, vector<256x1x128xf32>
    %get3A_327 = vector.shape_cast %get3A_326 : vector<256x1x128xf32> to vector<256x128xf32>
    %get3A_328 = arith.constant 25 : index
    %get3A_329 = arith.constant 0 : index
    %get3A_330 = arith.constant 0 : index
    %get3A_331 = vector.load %arg2[%get3A_328, %get3A_329, %get3A_330] : memref<80x128x256xf32, #tpu.memory_space<vmem>>, vector<1x128x256xf32>
    %get3A_332 = vector.shape_cast %get3A_331 : vector<1x128x256xf32> to vector<128x256xf32>
    %dot_general3A_333 = arith.constant dense<0.000000e+00> : vector<256x256xf32>
    %dot_general3A_334 = tpu.matmul %get3A_327, %get3A_332, %dot_general3A_333 {dimension_numbers = #tpu.dot_dimension_numbers<[1], [0], [0], [1], [0, 0, 1, 1], [], []>, transpose_lhs_hint = false} : vector<256x128xf32>, vector<128x256xf32>, vector<256x256xf32> -> vector<256x256xf32>
    %add3A_335 = arith.addf %add3A_322, %dot_general3A_334 : vector<256x256xf32>
    %get3A_336 = arith.constant 0 : index
    %get3A_337 = arith.constant 26 : index
    %get3A_338 = arith.constant 0 : index
    %get3A_339 = vector.load %arg1[%get3A_336, %get3A_337, %get3A_338] : memref<256x80x128xf32, #tpu.memory_space<vmem>>, vector<256x1x128xf32>
    %get3A_340 = vector.shape_cast %get3A_339 : vector<256x1x128xf32> to vector<256x128xf32>
    %get3A_341 = arith.constant 26 : index
    %get3A_342 = arith.constant 0 : index
    %get3A_343 = arith.constant 0 : index
    %get3A_344 = vector.load %arg2[%get3A_341, %get3A_342, %get3A_343] : memref<80x128x256xf32, #tpu.memory_space<vmem>>, vector<1x128x256xf32>
    %get3A_345 = vector.shape_cast %get3A_344 : vector<1x128x256xf32> to vector<128x256xf32>
    %dot_general3A_346 = arith.constant dense<0.000000e+00> : vector<256x256xf32>
    %dot_general3A_347 = tpu.matmul %get3A_340, %get3A_345, %dot_general3A_346 {dimension_numbers = #tpu.dot_dimension_numbers<[1], [0], [0], [1], [0, 0, 1, 1], [], []>, transpose_lhs_hint = false} : vector<256x128xf32>, vector<128x256xf32>, vector<256x256xf32> -> vector<256x256xf32>
    %add3A_348 = arith.addf %add3A_335, %dot_general3A_347 : vector<256x256xf32>
    %get3A_349 = arith.constant 0 : index
    %get3A_350 = arith.constant 27 : index
    %get3A_351 = arith.constant 0 : index
    %get3A_352 = vector.load %arg1[%get3A_349, %get3A_350, %get3A_351] : memref<256x80x128xf32, #tpu.memory_space<vmem>>, vector<256x1x128xf32>
    %get3A_353 = vector.shape_cast %get3A_352 : vector<256x1x128xf32> to vector<256x128xf32>
    %get3A_354 = arith.constant 27 : index
    %get3A_355 = arith.constant 0 : index
    %get3A_356 = arith.constant 0 : index
    %get3A_357 = vector.load %arg2[%get3A_354, %get3A_355, %get3A_356] : memref<80x128x256xf32, #tpu.memory_space<vmem>>, vector<1x128x256xf32>
    %get3A_358 = vector.shape_cast %get3A_357 : vector<1x128x256xf32> to vector<128x256xf32>
    %dot_general3A_359 = arith.constant dense<0.000000e+00> : vector<256x256xf32>
    %dot_general3A_360 = tpu.matmul %get3A_353, %get3A_358, %dot_general3A_359 {dimension_numbers = #tpu.dot_dimension_numbers<[1], [0], [0], [1], [0, 0, 1, 1], [], []>, transpose_lhs_hint = false} : vector<256x128xf32>, vector<128x256xf32>, vector<256x256xf32> -> vector<256x256xf32>
    %add3A_361 = arith.addf %add3A_348, %dot_general3A_360 : vector<256x256xf32>
    %get3A_362 = arith.constant 0 : index
    %get3A_363 = arith.constant 28 : index
    %get3A_364 = arith.constant 0 : index
    %get3A_365 = vector.load %arg1[%get3A_362, %get3A_363, %get3A_364] : memref<256x80x128xf32, #tpu.memory_space<vmem>>, vector<256x1x128xf32>
    %get3A_366 = vector.shape_cast %get3A_365 : vector<256x1x128xf32> to vector<256x128xf32>
    %get3A_367 = arith.constant 28 : index
    %get3A_368 = arith.constant 0 : index
    %get3A_369 = arith.constant 0 : index
    %get3A_370 = vector.load %arg2[%get3A_367, %get3A_368, %get3A_369] : memref<80x128x256xf32, #tpu.memory_space<vmem>>, vector<1x128x256xf32>
    %get3A_371 = vector.shape_cast %get3A_370 : vector<1x128x256xf32> to vector<128x256xf32>
    %dot_general3A_372 = arith.constant dense<0.000000e+00> : vector<256x256xf32>
    %dot_general3A_373 = tpu.matmul %get3A_366, %get3A_371, %dot_general3A_372 {dimension_numbers = #tpu.dot_dimension_numbers<[1], [0], [0], [1], [0, 0, 1, 1], [], []>, transpose_lhs_hint = false} : vector<256x128xf32>, vector<128x256xf32>, vector<256x256xf32> -> vector<256x256xf32>
    %add3A_374 = arith.addf %add3A_361, %dot_general3A_373 : vector<256x256xf32>
    %get3A_375 = arith.constant 0 : index
    %get3A_376 = arith.constant 29 : index
    %get3A_377 = arith.constant 0 : index
    %get3A_378 = vector.load %arg1[%get3A_375, %get3A_376, %get3A_377] : memref<256x80x128xf32, #tpu.memory_space<vmem>>, vector<256x1x128xf32>
    %get3A_379 = vector.shape_cast %get3A_378 : vector<256x1x128xf32> to vector<256x128xf32>
    %get3A_380 = arith.constant 29 : index
    %get3A_381 = arith.constant 0 : index
    %get3A_382 = arith.constant 0 : index
    %get3A_383 = vector.load %arg2[%get3A_380, %get3A_381, %get3A_382] : memref<80x128x256xf32, #tpu.memory_space<vmem>>, vector<1x128x256xf32>
    %get3A_384 = vector.shape_cast %get3A_383 : vector<1x128x256xf32> to vector<128x256xf32>
    %dot_general3A_385 = arith.constant dense<0.000000e+00> : vector<256x256xf32>
    %dot_general3A_386 = tpu.matmul %get3A_379, %get3A_384, %dot_general3A_385 {dimension_numbers = #tpu.dot_dimension_numbers<[1], [0], [0], [1], [0, 0, 1, 1], [], []>, transpose_lhs_hint = false} : vector<256x128xf32>, vector<128x256xf32>, vector<256x256xf32> -> vector<256x256xf32>
    %add3A_387 = arith.addf %add3A_374, %dot_general3A_386 : vector<256x256xf32>
    %get3A_388 = arith.constant 0 : index
    %get3A_389 = arith.constant 30 : index
    %get3A_390 = arith.constant 0 : index
    %get3A_391 = vector.load %arg1[%get3A_388, %get3A_389, %get3A_390] : memref<256x80x128xf32, #tpu.memory_space<vmem>>, vector<256x1x128xf32>
    %get3A_392 = vector.shape_cast %get3A_391 : vector<256x1x128xf32> to vector<256x128xf32>
    %get3A_393 = arith.constant 30 : index
    %get3A_394 = arith.constant 0 : index
    %get3A_395 = arith.constant 0 : index
    %get3A_396 = vector.load %arg2[%get3A_393, %get3A_394, %get3A_395] : memref<80x128x256xf32, #tpu.memory_space<vmem>>, vector<1x128x256xf32>
    %get3A_397 = vector.shape_cast %get3A_396 : vector<1x128x256xf32> to vector<128x256xf32>
    %dot_general3A_398 = arith.constant dense<0.000000e+00> : vector<256x256xf32>
    %dot_general3A_399 = tpu.matmul %get3A_392, %get3A_397, %dot_general3A_398 {dimension_numbers = #tpu.dot_dimension_numbers<[1], [0], [0], [1], [0, 0, 1, 1], [], []>, transpose_lhs_hint = false} : vector<256x128xf32>, vector<128x256xf32>, vector<256x256xf32> -> vector<256x256xf32>
    %add3A_400 = arith.addf %add3A_387, %dot_general3A_399 : vector<256x256xf32>
    %get3A_401 = arith.constant 0 : index
    %get3A_402 = arith.constant 31 : index
    %get3A_403 = arith.constant 0 : index
    %get3A_404 = vector.load %arg1[%get3A_401, %get3A_402, %get3A_403] : memref<256x80x128xf32, #tpu.memory_space<vmem>>, vector<256x1x128xf32>
    %get3A_405 = vector.shape_cast %get3A_404 : vector<256x1x128xf32> to vector<256x128xf32>
    %get3A_406 = arith.constant 31 : index
    %get3A_407 = arith.constant 0 : index
    %get3A_408 = arith.constant 0 : index
    %get3A_409 = vector.load %arg2[%get3A_406, %get3A_407, %get3A_408] : memref<80x128x256xf32, #tpu.memory_space<vmem>>, vector<1x128x256xf32>
    %get3A_410 = vector.shape_cast %get3A_409 : vector<1x128x256xf32> to vector<128x256xf32>
    %dot_general3A_411 = arith.constant dense<0.000000e+00> : vector<256x256xf32>
    %dot_general3A_412 = tpu.matmul %get3A_405, %get3A_410, %dot_general3A_411 {dimension_numbers = #tpu.dot_dimension_numbers<[1], [0], [0], [1], [0, 0, 1, 1], [], []>, transpose_lhs_hint = false} : vector<256x128xf32>, vector<128x256xf32>, vector<256x256xf32> -> vector<256x256xf32>
    %add3A_413 = arith.addf %add3A_400, %dot_general3A_412 : vector<256x256xf32>
    %get3A_414 = arith.constant 0 : index
    %get3A_415 = arith.constant 32 : index
    %get3A_416 = arith.constant 0 : index
    %get3A_417 = vector.load %arg1[%get3A_414, %get3A_415, %get3A_416] : memref<256x80x128xf32, #tpu.memory_space<vmem>>, vector<256x1x128xf32>
    %get3A_418 = vector.shape_cast %get3A_417 : vector<256x1x128xf32> to vector<256x128xf32>
    %get3A_419 = arith.constant 32 : index
    %get3A_420 = arith.constant 0 : index
    %get3A_421 = arith.constant 0 : index
    %get3A_422 = vector.load %arg2[%get3A_419, %get3A_420, %get3A_421] : memref<80x128x256xf32, #tpu.memory_space<vmem>>, vector<1x128x256xf32>
    %get3A_423 = vector.shape_cast %get3A_422 : vector<1x128x256xf32> to vector<128x256xf32>
    %dot_general3A_424 = arith.constant dense<0.000000e+00> : vector<256x256xf32>
    %dot_general3A_425 = tpu.matmul %get3A_418, %get3A_423, %dot_general3A_424 {dimension_numbers = #tpu.dot_dimension_numbers<[1], [0], [0], [1], [0, 0, 1, 1], [], []>, transpose_lhs_hint = false} : vector<256x128xf32>, vector<128x256xf32>, vector<256x256xf32> -> vector<256x256xf32>
    %add3A_426 = arith.addf %add3A_413, %dot_general3A_425 : vector<256x256xf32>
    %get3A_427 = arith.constant 0 : index
    %get3A_428 = arith.constant 33 : index
    %get3A_429 = arith.constant 0 : index
    %get3A_430 = vector.load %arg1[%get3A_427, %get3A_428, %get3A_429] : memref<256x80x128xf32, #tpu.memory_space<vmem>>, vector<256x1x128xf32>
    %get3A_431 = vector.shape_cast %get3A_430 : vector<256x1x128xf32> to vector<256x128xf32>
    %get3A_432 = arith.constant 33 : index
    %get3A_433 = arith.constant 0 : index
    %get3A_434 = arith.constant 0 : index
    %get3A_435 = vector.load %arg2[%get3A_432, %get3A_433, %get3A_434] : memref<80x128x256xf32, #tpu.memory_space<vmem>>, vector<1x128x256xf32>
    %get3A_436 = vector.shape_cast %get3A_435 : vector<1x128x256xf32> to vector<128x256xf32>
    %dot_general3A_437 = arith.constant dense<0.000000e+00> : vector<256x256xf32>
    %dot_general3A_438 = tpu.matmul %get3A_431, %get3A_436, %dot_general3A_437 {dimension_numbers = #tpu.dot_dimension_numbers<[1], [0], [0], [1], [0, 0, 1, 1], [], []>, transpose_lhs_hint = false} : vector<256x128xf32>, vector<128x256xf32>, vector<256x256xf32> -> vector<256x256xf32>
    %add3A_439 = arith.addf %add3A_426, %dot_general3A_438 : vector<256x256xf32>
    %get3A_440 = arith.constant 0 : index
    %get3A_441 = arith.constant 34 : index
    %get3A_442 = arith.constant 0 : index
    %get3A_443 = vector.load %arg1[%get3A_440, %get3A_441, %get3A_442] : memref<256x80x128xf32, #tpu.memory_space<vmem>>, vector<256x1x128xf32>
    %get3A_444 = vector.shape_cast %get3A_443 : vector<256x1x128xf32> to vector<256x128xf32>
    %get3A_445 = arith.constant 34 : index
    %get3A_446 = arith.constant 0 : index
    %get3A_447 = arith.constant 0 : index
    %get3A_448 = vector.load %arg2[%get3A_445, %get3A_446, %get3A_447] : memref<80x128x256xf32, #tpu.memory_space<vmem>>, vector<1x128x256xf32>
    %get3A_449 = vector.shape_cast %get3A_448 : vector<1x128x256xf32> to vector<128x256xf32>
    %dot_general3A_450 = arith.constant dense<0.000000e+00> : vector<256x256xf32>
    %dot_general3A_451 = tpu.matmul %get3A_444, %get3A_449, %dot_general3A_450 {dimension_numbers = #tpu.dot_dimension_numbers<[1], [0], [0], [1], [0, 0, 1, 1], [], []>, transpose_lhs_hint = false} : vector<256x128xf32>, vector<128x256xf32>, vector<256x256xf32> -> vector<256x256xf32>
    %add3A_452 = arith.addf %add3A_439, %dot_general3A_451 : vector<256x256xf32>
    %get3A_453 = arith.constant 0 : index
    %get3A_454 = arith.constant 35 : index
    %get3A_455 = arith.constant 0 : index
    %get3A_456 = vector.load %arg1[%get3A_453, %get3A_454, %get3A_455] : memref<256x80x128xf32, #tpu.memory_space<vmem>>, vector<256x1x128xf32>
    %get3A_457 = vector.shape_cast %get3A_456 : vector<256x1x128xf32> to vector<256x128xf32>
    %get3A_458 = arith.constant 35 : index
    %get3A_459 = arith.constant 0 : index
    %get3A_460 = arith.constant 0 : index
    %get3A_461 = vector.load %arg2[%get3A_458, %get3A_459, %get3A_460] : memref<80x128x256xf32, #tpu.memory_space<vmem>>, vector<1x128x256xf32>
    %get3A_462 = vector.shape_cast %get3A_461 : vector<1x128x256xf32> to vector<128x256xf32>
    %dot_general3A_463 = arith.constant dense<0.000000e+00> : vector<256x256xf32>
    %dot_general3A_464 = tpu.matmul %get3A_457, %get3A_462, %dot_general3A_463 {dimension_numbers = #tpu.dot_dimension_numbers<[1], [0], [0], [1], [0, 0, 1, 1], [], []>, transpose_lhs_hint = false} : vector<256x128xf32>, vector<128x256xf32>, vector<256x256xf32> -> vector<256x256xf32>
    %add3A_465 = arith.addf %add3A_452, %dot_general3A_464 : vector<256x256xf32>
    %get3A_466 = arith.constant 0 : index
    %get3A_467 = arith.constant 36 : index
    %get3A_468 = arith.constant 0 : index
    %get3A_469 = vector.load %arg1[%get3A_466, %get3A_467, %get3A_468] : memref<256x80x128xf32, #tpu.memory_space<vmem>>, vector<256x1x128xf32>
    %get3A_470 = vector.shape_cast %get3A_469 : vector<256x1x128xf32> to vector<256x128xf32>
    %get3A_471 = arith.constant 36 : index
    %get3A_472 = arith.constant 0 : index
    %get3A_473 = arith.constant 0 : index
    %get3A_474 = vector.load %arg2[%get3A_471, %get3A_472, %get3A_473] : memref<80x128x256xf32, #tpu.memory_space<vmem>>, vector<1x128x256xf32>
    %get3A_475 = vector.shape_cast %get3A_474 : vector<1x128x256xf32> to vector<128x256xf32>
    %dot_general3A_476 = arith.constant dense<0.000000e+00> : vector<256x256xf32>
    %dot_general3A_477 = tpu.matmul %get3A_470, %get3A_475, %dot_general3A_476 {dimension_numbers = #tpu.dot_dimension_numbers<[1], [0], [0], [1], [0, 0, 1, 1], [], []>, transpose_lhs_hint = false} : vector<256x128xf32>, vector<128x256xf32>, vector<256x256xf32> -> vector<256x256xf32>
    %add3A_478 = arith.addf %add3A_465, %dot_general3A_477 : vector<256x256xf32>
    %get3A_479 = arith.constant 0 : index
    %get3A_480 = arith.constant 37 : index
    %get3A_481 = arith.constant 0 : index
    %get3A_482 = vector.load %arg1[%get3A_479, %get3A_480, %get3A_481] : memref<256x80x128xf32, #tpu.memory_space<vmem>>, vector<256x1x128xf32>
    %get3A_483 = vector.shape_cast %get3A_482 : vector<256x1x128xf32> to vector<256x128xf32>
    %get3A_484 = arith.constant 37 : index
    %get3A_485 = arith.constant 0 : index
    %get3A_486 = arith.constant 0 : index
    %get3A_487 = vector.load %arg2[%get3A_484, %get3A_485, %get3A_486] : memref<80x128x256xf32, #tpu.memory_space<vmem>>, vector<1x128x256xf32>
    %get3A_488 = vector.shape_cast %get3A_487 : vector<1x128x256xf32> to vector<128x256xf32>
    %dot_general3A_489 = arith.constant dense<0.000000e+00> : vector<256x256xf32>
    %dot_general3A_490 = tpu.matmul %get3A_483, %get3A_488, %dot_general3A_489 {dimension_numbers = #tpu.dot_dimension_numbers<[1], [0], [0], [1], [0, 0, 1, 1], [], []>, transpose_lhs_hint = false} : vector<256x128xf32>, vector<128x256xf32>, vector<256x256xf32> -> vector<256x256xf32>
    %add3A_491 = arith.addf %add3A_478, %dot_general3A_490 : vector<256x256xf32>
    %get3A_492 = arith.constant 0 : index
    %get3A_493 = arith.constant 38 : index
    %get3A_494 = arith.constant 0 : index
    %get3A_495 = vector.load %arg1[%get3A_492, %get3A_493, %get3A_494] : memref<256x80x128xf32, #tpu.memory_space<vmem>>, vector<256x1x128xf32>
    %get3A_496 = vector.shape_cast %get3A_495 : vector<256x1x128xf32> to vector<256x128xf32>
    %get3A_497 = arith.constant 38 : index
    %get3A_498 = arith.constant 0 : index
    %get3A_499 = arith.constant 0 : index
    %get3A_500 = vector.load %arg2[%get3A_497, %get3A_498, %get3A_499] : memref<80x128x256xf32, #tpu.memory_space<vmem>>, vector<1x128x256xf32>
    %get3A_501 = vector.shape_cast %get3A_500 : vector<1x128x256xf32> to vector<128x256xf32>
    %dot_general3A_502 = arith.constant dense<0.000000e+00> : vector<256x256xf32>
    %dot_general3A_503 = tpu.matmul %get3A_496, %get3A_501, %dot_general3A_502 {dimension_numbers = #tpu.dot_dimension_numbers<[1], [0], [0], [1], [0, 0, 1, 1], [], []>, transpose_lhs_hint = false} : vector<256x128xf32>, vector<128x256xf32>, vector<256x256xf32> -> vector<256x256xf32>
    %add3A_504 = arith.addf %add3A_491, %dot_general3A_503 : vector<256x256xf32>
    %get3A_505 = arith.constant 0 : index
    %get3A_506 = arith.constant 39 : index
    %get3A_507 = arith.constant 0 : index
    %get3A_508 = vector.load %arg1[%get3A_505, %get3A_506, %get3A_507] : memref<256x80x128xf32, #tpu.memory_space<vmem>>, vector<256x1x128xf32>
    %get3A_509 = vector.shape_cast %get3A_508 : vector<256x1x128xf32> to vector<256x128xf32>
    %get3A_510 = arith.constant 39 : index
    %get3A_511 = arith.constant 0 : index
    %get3A_512 = arith.constant 0 : index
    %get3A_513 = vector.load %arg2[%get3A_510, %get3A_511, %get3A_512] : memref<80x128x256xf32, #tpu.memory_space<vmem>>, vector<1x128x256xf32>
    %get3A_514 = vector.shape_cast %get3A_513 : vector<1x128x256xf32> to vector<128x256xf32>
    %dot_general3A_515 = arith.constant dense<0.000000e+00> : vector<256x256xf32>
    %dot_general3A_516 = tpu.matmul %get3A_509, %get3A_514, %dot_general3A_515 {dimension_numbers = #tpu.dot_dimension_numbers<[1], [0], [0], [1], [0, 0, 1, 1], [], []>, transpose_lhs_hint = false} : vector<256x128xf32>, vector<128x256xf32>, vector<256x256xf32> -> vector<256x256xf32>
    %add3A_517 = arith.addf %add3A_504, %dot_general3A_516 : vector<256x256xf32>
    %get3A_518 = arith.constant 0 : index
    %get3A_519 = arith.constant 40 : index
    %get3A_520 = arith.constant 0 : index
    %get3A_521 = vector.load %arg1[%get3A_518, %get3A_519, %get3A_520] : memref<256x80x128xf32, #tpu.memory_space<vmem>>, vector<256x1x128xf32>
    %get3A_522 = vector.shape_cast %get3A_521 : vector<256x1x128xf32> to vector<256x128xf32>
    %get3A_523 = arith.constant 40 : index
    %get3A_524 = arith.constant 0 : index
    %get3A_525 = arith.constant 0 : index
    %get3A_526 = vector.load %arg2[%get3A_523, %get3A_524, %get3A_525] : memref<80x128x256xf32, #tpu.memory_space<vmem>>, vector<1x128x256xf32>
    %get3A_527 = vector.shape_cast %get3A_526 : vector<1x128x256xf32> to vector<128x256xf32>
    %dot_general3A_528 = arith.constant dense<0.000000e+00> : vector<256x256xf32>
    %dot_general3A_529 = tpu.matmul %get3A_522, %get3A_527, %dot_general3A_528 {dimension_numbers = #tpu.dot_dimension_numbers<[1], [0], [0], [1], [0, 0, 1, 1], [], []>, transpose_lhs_hint = false} : vector<256x128xf32>, vector<128x256xf32>, vector<256x256xf32> -> vector<256x256xf32>
    %add3A_530 = arith.addf %add3A_517, %dot_general3A_529 : vector<256x256xf32>
    %get3A_531 = arith.constant 0 : index
    %get3A_532 = arith.constant 41 : index
    %get3A_533 = arith.constant 0 : index
    %get3A_534 = vector.load %arg1[%get3A_531, %get3A_532, %get3A_533] : memref<256x80x128xf32, #tpu.memory_space<vmem>>, vector<256x1x128xf32>
    %get3A_535 = vector.shape_cast %get3A_534 : vector<256x1x128xf32> to vector<256x128xf32>
    %get3A_536 = arith.constant 41 : index
    %get3A_537 = arith.constant 0 : index
    %get3A_538 = arith.constant 0 : index
    %get3A_539 = vector.load %arg2[%get3A_536, %get3A_537, %get3A_538] : memref<80x128x256xf32, #tpu.memory_space<vmem>>, vector<1x128x256xf32>
    %get3A_540 = vector.shape_cast %get3A_539 : vector<1x128x256xf32> to vector<128x256xf32>
    %dot_general3A_541 = arith.constant dense<0.000000e+00> : vector<256x256xf32>
    %dot_general3A_542 = tpu.matmul %get3A_535, %get3A_540, %dot_general3A_541 {dimension_numbers = #tpu.dot_dimension_numbers<[1], [0], [0], [1], [0, 0, 1, 1], [], []>, transpose_lhs_hint = false} : vector<256x128xf32>, vector<128x256xf32>, vector<256x256xf32> -> vector<256x256xf32>
    %add3A_543 = arith.addf %add3A_530, %dot_general3A_542 : vector<256x256xf32>
    %get3A_544 = arith.constant 0 : index
    %get3A_545 = arith.constant 42 : index
    %get3A_546 = arith.constant 0 : index
    %get3A_547 = vector.load %arg1[%get3A_544, %get3A_545, %get3A_546] : memref<256x80x128xf32, #tpu.memory_space<vmem>>, vector<256x1x128xf32>
    %get3A_548 = vector.shape_cast %get3A_547 : vector<256x1x128xf32> to vector<256x128xf32>
    %get3A_549 = arith.constant 42 : index
    %get3A_550 = arith.constant 0 : index
    %get3A_551 = arith.constant 0 : index
    %get3A_552 = vector.load %arg2[%get3A_549, %get3A_550, %get3A_551] : memref<80x128x256xf32, #tpu.memory_space<vmem>>, vector<1x128x256xf32>
    %get3A_553 = vector.shape_cast %get3A_552 : vector<1x128x256xf32> to vector<128x256xf32>
    %dot_general3A_554 = arith.constant dense<0.000000e+00> : vector<256x256xf32>
    %dot_general3A_555 = tpu.matmul %get3A_548, %get3A_553, %dot_general3A_554 {dimension_numbers = #tpu.dot_dimension_numbers<[1], [0], [0], [1], [0, 0, 1, 1], [], []>, transpose_lhs_hint = false} : vector<256x128xf32>, vector<128x256xf32>, vector<256x256xf32> -> vector<256x256xf32>
    %add3A_556 = arith.addf %add3A_543, %dot_general3A_555 : vector<256x256xf32>
    %get3A_557 = arith.constant 0 : index
    %get3A_558 = arith.constant 43 : index
    %get3A_559 = arith.constant 0 : index
    %get3A_560 = vector.load %arg1[%get3A_557, %get3A_558, %get3A_559] : memref<256x80x128xf32, #tpu.memory_space<vmem>>, vector<256x1x128xf32>
    %get3A_561 = vector.shape_cast %get3A_560 : vector<256x1x128xf32> to vector<256x128xf32>
    %get3A_562 = arith.constant 43 : index
    %get3A_563 = arith.constant 0 : index
    %get3A_564 = arith.constant 0 : index
    %get3A_565 = vector.load %arg2[%get3A_562, %get3A_563, %get3A_564] : memref<80x128x256xf32, #tpu.memory_space<vmem>>, vector<1x128x256xf32>
    %get3A_566 = vector.shape_cast %get3A_565 : vector<1x128x256xf32> to vector<128x256xf32>
    %dot_general3A_567 = arith.constant dense<0.000000e+00> : vector<256x256xf32>
    %dot_general3A_568 = tpu.matmul %get3A_561, %get3A_566, %dot_general3A_567 {dimension_numbers = #tpu.dot_dimension_numbers<[1], [0], [0], [1], [0, 0, 1, 1], [], []>, transpose_lhs_hint = false} : vector<256x128xf32>, vector<128x256xf32>, vector<256x256xf32> -> vector<256x256xf32>
    %add3A_569 = arith.addf %add3A_556, %dot_general3A_568 : vector<256x256xf32>
    %get3A_570 = arith.constant 0 : index
    %get3A_571 = arith.constant 44 : index
    %get3A_572 = arith.constant 0 : index
    %get3A_573 = vector.load %arg1[%get3A_570, %get3A_571, %get3A_572] : memref<256x80x128xf32, #tpu.memory_space<vmem>>, vector<256x1x128xf32>
    %get3A_574 = vector.shape_cast %get3A_573 : vector<256x1x128xf32> to vector<256x128xf32>
    %get3A_575 = arith.constant 44 : index
    %get3A_576 = arith.constant 0 : index
    %get3A_577 = arith.constant 0 : index
    %get3A_578 = vector.load %arg2[%get3A_575, %get3A_576, %get3A_577] : memref<80x128x256xf32, #tpu.memory_space<vmem>>, vector<1x128x256xf32>
    %get3A_579 = vector.shape_cast %get3A_578 : vector<1x128x256xf32> to vector<128x256xf32>
    %dot_general3A_580 = arith.constant dense<0.000000e+00> : vector<256x256xf32>
    %dot_general3A_581 = tpu.matmul %get3A_574, %get3A_579, %dot_general3A_580 {dimension_numbers = #tpu.dot_dimension_numbers<[1], [0], [0], [1], [0, 0, 1, 1], [], []>, transpose_lhs_hint = false} : vector<256x128xf32>, vector<128x256xf32>, vector<256x256xf32> -> vector<256x256xf32>
    %add3A_582 = arith.addf %add3A_569, %dot_general3A_581 : vector<256x256xf32>
    %get3A_583 = arith.constant 0 : index
    %get3A_584 = arith.constant 45 : index
    %get3A_585 = arith.constant 0 : index
    %get3A_586 = vector.load %arg1[%get3A_583, %get3A_584, %get3A_585] : memref<256x80x128xf32, #tpu.memory_space<vmem>>, vector<256x1x128xf32>
    %get3A_587 = vector.shape_cast %get3A_586 : vector<256x1x128xf32> to vector<256x128xf32>
    %get3A_588 = arith.constant 45 : index
    %get3A_589 = arith.constant 0 : index
    %get3A_590 = arith.constant 0 : index
    %get3A_591 = vector.load %arg2[%get3A_588, %get3A_589, %get3A_590] : memref<80x128x256xf32, #tpu.memory_space<vmem>>, vector<1x128x256xf32>
    %get3A_592 = vector.shape_cast %get3A_591 : vector<1x128x256xf32> to vector<128x256xf32>
    %dot_general3A_593 = arith.constant dense<0.000000e+00> : vector<256x256xf32>
    %dot_general3A_594 = tpu.matmul %get3A_587, %get3A_592, %dot_general3A_593 {dimension_numbers = #tpu.dot_dimension_numbers<[1], [0], [0], [1], [0, 0, 1, 1], [], []>, transpose_lhs_hint = false} : vector<256x128xf32>, vector<128x256xf32>, vector<256x256xf32> -> vector<256x256xf32>
    %add3A_595 = arith.addf %add3A_582, %dot_general3A_594 : vector<256x256xf32>
    %get3A_596 = arith.constant 0 : index
    %get3A_597 = arith.constant 46 : index
    %get3A_598 = arith.constant 0 : index
    %get3A_599 = vector.load %arg1[%get3A_596, %get3A_597, %get3A_598] : memref<256x80x128xf32, #tpu.memory_space<vmem>>, vector<256x1x128xf32>
    %get3A_600 = vector.shape_cast %get3A_599 : vector<256x1x128xf32> to vector<256x128xf32>
    %get3A_601 = arith.constant 46 : index
    %get3A_602 = arith.constant 0 : index
    %get3A_603 = arith.constant 0 : index
    %get3A_604 = vector.load %arg2[%get3A_601, %get3A_602, %get3A_603] : memref<80x128x256xf32, #tpu.memory_space<vmem>>, vector<1x128x256xf32>
    %get3A_605 = vector.shape_cast %get3A_604 : vector<1x128x256xf32> to vector<128x256xf32>
    %dot_general3A_606 = arith.constant dense<0.000000e+00> : vector<256x256xf32>
    %dot_general3A_607 = tpu.matmul %get3A_600, %get3A_605, %dot_general3A_606 {dimension_numbers = #tpu.dot_dimension_numbers<[1], [0], [0], [1], [0, 0, 1, 1], [], []>, transpose_lhs_hint = false} : vector<256x128xf32>, vector<128x256xf32>, vector<256x256xf32> -> vector<256x256xf32>
    %add3A_608 = arith.addf %add3A_595, %dot_general3A_607 : vector<256x256xf32>
    %get3A_609 = arith.constant 0 : index
    %get3A_610 = arith.constant 47 : index
    %get3A_611 = arith.constant 0 : index
    %get3A_612 = vector.load %arg1[%get3A_609, %get3A_610, %get3A_611] : memref<256x80x128xf32, #tpu.memory_space<vmem>>, vector<256x1x128xf32>
    %get3A_613 = vector.shape_cast %get3A_612 : vector<256x1x128xf32> to vector<256x128xf32>
    %get3A_614 = arith.constant 47 : index
    %get3A_615 = arith.constant 0 : index
    %get3A_616 = arith.constant 0 : index
    %get3A_617 = vector.load %arg2[%get3A_614, %get3A_615, %get3A_616] : memref<80x128x256xf32, #tpu.memory_space<vmem>>, vector<1x128x256xf32>
    %get3A_618 = vector.shape_cast %get3A_617 : vector<1x128x256xf32> to vector<128x256xf32>
    %dot_general3A_619 = arith.constant dense<0.000000e+00> : vector<256x256xf32>
    %dot_general3A_620 = tpu.matmul %get3A_613, %get3A_618, %dot_general3A_619 {dimension_numbers = #tpu.dot_dimension_numbers<[1], [0], [0], [1], [0, 0, 1, 1], [], []>, transpose_lhs_hint = false} : vector<256x128xf32>, vector<128x256xf32>, vector<256x256xf32> -> vector<256x256xf32>
    %add3A_621 = arith.addf %add3A_608, %dot_general3A_620 : vector<256x256xf32>
    %get3A_622 = arith.constant 0 : index
    %get3A_623 = arith.constant 48 : index
    %get3A_624 = arith.constant 0 : index
    %get3A_625 = vector.load %arg1[%get3A_622, %get3A_623, %get3A_624] : memref<256x80x128xf32, #tpu.memory_space<vmem>>, vector<256x1x128xf32>
    %get3A_626 = vector.shape_cast %get3A_625 : vector<256x1x128xf32> to vector<256x128xf32>
    %get3A_627 = arith.constant 48 : index
    %get3A_628 = arith.constant 0 : index
    %get3A_629 = arith.constant 0 : index
    %get3A_630 = vector.load %arg2[%get3A_627, %get3A_628, %get3A_629] : memref<80x128x256xf32, #tpu.memory_space<vmem>>, vector<1x128x256xf32>
    %get3A_631 = vector.shape_cast %get3A_630 : vector<1x128x256xf32> to vector<128x256xf32>
    %dot_general3A_632 = arith.constant dense<0.000000e+00> : vector<256x256xf32>
    %dot_general3A_633 = tpu.matmul %get3A_626, %get3A_631, %dot_general3A_632 {dimension_numbers = #tpu.dot_dimension_numbers<[1], [0], [0], [1], [0, 0, 1, 1], [], []>, transpose_lhs_hint = false} : vector<256x128xf32>, vector<128x256xf32>, vector<256x256xf32> -> vector<256x256xf32>
    %add3A_634 = arith.addf %add3A_621, %dot_general3A_633 : vector<256x256xf32>
    %get3A_635 = arith.constant 0 : index
    %get3A_636 = arith.constant 49 : index
    %get3A_637 = arith.constant 0 : index
    %get3A_638 = vector.load %arg1[%get3A_635, %get3A_636, %get3A_637] : memref<256x80x128xf32, #tpu.memory_space<vmem>>, vector<256x1x128xf32>
    %get3A_639 = vector.shape_cast %get3A_638 : vector<256x1x128xf32> to vector<256x128xf32>
    %get3A_640 = arith.constant 49 : index
    %get3A_641 = arith.constant 0 : index
    %get3A_642 = arith.constant 0 : index
    %get3A_643 = vector.load %arg2[%get3A_640, %get3A_641, %get3A_642] : memref<80x128x256xf32, #tpu.memory_space<vmem>>, vector<1x128x256xf32>
    %get3A_644 = vector.shape_cast %get3A_643 : vector<1x128x256xf32> to vector<128x256xf32>
    %dot_general3A_645 = arith.constant dense<0.000000e+00> : vector<256x256xf32>
    %dot_general3A_646 = tpu.matmul %get3A_639, %get3A_644, %dot_general3A_645 {dimension_numbers = #tpu.dot_dimension_numbers<[1], [0], [0], [1], [0, 0, 1, 1], [], []>, transpose_lhs_hint = false} : vector<256x128xf32>, vector<128x256xf32>, vector<256x256xf32> -> vector<256x256xf32>
    %add3A_647 = arith.addf %add3A_634, %dot_general3A_646 : vector<256x256xf32>
    %get3A_648 = arith.constant 0 : index
    %get3A_649 = arith.constant 50 : index
    %get3A_650 = arith.constant 0 : index
    %get3A_651 = vector.load %arg1[%get3A_648, %get3A_649, %get3A_650] : memref<256x80x128xf32, #tpu.memory_space<vmem>>, vector<256x1x128xf32>
    %get3A_652 = vector.shape_cast %get3A_651 : vector<256x1x128xf32> to vector<256x128xf32>
    %get3A_653 = arith.constant 50 : index
    %get3A_654 = arith.constant 0 : index
    %get3A_655 = arith.constant 0 : index
    %get3A_656 = vector.load %arg2[%get3A_653, %get3A_654, %get3A_655] : memref<80x128x256xf32, #tpu.memory_space<vmem>>, vector<1x128x256xf32>
    %get3A_657 = vector.shape_cast %get3A_656 : vector<1x128x256xf32> to vector<128x256xf32>
    %dot_general3A_658 = arith.constant dense<0.000000e+00> : vector<256x256xf32>
    %dot_general3A_659 = tpu.matmul %get3A_652, %get3A_657, %dot_general3A_658 {dimension_numbers = #tpu.dot_dimension_numbers<[1], [0], [0], [1], [0, 0, 1, 1], [], []>, transpose_lhs_hint = false} : vector<256x128xf32>, vector<128x256xf32>, vector<256x256xf32> -> vector<256x256xf32>
    %add3A_660 = arith.addf %add3A_647, %dot_general3A_659 : vector<256x256xf32>
    %get3A_661 = arith.constant 0 : index
    %get3A_662 = arith.constant 51 : index
    %get3A_663 = arith.constant 0 : index
    %get3A_664 = vector.load %arg1[%get3A_661, %get3A_662, %get3A_663] : memref<256x80x128xf32, #tpu.memory_space<vmem>>, vector<256x1x128xf32>
    %get3A_665 = vector.shape_cast %get3A_664 : vector<256x1x128xf32> to vector<256x128xf32>
    %get3A_666 = arith.constant 51 : index
    %get3A_667 = arith.constant 0 : index
    %get3A_668 = arith.constant 0 : index
    %get3A_669 = vector.load %arg2[%get3A_666, %get3A_667, %get3A_668] : memref<80x128x256xf32, #tpu.memory_space<vmem>>, vector<1x128x256xf32>
    %get3A_670 = vector.shape_cast %get3A_669 : vector<1x128x256xf32> to vector<128x256xf32>
    %dot_general3A_671 = arith.constant dense<0.000000e+00> : vector<256x256xf32>
    %dot_general3A_672 = tpu.matmul %get3A_665, %get3A_670, %dot_general3A_671 {dimension_numbers = #tpu.dot_dimension_numbers<[1], [0], [0], [1], [0, 0, 1, 1], [], []>, transpose_lhs_hint = false} : vector<256x128xf32>, vector<128x256xf32>, vector<256x256xf32> -> vector<256x256xf32>
    %add3A_673 = arith.addf %add3A_660, %dot_general3A_672 : vector<256x256xf32>
    %get3A_674 = arith.constant 0 : index
    %get3A_675 = arith.constant 52 : index
    %get3A_676 = arith.constant 0 : index
    %get3A_677 = vector.load %arg1[%get3A_674, %get3A_675, %get3A_676] : memref<256x80x128xf32, #tpu.memory_space<vmem>>, vector<256x1x128xf32>
    %get3A_678 = vector.shape_cast %get3A_677 : vector<256x1x128xf32> to vector<256x128xf32>
    %get3A_679 = arith.constant 52 : index
    %get3A_680 = arith.constant 0 : index
    %get3A_681 = arith.constant 0 : index
    %get3A_682 = vector.load %arg2[%get3A_679, %get3A_680, %get3A_681] : memref<80x128x256xf32, #tpu.memory_space<vmem>>, vector<1x128x256xf32>
    %get3A_683 = vector.shape_cast %get3A_682 : vector<1x128x256xf32> to vector<128x256xf32>
    %dot_general3A_684 = arith.constant dense<0.000000e+00> : vector<256x256xf32>
    %dot_general3A_685 = tpu.matmul %get3A_678, %get3A_683, %dot_general3A_684 {dimension_numbers = #tpu.dot_dimension_numbers<[1], [0], [0], [1], [0, 0, 1, 1], [], []>, transpose_lhs_hint = false} : vector<256x128xf32>, vector<128x256xf32>, vector<256x256xf32> -> vector<256x256xf32>
    %add3A_686 = arith.addf %add3A_673, %dot_general3A_685 : vector<256x256xf32>
    %get3A_687 = arith.constant 0 : index
    %get3A_688 = arith.constant 53 : index
    %get3A_689 = arith.constant 0 : index
    %get3A_690 = vector.load %arg1[%get3A_687, %get3A_688, %get3A_689] : memref<256x80x128xf32, #tpu.memory_space<vmem>>, vector<256x1x128xf32>
    %get3A_691 = vector.shape_cast %get3A_690 : vector<256x1x128xf32> to vector<256x128xf32>
    %get3A_692 = arith.constant 53 : index
    %get3A_693 = arith.constant 0 : index
    %get3A_694 = arith.constant 0 : index
    %get3A_695 = vector.load %arg2[%get3A_692, %get3A_693, %get3A_694] : memref<80x128x256xf32, #tpu.memory_space<vmem>>, vector<1x128x256xf32>
    %get3A_696 = vector.shape_cast %get3A_695 : vector<1x128x256xf32> to vector<128x256xf32>
    %dot_general3A_697 = arith.constant dense<0.000000e+00> : vector<256x256xf32>
    %dot_general3A_698 = tpu.matmul %get3A_691, %get3A_696, %dot_general3A_697 {dimension_numbers = #tpu.dot_dimension_numbers<[1], [0], [0], [1], [0, 0, 1, 1], [], []>, transpose_lhs_hint = false} : vector<256x128xf32>, vector<128x256xf32>, vector<256x256xf32> -> vector<256x256xf32>
    %add3A_699 = arith.addf %add3A_686, %dot_general3A_698 : vector<256x256xf32>
    %get3A_700 = arith.constant 0 : index
    %get3A_701 = arith.constant 54 : index
    %get3A_702 = arith.constant 0 : index
    %get3A_703 = vector.load %arg1[%get3A_700, %get3A_701, %get3A_702] : memref<256x80x128xf32, #tpu.memory_space<vmem>>, vector<256x1x128xf32>
    %get3A_704 = vector.shape_cast %get3A_703 : vector<256x1x128xf32> to vector<256x128xf32>
    %get3A_705 = arith.constant 54 : index
    %get3A_706 = arith.constant 0 : index
    %get3A_707 = arith.constant 0 : index
    %get3A_708 = vector.load %arg2[%get3A_705, %get3A_706, %get3A_707] : memref<80x128x256xf32, #tpu.memory_space<vmem>>, vector<1x128x256xf32>
    %get3A_709 = vector.shape_cast %get3A_708 : vector<1x128x256xf32> to vector<128x256xf32>
    %dot_general3A_710 = arith.constant dense<0.000000e+00> : vector<256x256xf32>
    %dot_general3A_711 = tpu.matmul %get3A_704, %get3A_709, %dot_general3A_710 {dimension_numbers = #tpu.dot_dimension_numbers<[1], [0], [0], [1], [0, 0, 1, 1], [], []>, transpose_lhs_hint = false} : vector<256x128xf32>, vector<128x256xf32>, vector<256x256xf32> -> vector<256x256xf32>
    %add3A_712 = arith.addf %add3A_699, %dot_general3A_711 : vector<256x256xf32>
    %get3A_713 = arith.constant 0 : index
    %get3A_714 = arith.constant 55 : index
    %get3A_715 = arith.constant 0 : index
    %get3A_716 = vector.load %arg1[%get3A_713, %get3A_714, %get3A_715] : memref<256x80x128xf32, #tpu.memory_space<vmem>>, vector<256x1x128xf32>
    %get3A_717 = vector.shape_cast %get3A_716 : vector<256x1x128xf32> to vector<256x128xf32>
    %get3A_718 = arith.constant 55 : index
    %get3A_719 = arith.constant 0 : index
    %get3A_720 = arith.constant 0 : index
    %get3A_721 = vector.load %arg2[%get3A_718, %get3A_719, %get3A_720] : memref<80x128x256xf32, #tpu.memory_space<vmem>>, vector<1x128x256xf32>
    %get3A_722 = vector.shape_cast %get3A_721 : vector<1x128x256xf32> to vector<128x256xf32>
    %dot_general3A_723 = arith.constant dense<0.000000e+00> : vector<256x256xf32>
    %dot_general3A_724 = tpu.matmul %get3A_717, %get3A_722, %dot_general3A_723 {dimension_numbers = #tpu.dot_dimension_numbers<[1], [0], [0], [1], [0, 0, 1, 1], [], []>, transpose_lhs_hint = false} : vector<256x128xf32>, vector<128x256xf32>, vector<256x256xf32> -> vector<256x256xf32>
    %add3A_725 = arith.addf %add3A_712, %dot_general3A_724 : vector<256x256xf32>
    %get3A_726 = arith.constant 0 : index
    %get3A_727 = arith.constant 56 : index
    %get3A_728 = arith.constant 0 : index
    %get3A_729 = vector.load %arg1[%get3A_726, %get3A_727, %get3A_728] : memref<256x80x128xf32, #tpu.memory_space<vmem>>, vector<256x1x128xf32>
    %get3A_730 = vector.shape_cast %get3A_729 : vector<256x1x128xf32> to vector<256x128xf32>
    %get3A_731 = arith.constant 56 : index
    %get3A_732 = arith.constant 0 : index
    %get3A_733 = arith.constant 0 : index
    %get3A_734 = vector.load %arg2[%get3A_731, %get3A_732, %get3A_733] : memref<80x128x256xf32, #tpu.memory_space<vmem>>, vector<1x128x256xf32>
    %get3A_735 = vector.shape_cast %get3A_734 : vector<1x128x256xf32> to vector<128x256xf32>
    %dot_general3A_736 = arith.constant dense<0.000000e+00> : vector<256x256xf32>
    %dot_general3A_737 = tpu.matmul %get3A_730, %get3A_735, %dot_general3A_736 {dimension_numbers = #tpu.dot_dimension_numbers<[1], [0], [0], [1], [0, 0, 1, 1], [], []>, transpose_lhs_hint = false} : vector<256x128xf32>, vector<128x256xf32>, vector<256x256xf32> -> vector<256x256xf32>
    %add3A_738 = arith.addf %add3A_725, %dot_general3A_737 : vector<256x256xf32>
    %get3A_739 = arith.constant 0 : index
    %get3A_740 = arith.constant 57 : index
    %get3A_741 = arith.constant 0 : index
    %get3A_742 = vector.load %arg1[%get3A_739, %get3A_740, %get3A_741] : memref<256x80x128xf32, #tpu.memory_space<vmem>>, vector<256x1x128xf32>
    %get3A_743 = vector.shape_cast %get3A_742 : vector<256x1x128xf32> to vector<256x128xf32>
    %get3A_744 = arith.constant 57 : index
    %get3A_745 = arith.constant 0 : index
    %get3A_746 = arith.constant 0 : index
    %get3A_747 = vector.load %arg2[%get3A_744, %get3A_745, %get3A_746] : memref<80x128x256xf32, #tpu.memory_space<vmem>>, vector<1x128x256xf32>
    %get3A_748 = vector.shape_cast %get3A_747 : vector<1x128x256xf32> to vector<128x256xf32>
    %dot_general3A_749 = arith.constant dense<0.000000e+00> : vector<256x256xf32>
    %dot_general3A_750 = tpu.matmul %get3A_743, %get3A_748, %dot_general3A_749 {dimension_numbers = #tpu.dot_dimension_numbers<[1], [0], [0], [1], [0, 0, 1, 1], [], []>, transpose_lhs_hint = false} : vector<256x128xf32>, vector<128x256xf32>, vector<256x256xf32> -> vector<256x256xf32>
    %add3A_751 = arith.addf %add3A_738, %dot_general3A_750 : vector<256x256xf32>
    %get3A_752 = arith.constant 0 : index
    %get3A_753 = arith.constant 58 : index
    %get3A_754 = arith.constant 0 : index
    %get3A_755 = vector.load %arg1[%get3A_752, %get3A_753, %get3A_754] : memref<256x80x128xf32, #tpu.memory_space<vmem>>, vector<256x1x128xf32>
    %get3A_756 = vector.shape_cast %get3A_755 : vector<256x1x128xf32> to vector<256x128xf32>
    %get3A_757 = arith.constant 58 : index
    %get3A_758 = arith.constant 0 : index
    %get3A_759 = arith.constant 0 : index
    %get3A_760 = vector.load %arg2[%get3A_757, %get3A_758, %get3A_759] : memref<80x128x256xf32, #tpu.memory_space<vmem>>, vector<1x128x256xf32>
    %get3A_761 = vector.shape_cast %get3A_760 : vector<1x128x256xf32> to vector<128x256xf32>
    %dot_general3A_762 = arith.constant dense<0.000000e+00> : vector<256x256xf32>
    %dot_general3A_763 = tpu.matmul %get3A_756, %get3A_761, %dot_general3A_762 {dimension_numbers = #tpu.dot_dimension_numbers<[1], [0], [0], [1], [0, 0, 1, 1], [], []>, transpose_lhs_hint = false} : vector<256x128xf32>, vector<128x256xf32>, vector<256x256xf32> -> vector<256x256xf32>
    %add3A_764 = arith.addf %add3A_751, %dot_general3A_763 : vector<256x256xf32>
    %get3A_765 = arith.constant 0 : index
    %get3A_766 = arith.constant 59 : index
    %get3A_767 = arith.constant 0 : index
    %get3A_768 = vector.load %arg1[%get3A_765, %get3A_766, %get3A_767] : memref<256x80x128xf32, #tpu.memory_space<vmem>>, vector<256x1x128xf32>
    %get3A_769 = vector.shape_cast %get3A_768 : vector<256x1x128xf32> to vector<256x128xf32>
    %get3A_770 = arith.constant 59 : index
    %get3A_771 = arith.constant 0 : index
    %get3A_772 = arith.constant 0 : index
    %get3A_773 = vector.load %arg2[%get3A_770, %get3A_771, %get3A_772] : memref<80x128x256xf32, #tpu.memory_space<vmem>>, vector<1x128x256xf32>
    %get3A_774 = vector.shape_cast %get3A_773 : vector<1x128x256xf32> to vector<128x256xf32>
    %dot_general3A_775 = arith.constant dense<0.000000e+00> : vector<256x256xf32>
    %dot_general3A_776 = tpu.matmul %get3A_769, %get3A_774, %dot_general3A_775 {dimension_numbers = #tpu.dot_dimension_numbers<[1], [0], [0], [1], [0, 0, 1, 1], [], []>, transpose_lhs_hint = false} : vector<256x128xf32>, vector<128x256xf32>, vector<256x256xf32> -> vector<256x256xf32>
    %add3A_777 = arith.addf %add3A_764, %dot_general3A_776 : vector<256x256xf32>
    %get3A_778 = arith.constant 0 : index
    %get3A_779 = arith.constant 60 : index
    %get3A_780 = arith.constant 0 : index
    %get3A_781 = vector.load %arg1[%get3A_778, %get3A_779, %get3A_780] : memref<256x80x128xf32, #tpu.memory_space<vmem>>, vector<256x1x128xf32>
    %get3A_782 = vector.shape_cast %get3A_781 : vector<256x1x128xf32> to vector<256x128xf32>
    %get3A_783 = arith.constant 60 : index
    %get3A_784 = arith.constant 0 : index
    %get3A_785 = arith.constant 0 : index
    %get3A_786 = vector.load %arg2[%get3A_783, %get3A_784, %get3A_785] : memref<80x128x256xf32, #tpu.memory_space<vmem>>, vector<1x128x256xf32>
    %get3A_787 = vector.shape_cast %get3A_786 : vector<1x128x256xf32> to vector<128x256xf32>
    %dot_general3A_788 = arith.constant dense<0.000000e+00> : vector<256x256xf32>
    %dot_general3A_789 = tpu.matmul %get3A_782, %get3A_787, %dot_general3A_788 {dimension_numbers = #tpu.dot_dimension_numbers<[1], [0], [0], [1], [0, 0, 1, 1], [], []>, transpose_lhs_hint = false} : vector<256x128xf32>, vector<128x256xf32>, vector<256x256xf32> -> vector<256x256xf32>
    %add3A_790 = arith.addf %add3A_777, %dot_general3A_789 : vector<256x256xf32>
    %get3A_791 = arith.constant 0 : index
    %get3A_792 = arith.constant 61 : index
    %get3A_793 = arith.constant 0 : index
    %get3A_794 = vector.load %arg1[%get3A_791, %get3A_792, %get3A_793] : memref<256x80x128xf32, #tpu.memory_space<vmem>>, vector<256x1x128xf32>
    %get3A_795 = vector.shape_cast %get3A_794 : vector<256x1x128xf32> to vector<256x128xf32>
    %get3A_796 = arith.constant 61 : index
    %get3A_797 = arith.constant 0 : index
    %get3A_798 = arith.constant 0 : index
    %get3A_799 = vector.load %arg2[%get3A_796, %get3A_797, %get3A_798] : memref<80x128x256xf32, #tpu.memory_space<vmem>>, vector<1x128x256xf32>
    %get3A_800 = vector.shape_cast %get3A_799 : vector<1x128x256xf32> to vector<128x256xf32>
    %dot_general3A_801 = arith.constant dense<0.000000e+00> : vector<256x256xf32>
    %dot_general3A_802 = tpu.matmul %get3A_795, %get3A_800, %dot_general3A_801 {dimension_numbers = #tpu.dot_dimension_numbers<[1], [0], [0], [1], [0, 0, 1, 1], [], []>, transpose_lhs_hint = false} : vector<256x128xf32>, vector<128x256xf32>, vector<256x256xf32> -> vector<256x256xf32>
    %add3A_803 = arith.addf %add3A_790, %dot_general3A_802 : vector<256x256xf32>
    %get3A_804 = arith.constant 0 : index
    %get3A_805 = arith.constant 62 : index
    %get3A_806 = arith.constant 0 : index
    %get3A_807 = vector.load %arg1[%get3A_804, %get3A_805, %get3A_806] : memref<256x80x128xf32, #tpu.memory_space<vmem>>, vector<256x1x128xf32>
    %get3A_808 = vector.shape_cast %get3A_807 : vector<256x1x128xf32> to vector<256x128xf32>
    %get3A_809 = arith.constant 62 : index
    %get3A_810 = arith.constant 0 : index
    %get3A_811 = arith.constant 0 : index
    %get3A_812 = vector.load %arg2[%get3A_809, %get3A_810, %get3A_811] : memref<80x128x256xf32, #tpu.memory_space<vmem>>, vector<1x128x256xf32>
    %get3A_813 = vector.shape_cast %get3A_812 : vector<1x128x256xf32> to vector<128x256xf32>
    %dot_general3A_814 = arith.constant dense<0.000000e+00> : vector<256x256xf32>
    %dot_general3A_815 = tpu.matmul %get3A_808, %get3A_813, %dot_general3A_814 {dimension_numbers = #tpu.dot_dimension_numbers<[1], [0], [0], [1], [0, 0, 1, 1], [], []>, transpose_lhs_hint = false} : vector<256x128xf32>, vector<128x256xf32>, vector<256x256xf32> -> vector<256x256xf32>
    %add3A_816 = arith.addf %add3A_803, %dot_general3A_815 : vector<256x256xf32>
    %get3A_817 = arith.constant 0 : index
    %get3A_818 = arith.constant 63 : index
    %get3A_819 = arith.constant 0 : index
    %get3A_820 = vector.load %arg1[%get3A_817, %get3A_818, %get3A_819] : memref<256x80x128xf32, #tpu.memory_space<vmem>>, vector<256x1x128xf32>
    %get3A_821 = vector.shape_cast %get3A_820 : vector<256x1x128xf32> to vector<256x128xf32>
    %get3A_822 = arith.constant 63 : index
    %get3A_823 = arith.constant 0 : index
    %get3A_824 = arith.constant 0 : index
    %get3A_825 = vector.load %arg2[%get3A_822, %get3A_823, %get3A_824] : memref<80x128x256xf32, #tpu.memory_space<vmem>>, vector<1x128x256xf32>
    %get3A_826 = vector.shape_cast %get3A_825 : vector<1x128x256xf32> to vector<128x256xf32>
    %dot_general3A_827 = arith.constant dense<0.000000e+00> : vector<256x256xf32>
    %dot_general3A_828 = tpu.matmul %get3A_821, %get3A_826, %dot_general3A_827 {dimension_numbers = #tpu.dot_dimension_numbers<[1], [0], [0], [1], [0, 0, 1, 1], [], []>, transpose_lhs_hint = false} : vector<256x128xf32>, vector<128x256xf32>, vector<256x256xf32> -> vector<256x256xf32>
    %add3A_829 = arith.addf %add3A_816, %dot_general3A_828 : vector<256x256xf32>
    %get3A_830 = arith.constant 0 : index
    %get3A_831 = arith.constant 64 : index
    %get3A_832 = arith.constant 0 : index
    %get3A_833 = vector.load %arg1[%get3A_830, %get3A_831, %get3A_832] : memref<256x80x128xf32, #tpu.memory_space<vmem>>, vector<256x1x128xf32>
    %get3A_834 = vector.shape_cast %get3A_833 : vector<256x1x128xf32> to vector<256x128xf32>
    %get3A_835 = arith.constant 64 : index
    %get3A_836 = arith.constant 0 : index
    %get3A_837 = arith.constant 0 : index
    %get3A_838 = vector.load %arg2[%get3A_835, %get3A_836, %get3A_837] : memref<80x128x256xf32, #tpu.memory_space<vmem>>, vector<1x128x256xf32>
    %get3A_839 = vector.shape_cast %get3A_838 : vector<1x128x256xf32> to vector<128x256xf32>
    %dot_general3A_840 = arith.constant dense<0.000000e+00> : vector<256x256xf32>
    %dot_general3A_841 = tpu.matmul %get3A_834, %get3A_839, %dot_general3A_840 {dimension_numbers = #tpu.dot_dimension_numbers<[1], [0], [0], [1], [0, 0, 1, 1], [], []>, transpose_lhs_hint = false} : vector<256x128xf32>, vector<128x256xf32>, vector<256x256xf32> -> vector<256x256xf32>
    %add3A_842 = arith.addf %add3A_829, %dot_general3A_841 : vector<256x256xf32>
    %get3A_843 = arith.constant 0 : index
    %get3A_844 = arith.constant 65 : index
    %get3A_845 = arith.constant 0 : index
    %get3A_846 = vector.load %arg1[%get3A_843, %get3A_844, %get3A_845] : memref<256x80x128xf32, #tpu.memory_space<vmem>>, vector<256x1x128xf32>
    %get3A_847 = vector.shape_cast %get3A_846 : vector<256x1x128xf32> to vector<256x128xf32>
    %get3A_848 = arith.constant 65 : index
    %get3A_849 = arith.constant 0 : index
    %get3A_850 = arith.constant 0 : index
    %get3A_851 = vector.load %arg2[%get3A_848, %get3A_849, %get3A_850] : memref<80x128x256xf32, #tpu.memory_space<vmem>>, vector<1x128x256xf32>
    %get3A_852 = vector.shape_cast %get3A_851 : vector<1x128x256xf32> to vector<128x256xf32>
    %dot_general3A_853 = arith.constant dense<0.000000e+00> : vector<256x256xf32>
    %dot_general3A_854 = tpu.matmul %get3A_847, %get3A_852, %dot_general3A_853 {dimension_numbers = #tpu.dot_dimension_numbers<[1], [0], [0], [1], [0, 0, 1, 1], [], []>, transpose_lhs_hint = false} : vector<256x128xf32>, vector<128x256xf32>, vector<256x256xf32> -> vector<256x256xf32>
    %add3A_855 = arith.addf %add3A_842, %dot_general3A_854 : vector<256x256xf32>
    %get3A_856 = arith.constant 0 : index
    %get3A_857 = arith.constant 66 : index
    %get3A_858 = arith.constant 0 : index
    %get3A_859 = vector.load %arg1[%get3A_856, %get3A_857, %get3A_858] : memref<256x80x128xf32, #tpu.memory_space<vmem>>, vector<256x1x128xf32>
    %get3A_860 = vector.shape_cast %get3A_859 : vector<256x1x128xf32> to vector<256x128xf32>
    %get3A_861 = arith.constant 66 : index
    %get3A_862 = arith.constant 0 : index
    %get3A_863 = arith.constant 0 : index
    %get3A_864 = vector.load %arg2[%get3A_861, %get3A_862, %get3A_863] : memref<80x128x256xf32, #tpu.memory_space<vmem>>, vector<1x128x256xf32>
    %get3A_865 = vector.shape_cast %get3A_864 : vector<1x128x256xf32> to vector<128x256xf32>
    %dot_general3A_866 = arith.constant dense<0.000000e+00> : vector<256x256xf32>
    %dot_general3A_867 = tpu.matmul %get3A_860, %get3A_865, %dot_general3A_866 {dimension_numbers = #tpu.dot_dimension_numbers<[1], [0], [0], [1], [0, 0, 1, 1], [], []>, transpose_lhs_hint = false} : vector<256x128xf32>, vector<128x256xf32>, vector<256x256xf32> -> vector<256x256xf32>
    %add3A_868 = arith.addf %add3A_855, %dot_general3A_867 : vector<256x256xf32>
    %get3A_869 = arith.constant 0 : index
    %get3A_870 = arith.constant 67 : index
    %get3A_871 = arith.constant 0 : index
    %get3A_872 = vector.load %arg1[%get3A_869, %get3A_870, %get3A_871] : memref<256x80x128xf32, #tpu.memory_space<vmem>>, vector<256x1x128xf32>
    %get3A_873 = vector.shape_cast %get3A_872 : vector<256x1x128xf32> to vector<256x128xf32>
    %get3A_874 = arith.constant 67 : index
    %get3A_875 = arith.constant 0 : index
    %get3A_876 = arith.constant 0 : index
    %get3A_877 = vector.load %arg2[%get3A_874, %get3A_875, %get3A_876] : memref<80x128x256xf32, #tpu.memory_space<vmem>>, vector<1x128x256xf32>
    %get3A_878 = vector.shape_cast %get3A_877 : vector<1x128x256xf32> to vector<128x256xf32>
    %dot_general3A_879 = arith.constant dense<0.000000e+00> : vector<256x256xf32>
    %dot_general3A_880 = tpu.matmul %get3A_873, %get3A_878, %dot_general3A_879 {dimension_numbers = #tpu.dot_dimension_numbers<[1], [0], [0], [1], [0, 0, 1, 1], [], []>, transpose_lhs_hint = false} : vector<256x128xf32>, vector<128x256xf32>, vector<256x256xf32> -> vector<256x256xf32>
    %add3A_881 = arith.addf %add3A_868, %dot_general3A_880 : vector<256x256xf32>
    %get3A_882 = arith.constant 0 : index
    %get3A_883 = arith.constant 68 : index
    %get3A_884 = arith.constant 0 : index
    %get3A_885 = vector.load %arg1[%get3A_882, %get3A_883, %get3A_884] : memref<256x80x128xf32, #tpu.memory_space<vmem>>, vector<256x1x128xf32>
    %get3A_886 = vector.shape_cast %get3A_885 : vector<256x1x128xf32> to vector<256x128xf32>
    %get3A_887 = arith.constant 68 : index
    %get3A_888 = arith.constant 0 : index
    %get3A_889 = arith.constant 0 : index
    %get3A_890 = vector.load %arg2[%get3A_887, %get3A_888, %get3A_889] : memref<80x128x256xf32, #tpu.memory_space<vmem>>, vector<1x128x256xf32>
    %get3A_891 = vector.shape_cast %get3A_890 : vector<1x128x256xf32> to vector<128x256xf32>
    %dot_general3A_892 = arith.constant dense<0.000000e+00> : vector<256x256xf32>
    %dot_general3A_893 = tpu.matmul %get3A_886, %get3A_891, %dot_general3A_892 {dimension_numbers = #tpu.dot_dimension_numbers<[1], [0], [0], [1], [0, 0, 1, 1], [], []>, transpose_lhs_hint = false} : vector<256x128xf32>, vector<128x256xf32>, vector<256x256xf32> -> vector<256x256xf32>
    %add3A_894 = arith.addf %add3A_881, %dot_general3A_893 : vector<256x256xf32>
    %get3A_895 = arith.constant 0 : index
    %get3A_896 = arith.constant 69 : index
    %get3A_897 = arith.constant 0 : index
    %get3A_898 = vector.load %arg1[%get3A_895, %get3A_896, %get3A_897] : memref<256x80x128xf32, #tpu.memory_space<vmem>>, vector<256x1x128xf32>
    %get3A_899 = vector.shape_cast %get3A_898 : vector<256x1x128xf32> to vector<256x128xf32>
    %get3A_900 = arith.constant 69 : index
    %get3A_901 = arith.constant 0 : index
    %get3A_902 = arith.constant 0 : index
    %get3A_903 = vector.load %arg2[%get3A_900, %get3A_901, %get3A_902] : memref<80x128x256xf32, #tpu.memory_space<vmem>>, vector<1x128x256xf32>
    %get3A_904 = vector.shape_cast %get3A_903 : vector<1x128x256xf32> to vector<128x256xf32>
    %dot_general3A_905 = arith.constant dense<0.000000e+00> : vector<256x256xf32>
    %dot_general3A_906 = tpu.matmul %get3A_899, %get3A_904, %dot_general3A_905 {dimension_numbers = #tpu.dot_dimension_numbers<[1], [0], [0], [1], [0, 0, 1, 1], [], []>, transpose_lhs_hint = false} : vector<256x128xf32>, vector<128x256xf32>, vector<256x256xf32> -> vector<256x256xf32>
    %add3A_907 = arith.addf %add3A_894, %dot_general3A_906 : vector<256x256xf32>
    %get3A_908 = arith.constant 0 : index
    %get3A_909 = arith.constant 70 : index
    %get3A_910 = arith.constant 0 : index
    %get3A_911 = vector.load %arg1[%get3A_908, %get3A_909, %get3A_910] : memref<256x80x128xf32, #tpu.memory_space<vmem>>, vector<256x1x128xf32>
    %get3A_912 = vector.shape_cast %get3A_911 : vector<256x1x128xf32> to vector<256x128xf32>
    %get3A_913 = arith.constant 70 : index
    %get3A_914 = arith.constant 0 : index
    %get3A_915 = arith.constant 0 : index
    %get3A_916 = vector.load %arg2[%get3A_913, %get3A_914, %get3A_915] : memref<80x128x256xf32, #tpu.memory_space<vmem>>, vector<1x128x256xf32>
    %get3A_917 = vector.shape_cast %get3A_916 : vector<1x128x256xf32> to vector<128x256xf32>
    %dot_general3A_918 = arith.constant dense<0.000000e+00> : vector<256x256xf32>
    %dot_general3A_919 = tpu.matmul %get3A_912, %get3A_917, %dot_general3A_918 {dimension_numbers = #tpu.dot_dimension_numbers<[1], [0], [0], [1], [0, 0, 1, 1], [], []>, transpose_lhs_hint = false} : vector<256x128xf32>, vector<128x256xf32>, vector<256x256xf32> -> vector<256x256xf32>
    %add3A_920 = arith.addf %add3A_907, %dot_general3A_919 : vector<256x256xf32>
    %get3A_921 = arith.constant 0 : index
    %get3A_922 = arith.constant 71 : index
    %get3A_923 = arith.constant 0 : index
    %get3A_924 = vector.load %arg1[%get3A_921, %get3A_922, %get3A_923] : memref<256x80x128xf32, #tpu.memory_space<vmem>>, vector<256x1x128xf32>
    %get3A_925 = vector.shape_cast %get3A_924 : vector<256x1x128xf32> to vector<256x128xf32>
    %get3A_926 = arith.constant 71 : index
    %get3A_927 = arith.constant 0 : index
    %get3A_928 = arith.constant 0 : index
    %get3A_929 = vector.load %arg2[%get3A_926, %get3A_927, %get3A_928] : memref<80x128x256xf32, #tpu.memory_space<vmem>>, vector<1x128x256xf32>
    %get3A_930 = vector.shape_cast %get3A_929 : vector<1x128x256xf32> to vector<128x256xf32>
    %dot_general3A_931 = arith.constant dense<0.000000e+00> : vector<256x256xf32>
    %dot_general3A_932 = tpu.matmul %get3A_925, %get3A_930, %dot_general3A_931 {dimension_numbers = #tpu.dot_dimension_numbers<[1], [0], [0], [1], [0, 0, 1, 1], [], []>, transpose_lhs_hint = false} : vector<256x128xf32>, vector<128x256xf32>, vector<256x256xf32> -> vector<256x256xf32>
    %add3A_933 = arith.addf %add3A_920, %dot_general3A_932 : vector<256x256xf32>
    %get3A_934 = arith.constant 0 : index
    %get3A_935 = arith.constant 72 : index
    %get3A_936 = arith.constant 0 : index
    %get3A_937 = vector.load %arg1[%get3A_934, %get3A_935, %get3A_936] : memref<256x80x128xf32, #tpu.memory_space<vmem>>, vector<256x1x128xf32>
    %get3A_938 = vector.shape_cast %get3A_937 : vector<256x1x128xf32> to vector<256x128xf32>
    %get3A_939 = arith.constant 72 : index
    %get3A_940 = arith.constant 0 : index
    %get3A_941 = arith.constant 0 : index
    %get3A_942 = vector.load %arg2[%get3A_939, %get3A_940, %get3A_941] : memref<80x128x256xf32, #tpu.memory_space<vmem>>, vector<1x128x256xf32>
    %get3A_943 = vector.shape_cast %get3A_942 : vector<1x128x256xf32> to vector<128x256xf32>
    %dot_general3A_944 = arith.constant dense<0.000000e+00> : vector<256x256xf32>
    %dot_general3A_945 = tpu.matmul %get3A_938, %get3A_943, %dot_general3A_944 {dimension_numbers = #tpu.dot_dimension_numbers<[1], [0], [0], [1], [0, 0, 1, 1], [], []>, transpose_lhs_hint = false} : vector<256x128xf32>, vector<128x256xf32>, vector<256x256xf32> -> vector<256x256xf32>
    %add3A_946 = arith.addf %add3A_933, %dot_general3A_945 : vector<256x256xf32>
    %get3A_947 = arith.constant 0 : index
    %get3A_948 = arith.constant 73 : index
    %get3A_949 = arith.constant 0 : index
    %get3A_950 = vector.load %arg1[%get3A_947, %get3A_948, %get3A_949] : memref<256x80x128xf32, #tpu.memory_space<vmem>>, vector<256x1x128xf32>
    %get3A_951 = vector.shape_cast %get3A_950 : vector<256x1x128xf32> to vector<256x128xf32>
    %get3A_952 = arith.constant 73 : index
    %get3A_953 = arith.constant 0 : index
    %get3A_954 = arith.constant 0 : index
    %get3A_955 = vector.load %arg2[%get3A_952, %get3A_953, %get3A_954] : memref<80x128x256xf32, #tpu.memory_space<vmem>>, vector<1x128x256xf32>
    %get3A_956 = vector.shape_cast %get3A_955 : vector<1x128x256xf32> to vector<128x256xf32>
    %dot_general3A_957 = arith.constant dense<0.000000e+00> : vector<256x256xf32>
    %dot_general3A_958 = tpu.matmul %get3A_951, %get3A_956, %dot_general3A_957 {dimension_numbers = #tpu.dot_dimension_numbers<[1], [0], [0], [1], [0, 0, 1, 1], [], []>, transpose_lhs_hint = false} : vector<256x128xf32>, vector<128x256xf32>, vector<256x256xf32> -> vector<256x256xf32>
    %add3A_959 = arith.addf %add3A_946, %dot_general3A_958 : vector<256x256xf32>
    %get3A_960 = arith.constant 0 : index
    %get3A_961 = arith.constant 74 : index
    %get3A_962 = arith.constant 0 : index
    %get3A_963 = vector.load %arg1[%get3A_960, %get3A_961, %get3A_962] : memref<256x80x128xf32, #tpu.memory_space<vmem>>, vector<256x1x128xf32>
    %get3A_964 = vector.shape_cast %get3A_963 : vector<256x1x128xf32> to vector<256x128xf32>
    %get3A_965 = arith.constant 74 : index
    %get3A_966 = arith.constant 0 : index
    %get3A_967 = arith.constant 0 : index
    %get3A_968 = vector.load %arg2[%get3A_965, %get3A_966, %get3A_967] : memref<80x128x256xf32, #tpu.memory_space<vmem>>, vector<1x128x256xf32>
    %get3A_969 = vector.shape_cast %get3A_968 : vector<1x128x256xf32> to vector<128x256xf32>
    %dot_general3A_970 = arith.constant dense<0.000000e+00> : vector<256x256xf32>
    %dot_general3A_971 = tpu.matmul %get3A_964, %get3A_969, %dot_general3A_970 {dimension_numbers = #tpu.dot_dimension_numbers<[1], [0], [0], [1], [0, 0, 1, 1], [], []>, transpose_lhs_hint = false} : vector<256x128xf32>, vector<128x256xf32>, vector<256x256xf32> -> vector<256x256xf32>
    %add3A_972 = arith.addf %add3A_959, %dot_general3A_971 : vector<256x256xf32>
    %get3A_973 = arith.constant 0 : index
    %get3A_974 = arith.constant 75 : index
    %get3A_975 = arith.constant 0 : index
    %get3A_976 = vector.load %arg1[%get3A_973, %get3A_974, %get3A_975] : memref<256x80x128xf32, #tpu.memory_space<vmem>>, vector<256x1x128xf32>
    %get3A_977 = vector.shape_cast %get3A_976 : vector<256x1x128xf32> to vector<256x128xf32>
    %get3A_978 = arith.constant 75 : index
    %get3A_979 = arith.constant 0 : index
    %get3A_980 = arith.constant 0 : index
    %get3A_981 = vector.load %arg2[%get3A_978, %get3A_979, %get3A_980] : memref<80x128x256xf32, #tpu.memory_space<vmem>>, vector<1x128x256xf32>
    %get3A_982 = vector.shape_cast %get3A_981 : vector<1x128x256xf32> to vector<128x256xf32>
    %dot_general3A_983 = arith.constant dense<0.000000e+00> : vector<256x256xf32>
    %dot_general3A_984 = tpu.matmul %get3A_977, %get3A_982, %dot_general3A_983 {dimension_numbers = #tpu.dot_dimension_numbers<[1], [0], [0], [1], [0, 0, 1, 1], [], []>, transpose_lhs_hint = false} : vector<256x128xf32>, vector<128x256xf32>, vector<256x256xf32> -> vector<256x256xf32>
    %add3A_985 = arith.addf %add3A_972, %dot_general3A_984 : vector<256x256xf32>
    %get3A_986 = arith.constant 0 : index
    %get3A_987 = arith.constant 76 : index
    %get3A_988 = arith.constant 0 : index
    %get3A_989 = vector.load %arg1[%get3A_986, %get3A_987, %get3A_988] : memref<256x80x128xf32, #tpu.memory_space<vmem>>, vector<256x1x128xf32>
    %get3A_990 = vector.shape_cast %get3A_989 : vector<256x1x128xf32> to vector<256x128xf32>
    %get3A_991 = arith.constant 76 : index
    %get3A_992 = arith.constant 0 : index
    %get3A_993 = arith.constant 0 : index
    %get3A_994 = vector.load %arg2[%get3A_991, %get3A_992, %get3A_993] : memref<80x128x256xf32, #tpu.memory_space<vmem>>, vector<1x128x256xf32>
    %get3A_995 = vector.shape_cast %get3A_994 : vector<1x128x256xf32> to vector<128x256xf32>
    %dot_general3A_996 = arith.constant dense<0.000000e+00> : vector<256x256xf32>
    %dot_general3A_997 = tpu.matmul %get3A_990, %get3A_995, %dot_general3A_996 {dimension_numbers = #tpu.dot_dimension_numbers<[1], [0], [0], [1], [0, 0, 1, 1], [], []>, transpose_lhs_hint = false} : vector<256x128xf32>, vector<128x256xf32>, vector<256x256xf32> -> vector<256x256xf32>
    %add3A_998 = arith.addf %add3A_985, %dot_general3A_997 : vector<256x256xf32>
    %get3A_999 = arith.constant 0 : index
    %get3A_1000 = arith.constant 77 : index
    %get3A_1001 = arith.constant 0 : index
    %get3A_1002 = vector.load %arg1[%get3A_999, %get3A_1000, %get3A_1001] : memref<256x80x128xf32, #tpu.memory_space<vmem>>, vector<256x1x128xf32>
    %get3A_1003 = vector.shape_cast %get3A_1002 : vector<256x1x128xf32> to vector<256x128xf32>
    %get3A_1004 = arith.constant 77 : index
    %get3A_1005 = arith.constant 0 : index
    %get3A_1006 = arith.constant 0 : index
    %get3A_1007 = vector.load %arg2[%get3A_1004, %get3A_1005, %get3A_1006] : memref<80x128x256xf32, #tpu.memory_space<vmem>>, vector<1x128x256xf32>
    %get3A_1008 = vector.shape_cast %get3A_1007 : vector<1x128x256xf32> to vector<128x256xf32>
    %dot_general3A_1009 = arith.constant dense<0.000000e+00> : vector<256x256xf32>
    %dot_general3A_1010 = tpu.matmul %get3A_1003, %get3A_1008, %dot_general3A_1009 {dimension_numbers = #tpu.dot_dimension_numbers<[1], [0], [0], [1], [0, 0, 1, 1], [], []>, transpose_lhs_hint = false} : vector<256x128xf32>, vector<128x256xf32>, vector<256x256xf32> -> vector<256x256xf32>
    %add3A_1011 = arith.addf %add3A_998, %dot_general3A_1010 : vector<256x256xf32>
    %get3A_1012 = arith.constant 0 : index
    %get3A_1013 = arith.constant 78 : index
    %get3A_1014 = arith.constant 0 : index
    %get3A_1015 = vector.load %arg1[%get3A_1012, %get3A_1013, %get3A_1014] : memref<256x80x128xf32, #tpu.memory_space<vmem>>, vector<256x1x128xf32>
    %get3A_1016 = vector.shape_cast %get3A_1015 : vector<256x1x128xf32> to vector<256x128xf32>
    %get3A_1017 = arith.constant 78 : index
    %get3A_1018 = arith.constant 0 : index
    %get3A_1019 = arith.constant 0 : index
    %get3A_1020 = vector.load %arg2[%get3A_1017, %get3A_1018, %get3A_1019] : memref<80x128x256xf32, #tpu.memory_space<vmem>>, vector<1x128x256xf32>
    %get3A_1021 = vector.shape_cast %get3A_1020 : vector<1x128x256xf32> to vector<128x256xf32>
    %dot_general3A_1022 = arith.constant dense<0.000000e+00> : vector<256x256xf32>
    %dot_general3A_1023 = tpu.matmul %get3A_1016, %get3A_1021, %dot_general3A_1022 {dimension_numbers = #tpu.dot_dimension_numbers<[1], [0], [0], [1], [0, 0, 1, 1], [], []>, transpose_lhs_hint = false} : vector<256x128xf32>, vector<128x256xf32>, vector<256x256xf32> -> vector<256x256xf32>
    %add3A_1024 = arith.addf %add3A_1011, %dot_general3A_1023 : vector<256x256xf32>
    %get3A_1025 = arith.constant 0 : index
    %get3A_1026 = arith.constant 79 : index
    %get3A_1027 = arith.constant 0 : index
    %get3A_1028 = vector.load %arg1[%get3A_1025, %get3A_1026, %get3A_1027] : memref<256x80x128xf32, #tpu.memory_space<vmem>>, vector<256x1x128xf32>
    %get3A_1029 = vector.shape_cast %get3A_1028 : vector<256x1x128xf32> to vector<256x128xf32>
    %get3A_1030 = arith.constant 79 : index
    %get3A_1031 = arith.constant 0 : index
    %get3A_1032 = arith.constant 0 : index
    %get3A_1033 = vector.load %arg2[%get3A_1030, %get3A_1031, %get3A_1032] : memref<80x128x256xf32, #tpu.memory_space<vmem>>, vector<1x128x256xf32>
    %get3A_1034 = vector.shape_cast %get3A_1033 : vector<1x128x256xf32> to vector<128x256xf32>
    %dot_general3A_1035 = arith.constant dense<0.000000e+00> : vector<256x256xf32>
    %dot_general3A_1036 = tpu.matmul %get3A_1029, %get3A_1034, %dot_general3A_1035 {dimension_numbers = #tpu.dot_dimension_numbers<[1], [0], [0], [1], [0, 0, 1, 1], [], []>, transpose_lhs_hint = false} : vector<256x128xf32>, vector<128x256xf32>, vector<256x256xf32> -> vector<256x256xf32>
    %add3A_1037 = arith.addf %add3A_1024, %dot_general3A_1036 : vector<256x256xf32>
    %slice3A = vector.extract_strided_slice %add3A_1037 {offsets = [0, 0], sizes = [256, 128], strides = [1, 1]} : vector<256x256xf32> to vector<256x128xf32>
    %slice3A_1038 = vector.extract_strided_slice %add3A_1037 {offsets = [0, 128], sizes = [256, 1], strides = [1, 1]} : vector<256x256xf32> to vector<256x1xf32>
    %max3A = arith.constant 5.000000e-01 : f32
    %max3A_1039 = vector.broadcast %max3A : f32 to vector<256x1xf32>
    %max3A_1040 = arith.maximumf %slice3A_1038, %max3A_1039 : vector<256x1xf32>
    %div3A = vector.broadcast %max3A_1040 : vector<256x1xf32> to vector<256x128xf32>
    %div3A_1041 = arith.divf %slice3A, %div3A : vector<256x128xf32>
    %get3A_1042 = arith.constant 0 : index
    %get3A_1043 = arith.constant 0 : index
    %get3A_1044 = vector.load %arg3[%get3A_1042, %get3A_1043] : memref<128x128xf32, #tpu.memory_space<vmem>>, vector<128x128xf32>
    %dot_general3A_1045 = arith.constant dense<0.000000e+00> : vector<256x128xf32>
    %dot_general3A_1046 = tpu.matmul %div3A_1041, %get3A_1044, %dot_general3A_1045 {dimension_numbers = #tpu.dot_dimension_numbers<[1], [0], [0], [1], [0, 0, 1, 1], [], []>, transpose_lhs_hint = false} : vector<256x128xf32>, vector<128x128xf32>, vector<256x128xf32> -> vector<256x128xf32>
    %get3A_1047 = arith.constant 0 : index
    %get3A_1048 = arith.constant 0 : index
    %get3A_1049 = vector.load %arg4[%get3A_1047, %get3A_1048] : memref<1x128xf32, #tpu.memory_space<vmem>>, vector<1x128xf32>
    %add3A_1050 = vector.broadcast %get3A_1049 : vector<1x128xf32> to vector<256x128xf32>
    %add3A_1051 = arith.addf %dot_general3A_1046, %add3A_1050 : vector<256x128xf32>
    %swap3A = arith.constant 0 : index
    %swap3A_1052 = arith.constant 0 : index
    %swap3A_1053 = vector.load %arg5[%swap3A, %swap3A_1052] : memref<256x128xf32, #tpu.memory_space<vmem>>, vector<256x128xf32>
    tpu.vector_store %arg5[%swap3A, %swap3A_1052], %add3A_1051 {strides = array<i32>} : memref<256x128xf32, #tpu.memory_space<vmem>>, vector<256x128xf32>,
    return
  }
  func.func @transform_0(%arg0: i32) -> (i32, i32, i32) {
    %c0_i32 = arith.constant 0 : i32
    %c0_i32_0 = arith.constant 0 : i32
    %c0_i32_1 = arith.constant 0 : i32
    return %arg0, %c0_i32, %c0_i32_0 : i32, i32, i32
  }
  func.func @transform_1(%arg0: i32) -> (i32, i32, i32) {
    %c0_i32 = arith.constant 0 : i32
    %c0_i32_0 = arith.constant 0 : i32
    %c0_i32_1 = arith.constant 0 : i32
    %c0_i32_2 = arith.constant 0 : i32
    return %c0_i32, %c0_i32_0, %c0_i32_1 : i32, i32, i32
  }
  func.func @transform_2(%arg0: i32) -> (i32, i32) {
    %c0_i32 = arith.constant 0 : i32
    %c0_i32_0 = arith.constant 0 : i32
    %c0_i32_1 = arith.constant 0 : i32
    return %c0_i32, %c0_i32_0 : i32, i32
  }
  func.func @transform_3(%arg0: i32) -> (i32, i32) {
    %c0_i32 = arith.constant 0 : i32
    %c0_i32_0 = arith.constant 0 : i32
    %c0_i32_1 = arith.constant 0 : i32
    return %c0_i32, %c0_i32_0 : i32, i32
  }
  func.func @transform_4(%arg0: i32) -> (i32, i32) {
    %c0_i32 = arith.constant 0 : i32
    %c0_i32_0 = arith.constant 0 : i32
    return %arg0, %c0_i32 : i32, i32
  }
}

</mosaic_0001>

<sc_bundles>
// kernel: kernel.5.cloned.1.call-start
scs
__scs_entry_jumppad:
0x0: {  	(pc) =	sbr.rel $0x88, $3  }
0x1: {  	(tag) =	ssettag $0x0;
	lr =	simm.s32 $0x1  }
0x2: {  	[smem:$0x3F9B] =	sst lr;
	_ =	strace $0xD0000000  }
0x3: {  	_ = 	snop  }
0x4: {  	_ = 	snop  }
0x5: {  	_ = 	snop  }
0x6: {  	_ = 	snop  }
0x7: {  	_ = 	snop  }
__scs_overlays_trampoline_lowered:
0x8: {  	[smem:$0x3FAA] =	sst s0  }
0x9: {  	[smem:$0x3FAB] =	sst s1  }
0xa: {  	[smem:$0x3FAC] =	sst s2  }
0xb: {  	[smem:$0x3FAD] =	sst s3  }
0xc: {  	[smem:$0x3FAE] =	sst s4  }
0xd: {  	[smem:$0x3FAF] =	sst s5  }
0xe: {  	[smem:$0x3FB0] =	sst s6  }
0xf: {  	[smem:$0x3FB1] =	sst s7  }
0x10: {  	[smem:$0x3FB2] =	sst s8  }
0x11: {  	[smem:$0x3FB3] =	sst s9;
	s0 =	simm.s32 @!p0 $0x0  }
0x12: {  	s1 =	sld [smem:$0x3F99];
	s0 =	simm.s32 @p0 $0x1  }
0x13: {  	[smem:$0x3FB4] =	sst s0;
	s0 =	simm.s32 @!p1 $0x0  }
0x14: {  	s2 =	sld [smem:$0x3F98];
	s0 =	simm.s32 @p1 $0x1  }
0x15: {  	[smem:$0x3FB5] =	sst s0;
	s0 =	simm.s32 @!p2 $0x0  }
0x16: {  	s3 =	sld [smem:$0x3FDB];
	s0 =	simm.s32 @p2 $0x1  }
0x17: {  	s4 =	simm.s32 $0x1BF5;
	[smem:$0x3FB7] =	sst s0  }
0x18: {  	s0 =	sld [smem:$0x3F9A];
	_ =	swait.ge [sflag:s4], $0x0  }
0x19: {  	s7 =	sld [smem:$0x3F9B]  }
0x1a: {  	s8 =	sadd.s32 $0xFFFFE003, lr  }
0x1b: {  	s9 =	sadd.s32 $0xFFFFFEF7, lr;
	s5 =	simm.s32 $0xFFFFFFFF;
	p2 =	slt.u32 s8, $0xFFFFF086  }
0x1c: {  	p1 =	slt.u32 s9, $0xF7A;
	s5 =	simm.s32 @!p2 $0x0  }
0x1d: {  	s5 =	simm.s32 @p1 $0x1;
	p0 =	seq.s32 s7, s2  }
0x1e: {  	s7 =	smul.u32 @!p0 $0xF7A, s2;
	p2 =	seq.s32 @!p0 s5, $0x0  }
0x1f: {  	s9 =	smul.u32 $0xF7A, s1;
	s8 =	simm.s32 @!p0 $0x1BF5;
	p2 =	por !p2, p0  }
0x20: {  	[sflag:s8] =	ssyncset.s32 @!p0 $0xFFFFF086;
	s6 =	sadd.s32 @!p0 s3, s7;
	s7 =	simm.s32 @!p0 $0x108  }
0x21: {  	s3 =	sadd.s32 s3, s9;
	s6 =	sadd.s32 @!p0 $0x88, s6;
	s7 =	simm.s32 @p2 $0x1082  }
0x22: {  	[simem:s7], [sflag:s8] =	dma.local @!p0 [hbm:s6], $0xF7A  }
0x23: {  	s9 =	sor.u32 $0xD0000000, s2;
	s6 =	simm.s32 $0x108;
	_ =	swait.ge @!p0 [sflag:s8], $0x0  }
0x24: {  	s3 =	sadd.s32 $0x88, s3;
	s6 =	simm.s32 @!p1 $0x1082;
	[sflag:s4] =	ssyncset.s32 $0xFFFFF086  }
0x25: {  	[simem:s6], [sflag:s4] =	dma.local [hbm:s3], $0xF7A  }
0x26: {  	[smem:$0x3F9B] =	sst s1;
	(tag) =	ssettag s2;
	_ =	strace s9  }
0x27: {  	s1 =	sld [smem:$0x3FAB]  }
0x28: {  	s2 =	sld [smem:$0x3FAC]  }
0x29: {  	s4 =	sld [smem:$0x3FAE]  }
0x2a: {  	p0 =	seq.s32 s5, $0x0;
	s5 =	sld [smem:$0x3FAF]  }
0x2b: {  	s6 =	sld [smem:$0x3FB0]  }
0x2c: {  	s7 =	sld [smem:$0x3FB1]  }
0x2d: {  	s3 =	simm.s32 $0x108;
	s8 =	sld [smem:$0x3FB2]  }
0x2e: {  	s3 =	simm.s32 @!p0 $0x1082;
	s9 =	sld [smem:$0x3FB3]  }
0x2f: {  	lr =	sadd.s32 s0, s3;
	s0 =	sld [smem:$0x3FAA]  }
0x30: {  	s3 =	sld [smem:$0x3FAD]  }
0x31: {  	[smem:$0x3FB6] =	sst s10  }
0x32: {  	s10 =	sld [smem:$0x3FB4];
	_ =	sdelay $0x3  }
0x33: {  	p0 =	seq.s32 s10, $0x1;
	s10 =	sld [smem:$0x3FB6];
	_ =	sdelay $0x3  }
0x34: {  	[smem:$0x3FB6] =	sst s10  }
0x35: {  	s10 =	sld [smem:$0x3FB5];
	_ =	sdelay $0x3  }
0x36: {  	p1 =	seq.s32 s10, $0x1;
	s10 =	sld [smem:$0x3FB6];
	_ =	sdelay $0x3  }
0x37: {  	[smem:$0x3FB6] =	sst s10  }
0x38: {  	s10 =	sld [smem:$0x3FB7]  }
0x39: {  	_ = 	snop;
	(pc) =	sbr.ind lr, $3  }
0x3a: {  	_ = 	snop  }
0x3b: {  	_ = 	snop  }
0x3c: {  	p2 =	seq.s32 s10, $0x1;
	s10 =	sld [smem:$0x3FB6]  }
0x3d: {  	_ =	shalt  }
0x3e: {  	_ =	shalt  }
0x3f: {  	_ =	shalt  }
0x40: {  	_ =	shalt  }
0x41: {  	_ =	shalt  }
0x42: {  	_ =	shalt  }
0x43: {  	_ =	shalt  }
0x44: {  	_ =	shalt  }
0x45: {  	_ =	shalt  }
0x46: {  	_ =	shalt  }
0x47: {  	_ =	shalt  }
0x48: {  	_ =	shalt  }
0x49: {  	_ =	shalt  }
0x4a: {  	_ =	shalt  }
0x4b: {  	_ =	shalt  }
0x4c: {  	_ =	shalt  }
0x4d: {  	_ =	shalt  }
0x4e: {  	_ =	shalt  }
0x4f: {  	_ =	shalt  }
0x50: {  	_ =	shalt  }
0x51: {  	_ =	shalt  }
0x52: {  	_ =	shalt  }
0x53: {  	_ =	shalt  }
0x54: {  	_ =	shalt  }
0x55: {  	_ =	shalt  }
0x56: {  	_ =	shalt  }
0x57: {  	_ =	shalt  }
0x58: {  	_ =	shalt  }
0x59: {  	_ =	shalt  }
0x5a: {  	_ =	shalt  }
0x5b: {  	_ =	shalt  }
0x5c: {  	_ =	shalt  }
0x5d: {  	_ =	shalt  }
0x5e: {  	_ =	shalt  }
0x5f: {  	_ =	shalt  }
0x60: {  	_ =	shalt  }
0x61: {  	_ =	shalt  }
0x62: {  	_ =	shalt  }
0x63: {  	_ =	shalt  }
0x64: {  	_ =	shalt  }
0x65: {  	_ =	shalt  }
0x66: {  	_ =	shalt  }
0x67: {  	_ =	shalt  }
0x68: {  	_ =	shalt  }
0x69: {  	_ =	shalt  }
0x6a: {  	_ =	shalt  }
0x6b: {  	_ =	shalt  }
0x6c: {  	_ =	shalt  }
0x6d: {  	_ =	shalt  }
0x6e: {  	_ =	shalt  }
0x6f: {  	_ =	shalt  }
0x70: {  	_ =	shalt  }
0x71: {  	_ =	shalt  }
0x72: {  	_ =	shalt  }
0x73: {  	_ =	shalt  }
0x74: {  	_ =	shalt  }
0x75: {  	_ =	shalt  }
0x76: {  	_ =	shalt  }
0x77: {  	_ =	shalt  }
0x78: {  	_ =	shalt  }
0x79: {  	_ =	shalt  }
0x7a: {  	_ =	shalt  }
0x7b: {  	_ =	shalt  }
0x7c: {  	_ =	shalt  }
0x7d: {  	_ =	shalt  }
0x7e: {  	_ =	shalt  }
0x7f: {  	_ =	shalt  }
0x80: {  	_ =	shalt  }
0x81: {  	_ =	shalt  }
0x82: {  	_ =	shalt  }
0x83: {  	_ =	shalt  }
0x84: {  	_ =	shalt  }
0x85: {  	_ =	shalt  }
0x86: {  	_ =	shalt  }
0x87: {  	_ =	shalt  }
.Lfunc_end0:
.L_simem_size_0:
called_computation_lowered:
.L_overlay_start_0:
0x88: {  	s2 =	sld [smem:$0x3FD9]  }
0x89: {  	s3 =	sld [smem:$0x3FFE];
	_ =	sdelay $0x1  }
0x8a: {  	s1 =	srdreg.scid  }
0x8b: {  	s0 =	sand.u32 $0x1, s1  }
0x8c: {  	s17 =	sshll.u32 s0, $0xA;
	s2 =	sadd.s32 s3, s2  }
0x8d: {  	s2 =	sadd.s32 s2, s17  }
0x8e: {  	[smem:$0x3FC2] =	sst s2  }
0x8f: {  	_ = 	snop  }
0x90: {  	s2 =	sld [smem:$0x3FD0];
	(tm) =	ssettm $0x1  }
0x91: {  	s18 =	sld [smem:$0x3FFB];
	_ =	sdelay $0x3  }
0x92: {  	_ =	strace s18  }
0x93: {  	s3 =	sld [smem:$0x3FFC];
	_ =	sdelay $0x3  }
0x94: {  	_ =	strace s3  }
0x95: {  	s3 =	sld [smem:$0x3FFD];
	_ =	sdelay $0x3  }
0x96: {  	_ =	strace s3  }
0x97: {  	_ =	strace $0x8FFFFFFF  }
0x98: {  	s19 =	sld [smem:$0x3FDB];
	_ =	sdelay $0x1  }
0x99: {  	s4 =	simm.s32 $_scs_section_size  }
0x9a: {  	s5 =	simm.s32 $_size__tile_overlayer_lowered;
	s6 =	simm.s32 $_tile_overlayer_lowered  }
0x9b: {  	s22 =	simm.s32 $0x1BFF;
	s21 =	sshll.u32 s6, $0x1;
	s3 =	sadd.s32 s4, s19  }
0x9c: {  	s7 =	simm.s32 $0x0;
	s20 =	sshll.u32 s5, $0x1;
	s5 =	sadd.s32 s21, s3  }
0x9d: {  	[timem:s7], [sflag:s22] =	dma.local [hbm:s5], s20  }
0x9e: {  	_ =	swait.ge [sflag:s22], s20  }
0x9f: {  	s4 =	ssub.s32 $0x0, s20;
	[sflag:s22] =	ssyncset.done $0x0  }
0xa0: {  	[sflag:s22] =	ssyncadd.s32 s4;
	_ =	sdelay $0x1  }
0xa1: {  	s23 =	simm.s32 $0x1B8B  }
0xa2: {  	_ =	swait.ge [sflag:s23], $0x1  }
0xa3: {  	[sflag:s23] =	ssyncset.done $0x0  }
0xa4: {  	s25 =	simm.s32 $0x1B8E;
	s24 =	sld [smem:$0x3FFE];
	[sflag:s23] =	ssyncadd.s32 $0xFFFFFFFF  }
0xa5: {  	s26 =	simm.s32 $execute0_lowered;
	[smem:$0x3FD2] =	sst s25  }
0xa6: {  	s5 =	sshll.u32 s26, $0x1;
	_ =	strace $0x80000046;
	[dreg:$0x1] =	wrdreg $0xFFFFFFFF  }
0xa7: {  	s28 =	simm.s32 $_size_execute0_lowered;
	s3 =	sadd.s32 s3, s5;
	[dreg:$0x0] =	wrdreg $0x0  }
0xa8: {  	s5 =	sshll.u32 s28, $0x1;
	[dreg:$0x2] =	wrdreg s3  }
0xa9: {  	[dreg:$0x3] =	wrdreg s5  }
0xaa: {  	[dreg:$0x4] =	wrdreg $0xC0  }
0xab: {  	_ =	task [dreg:s7], $0x5FFFF  }
0xac: {  	[dreg:$0x1] =	wrdreg $0xFFFFFFFF  }
0xad: {  	[dreg:$0x0] =	wrdreg $0x60  }
0xae: {  	[dreg:$0x2] =	wrdreg s2  }
0xaf: {  	[dreg:$0x3] =	wrdreg s24  }
0xb0: {  	[dreg:$0x4] =	wrdreg $0x9  }
0xb1: {  	_ =	task.clear_ibuf [dreg:s7], $0x5FFFF;
	_ =	strace $0x90000046  }
0xb2: {  	s29 =	simm.s32 $0x9;
	_ =	strace $0x80000048  }
0xb3: {  	_ =	swait.ge [sflag:s29], $0x1  }
0xb4: {  	[sflag:s29] =	ssyncadd.s32 $0xFFFFFFFF  }
0xb5: {  	_ =	strace $0x90000048  }
0xb6: {  	_ =	sfence  }
0xb7: {  	s30 =	sld [smem:$0x0];
	_ =	sdelay $0x2  }
0xb8: {  	s31 =	sshll.u32 s1, $0xD;
	s1 =	sshrl.u32 s1, $0x2  }
0xb9: {  	s3 =	sand.u32 $0x4000, s31;
	s1 =	sadd.s32 s1, s30  }
0xba: {  	s0 =	sor.u32 s3, s0;
	s1 =	sshll.u32 s1, $0x11  }
0xbb: {  	s0 =	sor.u32 s1, s0  }
0xbc: {  	s0 =	sadd.s32 $0x8F2B, s0  }
0xbd: {  	[sflag:s0] =	ssyncadd.remote.s32 $0x1  }
0xbe: {  	_ =	sfence.sel $0xFFFF  }
0xbf: {  	[dreg:$0x0] =	wrdreg $0xFFFFFFFF;
	(pc) =	sbr.abs _section_cstart, $3  }
0xc0: {  	[dreg:$0x1] =	wrdreg $0xFFFFFFFF  }
0xc1: {  	_ =	task.clear_ibuf [dreg:s7], $0x2FFFF;
	_ =	strace $0x9FFFFFFF  }
0xc2: {  	(tm) =	ssettm $0x7FFFFFFF  }
0xc3: {  	_ =	shalt  }
tec
execute0_lowered:
.L_overlay_start_1:
0x0: {  	(tag) =	ssettag $0x1  }
0x1: {  	s4 =	rddreg [dreg:$0x0]  }
0x2: {  	s3 =	rddreg [dreg:$0x1];
	s1 =	srdreg.scid  }
0x3: {  	s0 =	stileid.u32;
	s9 =	simm.s32 $0x2;
	s10 =	simm.s32 $0x4F80  }
0x4: {  	s11 =	simm.s32 $0x9F00;
	s12 =	simm.s32 $0xEE80;
	s13 =	simm.s32 $0x1  }
0x5: {  	s14 =	simm.s32 $0x0;
	s5 =	sand.u32 $0x1, s1;
	s29 =	sshrl.u32 s0, $0x2  }
0x6: {  	s2 =	sshll.u32 s0, $0x8;
	s1 =	rddreg [dreg:$0x2];
	s6 =	smul.u32 $0x27C00, s29  }
0x7: {  	s7 =	sshll.u32 s5, $0x7;
	s8 =	sand.u32 $0x300, s2;
	s2 =	simm.s32 $0x0  }
0x8: {  	s5 =	ssub.s32 $0x2, s5;
	s7 =	sor.u32 s7, s8;
	[smem:$0x7FF] =	sst s2  }
0x9: {  	s31 =	sshrl.u32 s5, $0x1;
	s6 =	sor.u32 s6, s7;
	_ =	strace $0x80000047  }
0xa: {  	s8 =	ssub.s32 s5, s31;
	s7 =	simm.s32 $0x80;
	s6 =	sshrl.u32 s6, $0x3  }
0xb: {  	s30 =	sadd.s32 s6, s3;
	s3 =	sadd.s32 $0x14600, s3;
	s4 =	sadd.s32 s4, s6  }
0xc: {  	v0 =	vimm.f32 $1.000000000e+00;
	s6 =	smax.u32 s8, $0x1;
	s8 =	simm.s32 $0x400;
	s5 =	sadd.s32 $0x800, s30  }
.LBB2_1:
0xd: {  	[tilespmem:s2], [sflag:$0x2] =	stream.strided.gather [hbm4b:s4+s7], $0x4F80, s8, s7, $0x38;
	[tilespmem:$0x13E00] =	vst v63  }
0xe: {  	_ =	swait.ge [sflag:s9], $0x4F80  }
0xf: {  	[sflag:s9] =	ssyncset.done $0x0  }
0x10: {  	[sflag:s9] =	ssyncadd.s32 $0xFFFFB080  }
0x11: {  	[tilespmem:s10], [sflag:$0x2] =	stream.strided.gather [hbm4b:s5+s7], $0x4F80, s8, s7, $0x38;
	[tilespmem:$0x13E00] =	vst v63  }
0x12: {  	_ =	swait.ge [sflag:s9], $0x4F80  }
0x13: {  	[sflag:s9] =	ssyncset.done $0x0  }
0x14: {  	s15 =	simm.s32 $0x40;
	[sflag:s9] =	ssyncadd.s32 $0xFFFFB080  }
0x15: {  	v1 =	vld [tilespmem:s15+$0xFFFFFFC0]  }
0x16: {  	s16 =	simm.s32 $0x4FC0  }
0x17: {  	v2 =	vld [tilespmem:s16+$0xFFFFFFC0];
	_ =	sdelay $0x2  }
0x18: {  	v1 =	vmul.u32 $0x2800, v1;
	_ =	sdelay $0x1  }
0x19: {  	s19 =	simm.s32 $0x9F40;
	v1 =	vadd.s32 v2, v1  }
0x1a: {  	s17 =	simm.s32 $0xEEC0;
	[tilespmem:s19+$0xFFFFFFC0] =	vst v1  }
0x1b: {  	[tilespmem:s17+$0xFFFFFFC0] =	vst v0  }
0x1c: {  	v1 =	vld [tilespmem:s15+$0xFFFFFFD0];
	_ =	sdelay $0x1  }
0x1d: {  	v2 =	vld [tilespmem:s16+$0xFFFFFFD0];
	_ =	sdelay $0x2  }
0x1e: {  	v1 =	vmul.u32 $0x2800, v1;
	_ =	sdelay $0x1  }
0x1f: {  	v1 =	vadd.s32 v2, v1  }
0x20: {  	[tilespmem:s19+$0xFFFFFFD0] =	vst v1  }
0x21: {  	[tilespmem:s17+$0xFFFFFFD0] =	vst v0  }
0x22: {  	v1 =	vld [tilespmem:s15+$0xFFFFFFE0];
	_ =	sdelay $0x1  }
0x23: {  	v2 =	vld [tilespmem:s16+$0xFFFFFFE0];
	_ =	sdelay $0x2  }
0x24: {  	v1 =	vmul.u32 $0x2800, v1;
	_ =	sdelay $0x1  }
0x25: {  	v1 =	vadd.s32 v2, v1  }
0x26: {  	[tilespmem:s19+$0xFFFFFFE0] =	vst v1  }
0x27: {  	[tilespmem:s17+$0xFFFFFFE0] =	vst v0  }
0x28: {  	v1 =	vld [tilespmem:s15+$0xFFFFFFF0];
	_ =	sdelay $0x1  }
0x29: {  	v2 =	vld [tilespmem:s16+$0xFFFFFFF0];
	_ =	sdelay $0x2  }
0x2a: {  	v1 =	vmul.u32 $0x2800, v1;
	_ =	sdelay $0x1  }
0x2b: {  	v1 =	vadd.s32 v2, v1  }
0x2c: {  	[tilespmem:s19+$0xFFFFFFF0] =	vst v1  }
0x2d: {  	[tilespmem:s17+$0xFFFFFFF0] =	vst v0  }
0x2e: {  	v1 =	vld [tilespmem:s15+$0x0];
	_ =	sdelay $0x1  }
0x2f: {  	v2 =	vld [tilespmem:s16+$0x0];
	_ =	sdelay $0x2  }
0x30: {  	v1 =	vmul.u32 $0x2800, v1;
	_ =	sdelay $0x1  }
0x31: {  	v1 =	vadd.s32 v2, v1  }
0x32: {  	[tilespmem:s19+$0x0] =	vst v1  }
0x33: {  	[tilespmem:s17+$0x0] =	vst v0  }
0x34: {  	v1 =	vld [tilespmem:s15+$0x10];
	_ =	sdelay $0x1  }
0x35: {  	v2 =	vld [tilespmem:s16+$0x10];
	_ =	sdelay $0x2  }
0x36: {  	v1 =	vmul.u32 $0x2800, v1;
	_ =	sdelay $0x1  }
0x37: {  	v1 =	vadd.s32 v2, v1  }
0x38: {  	[tilespmem:s19+$0x10] =	vst v1  }
0x39: {  	[tilespmem:s17+$0x10] =	vst v0  }
0x3a: {  	v1 =	vld [tilespmem:s15+$0x20];
	_ =	sdelay $0x1  }
0x3b: {  	v2 =	vld [tilespmem:s16+$0x20];
	_ =	sdelay $0x2  }
0x3c: {  	v1 =	vmul.u32 $0x2800, v1;
	_ =	sdelay $0x1  }
0x3d: {  	v1 =	vadd.s32 v2, v1  }
0x3e: {  	[tilespmem:s19+$0x20] =	vst v1  }
0x3f: {  	[tilespmem:s17+$0x20] =	vst v0  }
0x40: {  	v1 =	vld [tilespmem:s15+$0x30];
	_ =	sdelay $0x1  }
0x41: {  	v2 =	vld [tilespmem:s16+$0x30];
	_ =	sdelay $0x2  }
0x42: {  	v1 =	vmul.u32 $0x2800, v1;
	_ =	sdelay $0x1  }
0x43: {  	v1 =	vadd.s32 v2, v1  }
0x44: {  	s18 =	simm.s32 $0x0;
	s20 =	simm.s32 $0xEF40;
	[tilespmem:s19+$0x30] =	vst v1;
	s19 =	simm.s32 $0x9FC0  }
.LBB2_2:
0x45: {  	s18 =	sadd.s32 $0x8, s18;
	[tilespmem:s17+$0x30] =	vst v0;
	s15 =	sadd.s32 $0x80, s15;
	s16 =	sadd.s32 $0x80, s16  }
0x46: {  	s17 =	smov.u32 s20;
	v1 =	vld [tilespmem:s15+$0xFFFFFFC0];
	p0 =	slt.u32 s18, $0x4F0;
	_ =	sdelay $0x1  }
0x47: {  	v2 =	vld [tilespmem:s16+$0xFFFFFFC0];
	_ =	sdelay $0x2  }
0x48: {  	v1 =	vmul.u32 $0x2800, v1;
	_ =	sdelay $0x1  }
0x49: {  	v1 =	vadd.s32 v2, v1  }
0x4a: {  	[tilespmem:s19+$0xFFFFFFC0] =	vst v1  }
0x4b: {  	[tilespmem:s20+$0xFFFFFFC0] =	vst v0  }
0x4c: {  	v1 =	vld [tilespmem:s15+$0xFFFFFFD0];
	_ =	sdelay $0x1  }
0x4d: {  	v2 =	vld [tilespmem:s16+$0xFFFFFFD0];
	_ =	sdelay $0x2  }
0x4e: {  	v1 =	vmul.u32 $0x2800, v1;
	_ =	sdelay $0x1  }
0x4f: {  	v1 =	vadd.s32 v2, v1  }
0x50: {  	[tilespmem:s19+$0xFFFFFFD0] =	vst v1  }
0x51: {  	[tilespmem:s20+$0xFFFFFFD0] =	vst v0  }
0x52: {  	v1 =	vld [tilespmem:s15+$0xFFFFFFE0];
	_ =	sdelay $0x1  }
0x53: {  	v2 =	vld [tilespmem:s16+$0xFFFFFFE0];
	_ =	sdelay $0x2  }
0x54: {  	v1 =	vmul.u32 $0x2800, v1;
	_ =	sdelay $0x1  }
0x55: {  	v1 =	vadd.s32 v2, v1  }
0x56: {  	[tilespmem:s19+$0xFFFFFFE0] =	vst v1  }
0x57: {  	[tilespmem:s20+$0xFFFFFFE0] =	vst v0  }
0x58: {  	v1 =	vld [tilespmem:s15+$0xFFFFFFF0];
	_ =	sdelay $0x1  }
0x59: {  	v2 =	vld [tilespmem:s16+$0xFFFFFFF0];
	_ =	sdelay $0x2  }
0x5a: {  	v1 =	vmul.u32 $0x2800, v1;
	_ =	sdelay $0x1  }
0x5b: {  	v1 =	vadd.s32 v2, v1  }
0x5c: {  	[tilespmem:s19+$0xFFFFFFF0] =	vst v1  }
0x5d: {  	[tilespmem:s20+$0xFFFFFFF0] =	vst v0  }
0x5e: {  	v1 =	vld [tilespmem:s15+$0x0];
	_ =	sdelay $0x1  }
0x5f: {  	v2 =	vld [tilespmem:s16+$0x0];
	_ =	sdelay $0x2  }
0x60: {  	v1 =	vmul.u32 $0x2800, v1;
	_ =	sdelay $0x1  }
0x61: {  	v1 =	vadd.s32 v2, v1  }
0x62: {  	[tilespmem:s19+$0x0] =	vst v1  }
0x63: {  	[tilespmem:s20+$0x0] =	vst v0  }
0x64: {  	v1 =	vld [tilespmem:s15+$0x10]  }
0x65: {  	v2 =	vld [tilespmem:s16+$0x10];
	_ =	sdelay $0x3  }
0x66: {  	v1 =	vmul.u32 $0x2800, v1;
	_ =	sdelay $0x1  }
0x67: {  	v1 =	vadd.s32 v2, v1  }
0x68: {  	[tilespmem:s19+$0x10] =	vst v1  }
0x69: {  	[tilespmem:s20+$0x10] =	vst v0  }
0x6a: {  	v1 =	vld [tilespmem:s15+$0x20]  }
0x6b: {  	v2 =	vld [tilespmem:s16+$0x20];
	_ =	sdelay $0x3  }
0x6c: {  	v1 =	vmul.u32 $0x2800, v1;
	_ =	sdelay $0x1  }
0x6d: {  	v1 =	vadd.s32 v2, v1  }
0x6e: {  	[tilespmem:s19+$0x20] =	vst v1  }
0x6f: {  	[tilespmem:s20+$0x20] =	vst v0  }
0x70: {  	v1 =	vld [tilespmem:s15+$0x30]  }
0x71: {  	v2 =	vld [tilespmem:s16+$0x30];
	_ =	sdelay $0x2  }
.Ltmp0:
0x72: {  	(pc) =	sbr.rel @p0 .LBB2_2-.Ltmp0, $3  }
0x73: {  	v1 =	vmul.u32 $0x2800, v1;
	_ =	sdelay $0x1  }
0x74: {  	v1 =	vadd.s32 v2, v1  }
0x75: {  	s20 =	sadd.s32 $0x80, s20;
	[tilespmem:s19+$0x30] =	vst v1;
	s19 =	sadd.s32 $0x80, s19  }
0x76: {  	s14 =	sadd.s32 $0x1, s14  }
0x77: {  	p0 =	sne.s32 s14, s6  }
.Ltmp1:
0x78: {  	[tilespmem:s17+$0x30] =	vst v0;
	(pc) =	sbr.rel @p0 .LBB2_1-.Ltmp1, $4  }
0x79: {  	[hbm4b:s3+s10] =	stream.indirect.scatter [tilespmem:s12], [sflag:$0x1], $0x1, s11, s10, $0xb8;
	[tilespmem:$0x13E00] =	vst v63  }
0x7a: {  	_ =	swait.ge [sflag:s13], $0x4F80  }
0x7b: {  	[sflag:s13] =	ssyncset.done $0x0  }
0x7c: {  	[sflag:s13] =	ssyncadd.s32 $0xFFFFB080  }
0x7d: {  	_ =	sfence.sel $0x180000  }
0x7e: {  	[bflag:$0x0] =	sbarrier.arrive $0xFFFF  }
0x7f: {  	p0 =	sne.s32 s0, $0x0;
	_ =	strace $0x90000047  }
0x80: {  	s0 =	sadd.s32 @!p0 $0x100000, s1;
	[bflag:$0x2] =	sbarrier.arrive $0xFFFF  }
0x81: {  	[sflag:s0] =	ssyncadd.tile.s32 @!p0 $0x1;
	_ =	shalt  }
.Lfunc_end2:
_tile_overlayer_lowered:
.L_overlay_start_2:
0x82: {  	(tag) =	ssettag $0x2  }
0x83: {  	s0 =	rddreg [dreg:$0x0];
	s2 =	stileid.u32  }
0x84: {  	s1 =	rddreg [dreg:$0x1];
	p0 =	sne.s32 s2, $0x0  }
0x85: {  	s3 =	rddreg [dreg:$0x2];
	[bflag:$0x3] =	sbarrier.arrive $0xFFFF;
	s2 =	simm.s32 @!p0 $0x1C02  }
0x86: {  	[timem:s3], [sflag:s2] =	dma.local @!p0 [hbm:s0], s1  }
0x87: {  	s0 =	simm.s32 @!p0 $0x2  }
0x88: {  	_ =	swait.ge @!p0 [sflag:s0], s1  }
0x89: {  	s1 =	ssub.s32 @!p0 $0x0, s1;
	[sflag:s0] =	ssyncset.done @!p0 $0x0  }
0x8a: {  	[sflag:s0] =	ssyncadd.s32 @!p0 s1  }
0x8b: {  	[bflag:$0x3] =	sbarrier.arrive $0xFFFF  }
0x8c: {  	_ =	shalt  }

</sc_bundles>
